<compile_context>
chip_gen: v7x
topology: tpu7x:2x2x1
jax: 0.10.2.dev20260603
libtpu: 0.0.44.dev20260713+nightly
codegen_flags: <defaults>
</compile_context>

<pallas_src>
import functools

import jax
import jax.numpy as jnp
from jax import lax
from jax.experimental import pallas as pl
from jax.experimental.pallas import tpu as pltpu
from jax.experimental.pallas import tpu_sc as plsc

B, D1, D2 = 4, 4096, 2048
NC, NS, L = 2, 16, 16
NW = NC * NS
CPB = 128
NBLK = D2 // CPB
NBLK_SC = 8
NBLK_TC = NBLK - NBLK_SC
NG = CPB // L
NTASK = B * NBLK_SC
TPW = -(-NTASK // NW)
CHUNK = 256
NCHUNK = D1 // CHUNK


def _argmin_sc(x):
    mesh = plsc.VectorSubcoreMesh(core_axis_name="c", subcore_axis_name="s")

    @functools.partial(
        pl.kernel,
        mesh=mesh,
        out_type=jax.ShapeDtypeStruct((B * NBLK_SC * CPB,), jnp.int32),
        scratch_types=[
            pltpu.VMEM((CHUNK, CPB), jnp.float32),
            pltpu.VMEM((CHUNK, CPB), jnp.float32),
            pltpu.VMEM((CPB,), jnp.int32),
            pltpu.SemaphoreType.DMA,
            pltpu.SemaphoreType.DMA,
        ],
    )
    def k(x_hbm, out_hbm, buf0, buf1, idx_v, sem0, sem1):
        wid = lax.axis_index("s") * NC + lax.axis_index("c")
        bufs = (buf0, buf1)
        sems = (sem0, sem1)

        for t in range(TPW):
            task = wid * TPW + t

            def run_task(task=task):
                b = task // NBLK_SC
                c0 = (NBLK_TC + task % NBLK_SC) * CPB

                def start(ch):
                    return pltpu.async_copy(
                        x_hbm.at[b, pl.ds(ch * CHUNK, CHUNK), pl.ds(c0, CPB)],
                        bufs[ch % 2], sems[ch % 2])

                handles = [None] * NCHUNK
                handles[0] = start(0)
                mins = tuple(jnp.full((L,), jnp.inf, jnp.float32)
                             for _ in range(NG))
                idxs = tuple(jnp.zeros((L,), jnp.int32) for _ in range(NG))
                for ch in range(NCHUNK):
                    if ch + 1 < NCHUNK:
                        handles[ch + 1] = start(ch + 1)
                    handles[ch].wait()
                    buf = bufs[ch % 2]
                    base = ch * CHUNK

                    def body(r, carry, buf=buf, base=base):
                        mins, idxs = carry
                        mins, idxs = list(mins), list(idxs)
                        rvec = jnp.full((L,), base + r, jnp.int32)
                        for j in range(NG):
                            v = buf[r, pl.ds(j * L, L)]
                            m = v < mins[j]
                            mins[j] = jnp.where(m, v, mins[j])
                            idxs[j] = jnp.where(m, rvec, idxs[j])
                        return tuple(mins), tuple(idxs)

                    mins, idxs = lax.fori_loop(0, CHUNK, body, (mins, idxs))
                for j in range(NG):
                    idx_v[pl.ds(j * L, L)] = idxs[j]
                pltpu.sync_copy(
                    idx_v,
                    out_hbm.at[pl.ds((b * NBLK_SC + task % NBLK_SC) * CPB,
                                     CPB)])

            if NTASK % NW == 0:
                run_task()
            else:
                @pl.when(task < NTASK)
                def _():
                    run_task()

    return k(x).reshape(B, NBLK_SC * CPB)


def _argmin_tc(x):
    def body(x_ref, o_ref):
        for b in range(B):
            xb = x_ref[b]
            minv = jnp.min(xb, axis=0, keepdims=True)
            iota = lax.broadcasted_iota(jnp.int32, (D1, CPB), 0)
            idx = jnp.min(jnp.where(xb == minv, iota, jnp.int32(D1)), axis=0)
            o_ref[b, :] = idx

    return pl.pallas_call(
        body,
        grid=(NBLK_TC,),
        in_specs=[pl.BlockSpec((B, D1, CPB), lambda c: (0, 0, c))],
        out_specs=pl.BlockSpec((B, CPB), lambda c: (0, c)),
        out_shape=jax.ShapeDtypeStruct((B, NBLK_TC * CPB), jnp.int32),
    )(x)


def kernel(x):
    sc = _argmin_sc(x)
    tc = jnp.argmin(x[:, :, :NBLK_TC * CPB], axis=1).astype(jnp.int32)
    return jnp.concatenate([tc, sc], axis=1)

# --- scband reference (transcript-rebuilt; emitter-appended) ---
"""Pipeline reference for scband-model-new-48515950575919 (READ-ONLY COPY).

The authoritative reference and input builder live on the scoring server;
editing this copy changes nothing except your own understanding.
"""

import jax, jax.numpy as jnp
import numpy as np

def setup_inputs(seed: int = 0) -> dict:
    key = jax.random.key(seed)
    x = jax.random.normal(key, (4, 4096, 2048), dtype=jnp.float32)
    return {"x": x}

def reference(x):
    # Faithful translation of the CUDA kernel: argmin along dim 1 of [B, d1, d2],
    # first-occurrence tie-breaking (strict '<' comparison), int32 output [B, d2].
    return jnp.argmin(x, axis=1).astype(jnp.int32)

if __name__ == "__main__":
    import jax
    _d = setup_inputs()
    print(jax.jit(kernel)(*tuple(_d.values())))

</pallas_src>

<mosaic_0001>
#map = affine_map<(d0, d1) -> (0, 0, 0)>
#map1 = affine_map<(d0, d1) -> (0)>
module attributes {stable_mosaic.version = 14 : i64} {
  func.func @k(%arg0: i32, %arg1: i32, %arg2: memref<4x4096x2048xf32, #tpu.memory_space<hbm>>, %arg3: memref<4096xi32, #tpu.memory_space<hbm>>, %arg4: memref<256x128xf32, #tpu.memory_space<vmem>>, %arg5: memref<256x128xf32, #tpu.memory_space<vmem>>, %arg6: memref<128xi32, #tpu.memory_space<vmem>>, %arg7: memref<!tpu.dma_semaphore, #tpu.memory_space<semaphore_mem>>, %arg8: memref<!tpu.dma_semaphore, #tpu.memory_space<semaphore_mem>>) attributes {dimension_semantics = [#tpu.dimension_semantics<core_parallel>, #tpu.dimension_semantics<subcore_parallel>], iteration_bounds = array<i64: 2, 16>, scalar_prefetch = 0 : i64, scratch_operands = 5 : i64, tpu.core_type = #tpu.core_type<sc_vector_subcore>, window_params = [{transform_indices = #map}, {transform_indices = #map1}]} {
    %mul3A = arith.constant 2 : i32
    %mul3A_0 = arith.muli %arg1, %mul3A : i32
    %add3A = arith.addi %mul3A_0, %arg0 : i32
    %mul3A_1 = arith.constant 1 : i32
    %mul3A_2 = arith.muli %add3A, %mul3A_1 : i32
    %add3A_3 = arith.constant 0 : i32
    %add3A_4 = arith.addi %mul3A_2, %add3A_3 : i32
    %jit3A = arith.constant 8 : i32
    %div3A = arith.divsi %add3A_4, %jit3A : i32
    %sign3A = arith.constant 0 : i32
    %sign3A_5 = arith.cmpi sgt, %add3A_4, %sign3A : i32
    %sign3A_6 = arith.extui %sign3A_5 : i1 to i32
    %sign3A_7 = arith.constant 0 : i32
    %sign3A_8 = arith.cmpi slt, %add3A_4, %sign3A_7 : i32
    %sign3A_9 = arith.extui %sign3A_8 : i1 to i32
    %sign3A_10 = arith.subi %sign3A_6, %sign3A_9 : i32
    %sign3A_11 = arith.constant 0 : i32
    %sign3A_12 = arith.cmpi sgt, %jit3A, %sign3A_11 : i32
    %sign3A_13 = arith.extui %sign3A_12 : i1 to i32
    %sign3A_14 = arith.constant 0 : i32
    %sign3A_15 = arith.cmpi slt, %jit3A, %sign3A_14 : i32
    %sign3A_16 = arith.extui %sign3A_15 : i1 to i32
    %sign3A_17 = arith.subi %sign3A_13, %sign3A_16 : i32
    %ne3A = arith.cmpi ne, %sign3A_10, %sign3A_17 : i32
    %rem3A = arith.remsi %add3A_4, %jit3A : i32
    %ne3A_18 = arith.constant 0 : i32
    %ne3A_19 = arith.cmpi ne, %rem3A, %ne3A_18 : i32
    %and3A = arith.andi %ne3A, %ne3A_19 : i1
    %sub3A = arith.constant 1 : i32
    %sub3A_20 = arith.subi %div3A, %sub3A : i32
    %select_n3A = arith.select %and3A, %sub3A_20, %div3A : i32
    %jit3A_21 = arith.constant 8 : i32
    %eq3A = arith.constant 0 : i32
    %eq3A_22 = arith.cmpi eq, %jit3A_21, %eq3A : i32
    %jit3A_23 = arith.constant 1 : i32
    %select_n3A_24 = arith.select %eq3A_22, %jit3A_23, %jit3A_21 : i32
    %rem3A_25 = arith.remsi %add3A_4, %select_n3A_24 : i32
    %ne3A_26 = arith.constant 0 : i32
    %ne3A_27 = arith.cmpi ne, %rem3A_25, %ne3A_26 : i32
    %lt3A = arith.constant 0 : i32
    %lt3A_28 = arith.cmpi slt, %rem3A_25, %lt3A : i32
    %lt3A_29 = arith.constant 0 : i32
    %lt3A_30 = arith.cmpi slt, %select_n3A_24, %lt3A_29 : i32
    %ne3A_31 = arith.xori %lt3A_28, %lt3A_30 : i1
    %and3A_32 = arith.andi %ne3A_31, %ne3A_27 : i1
    %add3A_33 = arith.addi %rem3A_25, %select_n3A_24 : i32
    %select_n3A_34 = arith.select %and3A_32, %add3A_33, %rem3A_25 : i32
    %add3A_35 = arith.constant 8 : i32
    %add3A_36 = arith.addi %add3A_35, %select_n3A_34 : i32
    %mul3A_37 = arith.constant 128 : i32
    %mul3A_38 = arith.muli %add3A_36, %mul3A_37 : i32
    %dma_start3A = arith.constant 0 : i32
    %dma_start3A_39 = tpu.memref_slice %arg2[%select_n3A, %dma_start3A, %mul3A_38] : memref<4x4096x2048xf32, #tpu.memory_space<hbm>> -> memref<1x256x128xf32, #tpu.memory_space<hbm>>
    %dma_start3A_40 = tpu.memref_squeeze %dma_start3A_39 : memref<1x256x128xf32, #tpu.memory_space<hbm>> -> memref<256x128xf32, #tpu.memory_space<hbm>>
    %dma_start3A_41 = arith.constant 0 : i32
    %dma_start3A_42 = tpu.memref_slice %arg2[%select_n3A, %dma_start3A_41, %mul3A_38] : memref<4x4096x2048xf32, #tpu.memory_space<hbm>> -> memref<1x256x128xf32, #tpu.memory_space<hbm>>
    %dma_start3A_43 = tpu.memref_squeeze %dma_start3A_42 : memref<1x256x128xf32, #tpu.memory_space<hbm>> -> memref<256x128xf32, #tpu.memory_space<hbm>>
    tpu.enqueue_dma source(%dma_start3A_43 : memref<256x128xf32, #tpu.memory_space<hbm>>) target(%arg4 : memref<256x128xf32, #tpu.memory_space<vmem>>) target_semaphore(%arg7 : memref<!tpu.dma_semaphore, #tpu.memory_space<semaphore_mem>>)
    %broadcast_in_dim3A = arith.constant 0x7F800000 : f32
    %broadcast_in_dim3A_44 = vector.broadcast %broadcast_in_dim3A : f32 to vector<16xf32>
    %broadcast_in_dim3A_45 = arith.constant 0x7F800000 : f32
    %broadcast_in_dim3A_46 = vector.broadcast %broadcast_in_dim3A_45 : f32 to vector<16xf32>
    %broadcast_in_dim3A_47 = arith.constant 0x7F800000 : f32
    %broadcast_in_dim3A_48 = vector.broadcast %broadcast_in_dim3A_47 : f32 to vector<16xf32>
    %broadcast_in_dim3A_49 = arith.constant 0x7F800000 : f32
    %broadcast_in_dim3A_50 = vector.broadcast %broadcast_in_dim3A_49 : f32 to vector<16xf32>
    %broadcast_in_dim3A_51 = arith.constant 0x7F800000 : f32
    %broadcast_in_dim3A_52 = vector.broadcast %broadcast_in_dim3A_51 : f32 to vector<16xf32>
    %broadcast_in_dim3A_53 = arith.constant 0x7F800000 : f32
    %broadcast_in_dim3A_54 = vector.broadcast %broadcast_in_dim3A_53 : f32 to vector<16xf32>
    %broadcast_in_dim3A_55 = arith.constant 0x7F800000 : f32
    %broadcast_in_dim3A_56 = vector.broadcast %broadcast_in_dim3A_55 : f32 to vector<16xf32>
    %broadcast_in_dim3A_57 = arith.constant 0x7F800000 : f32
    %broadcast_in_dim3A_58 = vector.broadcast %broadcast_in_dim3A_57 : f32 to vector<16xf32>
    %broadcast_in_dim3A_59 = arith.constant 0 : i32
    %broadcast_in_dim3A_60 = vector.broadcast %broadcast_in_dim3A_59 : i32 to vector<16xi32>
    %broadcast_in_dim3A_61 = arith.constant 0 : i32
    %broadcast_in_dim3A_62 = vector.broadcast %broadcast_in_dim3A_61 : i32 to vector<16xi32>
    %broadcast_in_dim3A_63 = arith.constant 0 : i32
    %broadcast_in_dim3A_64 = vector.broadcast %broadcast_in_dim3A_63 : i32 to vector<16xi32>
    %broadcast_in_dim3A_65 = arith.constant 0 : i32
    %broadcast_in_dim3A_66 = vector.broadcast %broadcast_in_dim3A_65 : i32 to vector<16xi32>
    %broadcast_in_dim3A_67 = arith.constant 0 : i32
    %broadcast_in_dim3A_68 = vector.broadcast %broadcast_in_dim3A_67 : i32 to vector<16xi32>
    %broadcast_in_dim3A_69 = arith.constant 0 : i32
    %broadcast_in_dim3A_70 = vector.broadcast %broadcast_in_dim3A_69 : i32 to vector<16xi32>
    %broadcast_in_dim3A_71 = arith.constant 0 : i32
    %broadcast_in_dim3A_72 = vector.broadcast %broadcast_in_dim3A_71 : i32 to vector<16xi32>
    %broadcast_in_dim3A_73 = arith.constant 0 : i32
    %broadcast_in_dim3A_74 = vector.broadcast %broadcast_in_dim3A_73 : i32 to vector<16xi32>
    %dma_start3A_75 = arith.constant 256 : i32
    %dma_start3A_76 = tpu.memref_slice %arg2[%select_n3A, %dma_start3A_75, %mul3A_38] : memref<4x4096x2048xf32, #tpu.memory_space<hbm>> -> memref<1x256x128xf32, #tpu.memory_space<hbm>>
    %dma_start3A_77 = tpu.memref_squeeze %dma_start3A_76 : memref<1x256x128xf32, #tpu.memory_space<hbm>> -> memref<256x128xf32, #tpu.memory_space<hbm>>
    %dma_start3A_78 = arith.constant 256 : i32
    %dma_start3A_79 = tpu.memref_slice %arg2[%select_n3A, %dma_start3A_78, %mul3A_38] : memref<4x4096x2048xf32, #tpu.memory_space<hbm>> -> memref<1x256x128xf32, #tpu.memory_space<hbm>>
    %dma_start3A_80 = tpu.memref_squeeze %dma_start3A_79 : memref<1x256x128xf32, #tpu.memory_space<hbm>> -> memref<256x128xf32, #tpu.memory_space<hbm>>
    tpu.enqueue_dma source(%dma_start3A_80 : memref<256x128xf32, #tpu.memory_space<hbm>>) target(%arg5 : memref<256x128xf32, #tpu.memory_space<vmem>>) target_semaphore(%arg8 : memref<!tpu.dma_semaphore, #tpu.memory_space<semaphore_mem>>)
    %dma_wait3A = arith.constant 0 : i32
    %dma_wait3A_81 = tpu.memref_slice %arg2[%select_n3A, %dma_wait3A, %mul3A_38] : memref<4x4096x2048xf32, #tpu.memory_space<hbm>> -> memref<1x256x128xf32, #tpu.memory_space<hbm>>
    %dma_wait3A_82 = tpu.memref_squeeze %dma_wait3A_81 : memref<1x256x128xf32, #tpu.memory_space<hbm>> -> memref<256x128xf32, #tpu.memory_space<hbm>>
    %dma_wait3A_83 = arith.constant 0 : i32
    %dma_wait3A_84 = tpu.memref_slice %arg2[%select_n3A, %dma_wait3A_83, %mul3A_38] : memref<4x4096x2048xf32, #tpu.memory_space<hbm>> -> memref<1x256x128xf32, #tpu.memory_space<hbm>>
    %dma_wait3A_85 = tpu.memref_squeeze %dma_wait3A_84 : memref<1x256x128xf32, #tpu.memory_space<hbm>> -> memref<256x128xf32, #tpu.memory_space<hbm>>
    tpu.wait_dma2 semaphore(%arg7 : memref<!tpu.dma_semaphore, #tpu.memory_space<semaphore_mem>>) src(%dma_wait3A_85 : memref<256x128xf32, #tpu.memory_space<hbm>>) dst(%arg4 : memref<256x128xf32, #tpu.memory_space<vmem>>)
    %scan3A = arith.constant 0 : i32
    %scan3A_86 = arith.constant 256 : i32
    %scan3A_87 = arith.addi %scan3A, %scan3A_86 : i32
    %scan3A_88 = arith.constant 1 : i32
    %scan3A_89:16 = scf.for %scan3A_407 = %scan3A to %scan3A_87 step %scan3A_88 iter_args(%scan3A_408 = %broadcast_in_dim3A_44, %scan3A_409 = %broadcast_in_dim3A_46, %scan3A_410 = %broadcast_in_dim3A_48, %scan3A_411 = %broadcast_in_dim3A_50, %scan3A_412 = %broadcast_in_dim3A_52, %scan3A_413 = %broadcast_in_dim3A_54, %scan3A_414 = %broadcast_in_dim3A_56, %scan3A_415 = %broadcast_in_dim3A_58, %scan3A_416 = %broadcast_in_dim3A_60, %scan3A_417 = %broadcast_in_dim3A_62, %scan3A_418 = %broadcast_in_dim3A_64, %scan3A_419 = %broadcast_in_dim3A_66, %scan3A_420 = %broadcast_in_dim3A_68, %scan3A_421 = %broadcast_in_dim3A_70, %scan3A_422 = %broadcast_in_dim3A_72, %scan3A_423 = %broadcast_in_dim3A_74) -> (vector<16xf32>, vector<16xf32>, vector<16xf32>, vector<16xf32>, vector<16xf32>, vector<16xf32>, vector<16xf32>, vector<16xf32>, vector<16xi32>, vector<16xi32>, vector<16xi32>, vector<16xi32>, vector<16xi32>, vector<16xi32>, vector<16xi32>, vector<16xi32>)  : i32 {
      %add3A_424 = arith.constant 0 : i32
      %add3A_425 = arith.addi %add3A_424, %scan3A_407 : i32
      %broadcast_in_dim3A_426 = vector.broadcast %add3A_425 : i32 to vector<16xi32>
      %get3A = arith.index_cast %scan3A_407 : i32 to index
      %get3A_427 = arith.constant 0 : index
      %get3A_428 = tpu.vector_load %arg4[%get3A, %get3A_427] {strides = array<i32>} : memref<256x128xf32, #tpu.memory_space<vmem>>, vector<1x16xf32>,
      %get3A_429 = vector.shape_cast %get3A_428 : vector<1x16xf32> to vector<16xf32>
      %lt3A_430 = arith.cmpf olt, %get3A_429, %scan3A_408 : vector<16xf32>
      %select_n3A_431 = arith.select %lt3A_430, %get3A_429, %scan3A_408 : vector<16xi1>, vector<16xf32>
      %select_n3A_432 = arith.select %lt3A_430, %broadcast_in_dim3A_426, %scan3A_416 : vector<16xi1>, vector<16xi32>
      %get3A_433 = arith.index_cast %scan3A_407 : i32 to index
      %get3A_434 = arith.constant 16 : index
      %get3A_435 = tpu.vector_load %arg4[%get3A_433, %get3A_434] {strides = array<i32>} : memref<256x128xf32, #tpu.memory_space<vmem>>, vector<1x16xf32>,
      %get3A_436 = vector.shape_cast %get3A_435 : vector<1x16xf32> to vector<16xf32>
      %lt3A_437 = arith.cmpf olt, %get3A_436, %scan3A_409 : vector<16xf32>
      %select_n3A_438 = arith.select %lt3A_437, %get3A_436, %scan3A_409 : vector<16xi1>, vector<16xf32>
      %select_n3A_439 = arith.select %lt3A_437, %broadcast_in_dim3A_426, %scan3A_417 : vector<16xi1>, vector<16xi32>
      %get3A_440 = arith.index_cast %scan3A_407 : i32 to index
      %get3A_441 = arith.constant 32 : index
      %get3A_442 = tpu.vector_load %arg4[%get3A_440, %get3A_441] {strides = array<i32>} : memref<256x128xf32, #tpu.memory_space<vmem>>, vector<1x16xf32>,
      %get3A_443 = vector.shape_cast %get3A_442 : vector<1x16xf32> to vector<16xf32>
      %lt3A_444 = arith.cmpf olt, %get3A_443, %scan3A_410 : vector<16xf32>
      %select_n3A_445 = arith.select %lt3A_444, %get3A_443, %scan3A_410 : vector<16xi1>, vector<16xf32>
      %select_n3A_446 = arith.select %lt3A_444, %broadcast_in_dim3A_426, %scan3A_418 : vector<16xi1>, vector<16xi32>
      %get3A_447 = arith.index_cast %scan3A_407 : i32 to index
      %get3A_448 = arith.constant 48 : index
      %get3A_449 = tpu.vector_load %arg4[%get3A_447, %get3A_448] {strides = array<i32>} : memref<256x128xf32, #tpu.memory_space<vmem>>, vector<1x16xf32>,
      %get3A_450 = vector.shape_cast %get3A_449 : vector<1x16xf32> to vector<16xf32>
      %lt3A_451 = arith.cmpf olt, %get3A_450, %scan3A_411 : vector<16xf32>
      %select_n3A_452 = arith.select %lt3A_451, %get3A_450, %scan3A_411 : vector<16xi1>, vector<16xf32>
      %select_n3A_453 = arith.select %lt3A_451, %broadcast_in_dim3A_426, %scan3A_419 : vector<16xi1>, vector<16xi32>
      %get3A_454 = arith.index_cast %scan3A_407 : i32 to index
      %get3A_455 = arith.constant 64 : index
      %get3A_456 = tpu.vector_load %arg4[%get3A_454, %get3A_455] {strides = array<i32>} : memref<256x128xf32, #tpu.memory_space<vmem>>, vector<1x16xf32>,
      %get3A_457 = vector.shape_cast %get3A_456 : vector<1x16xf32> to vector<16xf32>
      %lt3A_458 = arith.cmpf olt, %get3A_457, %scan3A_412 : vector<16xf32>
      %select_n3A_459 = arith.select %lt3A_458, %get3A_457, %scan3A_412 : vector<16xi1>, vector<16xf32>
      %select_n3A_460 = arith.select %lt3A_458, %broadcast_in_dim3A_426, %scan3A_420 : vector<16xi1>, vector<16xi32>
      %get3A_461 = arith.index_cast %scan3A_407 : i32 to index
      %get3A_462 = arith.constant 80 : index
      %get3A_463 = tpu.vector_load %arg4[%get3A_461, %get3A_462] {strides = array<i32>} : memref<256x128xf32, #tpu.memory_space<vmem>>, vector<1x16xf32>,
      %get3A_464 = vector.shape_cast %get3A_463 : vector<1x16xf32> to vector<16xf32>
      %lt3A_465 = arith.cmpf olt, %get3A_464, %scan3A_413 : vector<16xf32>
      %select_n3A_466 = arith.select %lt3A_465, %get3A_464, %scan3A_413 : vector<16xi1>, vector<16xf32>
      %select_n3A_467 = arith.select %lt3A_465, %broadcast_in_dim3A_426, %scan3A_421 : vector<16xi1>, vector<16xi32>
      %get3A_468 = arith.index_cast %scan3A_407 : i32 to index
      %get3A_469 = arith.constant 96 : index
      %get3A_470 = tpu.vector_load %arg4[%get3A_468, %get3A_469] {strides = array<i32>} : memref<256x128xf32, #tpu.memory_space<vmem>>, vector<1x16xf32>,
      %get3A_471 = vector.shape_cast %get3A_470 : vector<1x16xf32> to vector<16xf32>
      %lt3A_472 = arith.cmpf olt, %get3A_471, %scan3A_414 : vector<16xf32>
      %select_n3A_473 = arith.select %lt3A_472, %get3A_471, %scan3A_414 : vector<16xi1>, vector<16xf32>
      %select_n3A_474 = arith.select %lt3A_472, %broadcast_in_dim3A_426, %scan3A_422 : vector<16xi1>, vector<16xi32>
      %get3A_475 = arith.index_cast %scan3A_407 : i32 to index
      %get3A_476 = arith.constant 112 : index
      %get3A_477 = tpu.vector_load %arg4[%get3A_475, %get3A_476] {strides = array<i32>} : memref<256x128xf32, #tpu.memory_space<vmem>>, vector<1x16xf32>,
      %get3A_478 = vector.shape_cast %get3A_477 : vector<1x16xf32> to vector<16xf32>
      %lt3A_479 = arith.cmpf olt, %get3A_478, %scan3A_415 : vector<16xf32>
      %select_n3A_480 = arith.select %lt3A_479, %get3A_478, %scan3A_415 : vector<16xi1>, vector<16xf32>
      %select_n3A_481 = arith.select %lt3A_479, %broadcast_in_dim3A_426, %scan3A_423 : vector<16xi1>, vector<16xi32>
      scf.yield %select_n3A_431, %select_n3A_438, %select_n3A_445, %select_n3A_452, %select_n3A_459, %select_n3A_466, %select_n3A_473, %select_n3A_480, %select_n3A_432, %select_n3A_439, %select_n3A_446, %select_n3A_453, %select_n3A_460, %select_n3A_467, %select_n3A_474, %select_n3A_481 : vector<16xf32>, vector<16xf32>, vector<16xf32>, vector<16xf32>, vector<16xf32>, vector<16xf32>, vector<16xf32>, vector<16xf32>, vector<16xi32>, vector<16xi32>, vector<16xi32>, vector<16xi32>, vector<16xi32>, vector<16xi32>, vector<16xi32>, vector<16xi32>
    }
    %scan3A_90 = arith.constant 256 : i32
    %dma_start3A_91 = arith.constant 512 : i32
    %dma_start3A_92 = tpu.memref_slice %arg2[%select_n3A, %dma_start3A_91, %mul3A_38] : memref<4x4096x2048xf32, #tpu.memory_space<hbm>> -> memref<1x256x128xf32, #tpu.memory_space<hbm>>
    %dma_start3A_93 = tpu.memref_squeeze %dma_start3A_92 : memref<1x256x128xf32, #tpu.memory_space<hbm>> -> memref<256x128xf32, #tpu.memory_space<hbm>>
    %dma_start3A_94 = arith.constant 512 : i32
    %dma_start3A_95 = tpu.memref_slice %arg2[%select_n3A, %dma_start3A_94, %mul3A_38] : memref<4x4096x2048xf32, #tpu.memory_space<hbm>> -> memref<1x256x128xf32, #tpu.memory_space<hbm>>
    %dma_start3A_96 = tpu.memref_squeeze %dma_start3A_95 : memref<1x256x128xf32, #tpu.memory_space<hbm>> -> memref<256x128xf32, #tpu.memory_space<hbm>>
    tpu.enqueue_dma source(%dma_start3A_96 : memref<256x128xf32, #tpu.memory_space<hbm>>) target(%arg4 : memref<256x128xf32, #tpu.memory_space<vmem>>) target_semaphore(%arg7 : memref<!tpu.dma_semaphore, #tpu.memory_space<semaphore_mem>>)
    %dma_wait3A_97 = arith.constant 256 : i32
    %dma_wait3A_98 = tpu.memref_slice %arg2[%select_n3A, %dma_wait3A_97, %mul3A_38] : memref<4x4096x2048xf32, #tpu.memory_space<hbm>> -> memref<1x256x128xf32, #tpu.memory_space<hbm>>
    %dma_wait3A_99 = tpu.memref_squeeze %dma_wait3A_98 : memref<1x256x128xf32, #tpu.memory_space<hbm>> -> memref<256x128xf32, #tpu.memory_space<hbm>>
    %dma_wait3A_100 = arith.constant 256 : i32
    %dma_wait3A_101 = tpu.memref_slice %arg2[%select_n3A, %dma_wait3A_100, %mul3A_38] : memref<4x4096x2048xf32, #tpu.memory_space<hbm>> -> memref<1x256x128xf32, #tpu.memory_space<hbm>>
    %dma_wait3A_102 = tpu.memref_squeeze %dma_wait3A_101 : memref<1x256x128xf32, #tpu.memory_space<hbm>> -> memref<256x128xf32, #tpu.memory_space<hbm>>
    tpu.wait_dma2 semaphore(%arg8 : memref<!tpu.dma_semaphore, #tpu.memory_space<semaphore_mem>>) src(%dma_wait3A_102 : memref<256x128xf32, #tpu.memory_space<hbm>>) dst(%arg5 : memref<256x128xf32, #tpu.memory_space<vmem>>)
    %scan3A_103 = arith.constant 0 : i32
    %scan3A_104 = arith.constant 256 : i32
    %scan3A_105 = arith.addi %scan3A_103, %scan3A_104 : i32
    %scan3A_106 = arith.constant 1 : i32
    %scan3A_107:16 = scf.for %scan3A_407 = %scan3A_103 to %scan3A_105 step %scan3A_106 iter_args(%scan3A_408 = %scan3A_89#0, %scan3A_409 = %scan3A_89#1, %scan3A_410 = %scan3A_89#2, %scan3A_411 = %scan3A_89#3, %scan3A_412 = %scan3A_89#4, %scan3A_413 = %scan3A_89#5, %scan3A_414 = %scan3A_89#6, %scan3A_415 = %scan3A_89#7, %scan3A_416 = %scan3A_89#8, %scan3A_417 = %scan3A_89#9, %scan3A_418 = %scan3A_89#10, %scan3A_419 = %scan3A_89#11, %scan3A_420 = %scan3A_89#12, %scan3A_421 = %scan3A_89#13, %scan3A_422 = %scan3A_89#14, %scan3A_423 = %scan3A_89#15) -> (vector<16xf32>, vector<16xf32>, vector<16xf32>, vector<16xf32>, vector<16xf32>, vector<16xf32>, vector<16xf32>, vector<16xf32>, vector<16xi32>, vector<16xi32>, vector<16xi32>, vector<16xi32>, vector<16xi32>, vector<16xi32>, vector<16xi32>, vector<16xi32>)  : i32 {
      %add3A_424 = arith.constant 256 : i32
      %add3A_425 = arith.addi %add3A_424, %scan3A_407 : i32
      %broadcast_in_dim3A_426 = vector.broadcast %add3A_425 : i32 to vector<16xi32>
      %get3A = arith.index_cast %scan3A_407 : i32 to index
      %get3A_427 = arith.constant 0 : index
      %get3A_428 = tpu.vector_load %arg5[%get3A, %get3A_427] {strides = array<i32>} : memref<256x128xf32, #tpu.memory_space<vmem>>, vector<1x16xf32>,
      %get3A_429 = vector.shape_cast %get3A_428 : vector<1x16xf32> to vector<16xf32>
      %lt3A_430 = arith.cmpf olt, %get3A_429, %scan3A_408 : vector<16xf32>
      %select_n3A_431 = arith.select %lt3A_430, %get3A_429, %scan3A_408 : vector<16xi1>, vector<16xf32>
      %select_n3A_432 = arith.select %lt3A_430, %broadcast_in_dim3A_426, %scan3A_416 : vector<16xi1>, vector<16xi32>
      %get3A_433 = arith.index_cast %scan3A_407 : i32 to index
      %get3A_434 = arith.constant 16 : index
      %get3A_435 = tpu.vector_load %arg5[%get3A_433, %get3A_434] {strides = array<i32>} : memref<256x128xf32, #tpu.memory_space<vmem>>, vector<1x16xf32>,
      %get3A_436 = vector.shape_cast %get3A_435 : vector<1x16xf32> to vector<16xf32>
      %lt3A_437 = arith.cmpf olt, %get3A_436, %scan3A_409 : vector<16xf32>
      %select_n3A_438 = arith.select %lt3A_437, %get3A_436, %scan3A_409 : vector<16xi1>, vector<16xf32>
      %select_n3A_439 = arith.select %lt3A_437, %broadcast_in_dim3A_426, %scan3A_417 : vector<16xi1>, vector<16xi32>
      %get3A_440 = arith.index_cast %scan3A_407 : i32 to index
      %get3A_441 = arith.constant 32 : index
      %get3A_442 = tpu.vector_load %arg5[%get3A_440, %get3A_441] {strides = array<i32>} : memref<256x128xf32, #tpu.memory_space<vmem>>, vector<1x16xf32>,
      %get3A_443 = vector.shape_cast %get3A_442 : vector<1x16xf32> to vector<16xf32>
      %lt3A_444 = arith.cmpf olt, %get3A_443, %scan3A_410 : vector<16xf32>
      %select_n3A_445 = arith.select %lt3A_444, %get3A_443, %scan3A_410 : vector<16xi1>, vector<16xf32>
      %select_n3A_446 = arith.select %lt3A_444, %broadcast_in_dim3A_426, %scan3A_418 : vector<16xi1>, vector<16xi32>
      %get3A_447 = arith.index_cast %scan3A_407 : i32 to index
      %get3A_448 = arith.constant 48 : index
      %get3A_449 = tpu.vector_load %arg5[%get3A_447, %get3A_448] {strides = array<i32>} : memref<256x128xf32, #tpu.memory_space<vmem>>, vector<1x16xf32>,
      %get3A_450 = vector.shape_cast %get3A_449 : vector<1x16xf32> to vector<16xf32>
      %lt3A_451 = arith.cmpf olt, %get3A_450, %scan3A_411 : vector<16xf32>
      %select_n3A_452 = arith.select %lt3A_451, %get3A_450, %scan3A_411 : vector<16xi1>, vector<16xf32>
      %select_n3A_453 = arith.select %lt3A_451, %broadcast_in_dim3A_426, %scan3A_419 : vector<16xi1>, vector<16xi32>
      %get3A_454 = arith.index_cast %scan3A_407 : i32 to index
      %get3A_455 = arith.constant 64 : index
      %get3A_456 = tpu.vector_load %arg5[%get3A_454, %get3A_455] {strides = array<i32>} : memref<256x128xf32, #tpu.memory_space<vmem>>, vector<1x16xf32>,
      %get3A_457 = vector.shape_cast %get3A_456 : vector<1x16xf32> to vector<16xf32>
      %lt3A_458 = arith.cmpf olt, %get3A_457, %scan3A_412 : vector<16xf32>
      %select_n3A_459 = arith.select %lt3A_458, %get3A_457, %scan3A_412 : vector<16xi1>, vector<16xf32>
      %select_n3A_460 = arith.select %lt3A_458, %broadcast_in_dim3A_426, %scan3A_420 : vector<16xi1>, vector<16xi32>
      %get3A_461 = arith.index_cast %scan3A_407 : i32 to index
      %get3A_462 = arith.constant 80 : index
      %get3A_463 = tpu.vector_load %arg5[%get3A_461, %get3A_462] {strides = array<i32>} : memref<256x128xf32, #tpu.memory_space<vmem>>, vector<1x16xf32>,
      %get3A_464 = vector.shape_cast %get3A_463 : vector<1x16xf32> to vector<16xf32>
      %lt3A_465 = arith.cmpf olt, %get3A_464, %scan3A_413 : vector<16xf32>
      %select_n3A_466 = arith.select %lt3A_465, %get3A_464, %scan3A_413 : vector<16xi1>, vector<16xf32>
      %select_n3A_467 = arith.select %lt3A_465, %broadcast_in_dim3A_426, %scan3A_421 : vector<16xi1>, vector<16xi32>
      %get3A_468 = arith.index_cast %scan3A_407 : i32 to index
      %get3A_469 = arith.constant 96 : index
      %get3A_470 = tpu.vector_load %arg5[%get3A_468, %get3A_469] {strides = array<i32>} : memref<256x128xf32, #tpu.memory_space<vmem>>, vector<1x16xf32>,
      %get3A_471 = vector.shape_cast %get3A_470 : vector<1x16xf32> to vector<16xf32>
      %lt3A_472 = arith.cmpf olt, %get3A_471, %scan3A_414 : vector<16xf32>
      %select_n3A_473 = arith.select %lt3A_472, %get3A_471, %scan3A_414 : vector<16xi1>, vector<16xf32>
      %select_n3A_474 = arith.select %lt3A_472, %broadcast_in_dim3A_426, %scan3A_422 : vector<16xi1>, vector<16xi32>
      %get3A_475 = arith.index_cast %scan3A_407 : i32 to index
      %get3A_476 = arith.constant 112 : index
      %get3A_477 = tpu.vector_load %arg5[%get3A_475, %get3A_476] {strides = array<i32>} : memref<256x128xf32, #tpu.memory_space<vmem>>, vector<1x16xf32>,
      %get3A_478 = vector.shape_cast %get3A_477 : vector<1x16xf32> to vector<16xf32>
      %lt3A_479 = arith.cmpf olt, %get3A_478, %scan3A_415 : vector<16xf32>
      %select_n3A_480 = arith.select %lt3A_479, %get3A_478, %scan3A_415 : vector<16xi1>, vector<16xf32>
      %select_n3A_481 = arith.select %lt3A_479, %broadcast_in_dim3A_426, %scan3A_423 : vector<16xi1>, vector<16xi32>
      scf.yield %select_n3A_431, %select_n3A_438, %select_n3A_445, %select_n3A_452, %select_n3A_459, %select_n3A_466, %select_n3A_473, %select_n3A_480, %select_n3A_432, %select_n3A_439, %select_n3A_446, %select_n3A_453, %select_n3A_460, %select_n3A_467, %select_n3A_474, %select_n3A_481 : vector<16xf32>, vector<16xf32>, vector<16xf32>, vector<16xf32>, vector<16xf32>, vector<16xf32>, vector<16xf32>, vector<16xf32>, vector<16xi32>, vector<16xi32>, vector<16xi32>, vector<16xi32>, vector<16xi32>, vector<16xi32>, vector<16xi32>, vector<16xi32>
    }
    %scan3A_108 = arith.constant 256 : i32
    %dma_start3A_109 = arith.constant 768 : i32
    %dma_start3A_110 = tpu.memref_slice %arg2[%select_n3A, %dma_start3A_109, %mul3A_38] : memref<4x4096x2048xf32, #tpu.memory_space<hbm>> -> memref<1x256x128xf32, #tpu.memory_space<hbm>>
    %dma_start3A_111 = tpu.memref_squeeze %dma_start3A_110 : memref<1x256x128xf32, #tpu.memory_space<hbm>> -> memref<256x128xf32, #tpu.memory_space<hbm>>
    %dma_start3A_112 = arith.constant 768 : i32
    %dma_start3A_113 = tpu.memref_slice %arg2[%select_n3A, %dma_start3A_112, %mul3A_38] : memref<4x4096x2048xf32, #tpu.memory_space<hbm>> -> memref<1x256x128xf32, #tpu.memory_space<hbm>>
    %dma_start3A_114 = tpu.memref_squeeze %dma_start3A_113 : memref<1x256x128xf32, #tpu.memory_space<hbm>> -> memref<256x128xf32, #tpu.memory_space<hbm>>
    tpu.enqueue_dma source(%dma_start3A_114 : memref<256x128xf32, #tpu.memory_space<hbm>>) target(%arg5 : memref<256x128xf32, #tpu.memory_space<vmem>>) target_semaphore(%arg8 : memref<!tpu.dma_semaphore, #tpu.memory_space<semaphore_mem>>)
    %dma_wait3A_115 = arith.constant 512 : i32
    %dma_wait3A_116 = tpu.memref_slice %arg2[%select_n3A, %dma_wait3A_115, %mul3A_38] : memref<4x4096x2048xf32, #tpu.memory_space<hbm>> -> memref<1x256x128xf32, #tpu.memory_space<hbm>>
    %dma_wait3A_117 = tpu.memref_squeeze %dma_wait3A_116 : memref<1x256x128xf32, #tpu.memory_space<hbm>> -> memref<256x128xf32, #tpu.memory_space<hbm>>
    %dma_wait3A_118 = arith.constant 512 : i32
    %dma_wait3A_119 = tpu.memref_slice %arg2[%select_n3A, %dma_wait3A_118, %mul3A_38] : memref<4x4096x2048xf32, #tpu.memory_space<hbm>> -> memref<1x256x128xf32, #tpu.memory_space<hbm>>
    %dma_wait3A_120 = tpu.memref_squeeze %dma_wait3A_119 : memref<1x256x128xf32, #tpu.memory_space<hbm>> -> memref<256x128xf32, #tpu.memory_space<hbm>>
    tpu.wait_dma2 semaphore(%arg7 : memref<!tpu.dma_semaphore, #tpu.memory_space<semaphore_mem>>) src(%dma_wait3A_120 : memref<256x128xf32, #tpu.memory_space<hbm>>) dst(%arg4 : memref<256x128xf32, #tpu.memory_space<vmem>>)
    %scan3A_121 = arith.constant 0 : i32
    %scan3A_122 = arith.constant 256 : i32
    %scan3A_123 = arith.addi %scan3A_121, %scan3A_122 : i32
    %scan3A_124 = arith.constant 1 : i32
    %scan3A_125:16 = scf.for %scan3A_407 = %scan3A_121 to %scan3A_123 step %scan3A_124 iter_args(%scan3A_408 = %scan3A_107#0, %scan3A_409 = %scan3A_107#1, %scan3A_410 = %scan3A_107#2, %scan3A_411 = %scan3A_107#3, %scan3A_412 = %scan3A_107#4, %scan3A_413 = %scan3A_107#5, %scan3A_414 = %scan3A_107#6, %scan3A_415 = %scan3A_107#7, %scan3A_416 = %scan3A_107#8, %scan3A_417 = %scan3A_107#9, %scan3A_418 = %scan3A_107#10, %scan3A_419 = %scan3A_107#11, %scan3A_420 = %scan3A_107#12, %scan3A_421 = %scan3A_107#13, %scan3A_422 = %scan3A_107#14, %scan3A_423 = %scan3A_107#15) -> (vector<16xf32>, vector<16xf32>, vector<16xf32>, vector<16xf32>, vector<16xf32>, vector<16xf32>, vector<16xf32>, vector<16xf32>, vector<16xi32>, vector<16xi32>, vector<16xi32>, vector<16xi32>, vector<16xi32>, vector<16xi32>, vector<16xi32>, vector<16xi32>)  : i32 {
      %add3A_424 = arith.constant 512 : i32
      %add3A_425 = arith.addi %add3A_424, %scan3A_407 : i32
      %broadcast_in_dim3A_426 = vector.broadcast %add3A_425 : i32 to vector<16xi32>
      %get3A = arith.index_cast %scan3A_407 : i32 to index
      %get3A_427 = arith.constant 0 : index
      %get3A_428 = tpu.vector_load %arg4[%get3A, %get3A_427] {strides = array<i32>} : memref<256x128xf32, #tpu.memory_space<vmem>>, vector<1x16xf32>,
      %get3A_429 = vector.shape_cast %get3A_428 : vector<1x16xf32> to vector<16xf32>
      %lt3A_430 = arith.cmpf olt, %get3A_429, %scan3A_408 : vector<16xf32>
      %select_n3A_431 = arith.select %lt3A_430, %get3A_429, %scan3A_408 : vector<16xi1>, vector<16xf32>
      %select_n3A_432 = arith.select %lt3A_430, %broadcast_in_dim3A_426, %scan3A_416 : vector<16xi1>, vector<16xi32>
      %get3A_433 = arith.index_cast %scan3A_407 : i32 to index
      %get3A_434 = arith.constant 16 : index
      %get3A_435 = tpu.vector_load %arg4[%get3A_433, %get3A_434] {strides = array<i32>} : memref<256x128xf32, #tpu.memory_space<vmem>>, vector<1x16xf32>,
      %get3A_436 = vector.shape_cast %get3A_435 : vector<1x16xf32> to vector<16xf32>
      %lt3A_437 = arith.cmpf olt, %get3A_436, %scan3A_409 : vector<16xf32>
      %select_n3A_438 = arith.select %lt3A_437, %get3A_436, %scan3A_409 : vector<16xi1>, vector<16xf32>
      %select_n3A_439 = arith.select %lt3A_437, %broadcast_in_dim3A_426, %scan3A_417 : vector<16xi1>, vector<16xi32>
      %get3A_440 = arith.index_cast %scan3A_407 : i32 to index
      %get3A_441 = arith.constant 32 : index
      %get3A_442 = tpu.vector_load %arg4[%get3A_440, %get3A_441] {strides = array<i32>} : memref<256x128xf32, #tpu.memory_space<vmem>>, vector<1x16xf32>,
      %get3A_443 = vector.shape_cast %get3A_442 : vector<1x16xf32> to vector<16xf32>
      %lt3A_444 = arith.cmpf olt, %get3A_443, %scan3A_410 : vector<16xf32>
      %select_n3A_445 = arith.select %lt3A_444, %get3A_443, %scan3A_410 : vector<16xi1>, vector<16xf32>
      %select_n3A_446 = arith.select %lt3A_444, %broadcast_in_dim3A_426, %scan3A_418 : vector<16xi1>, vector<16xi32>
      %get3A_447 = arith.index_cast %scan3A_407 : i32 to index
      %get3A_448 = arith.constant 48 : index
      %get3A_449 = tpu.vector_load %arg4[%get3A_447, %get3A_448] {strides = array<i32>} : memref<256x128xf32, #tpu.memory_space<vmem>>, vector<1x16xf32>,
      %get3A_450 = vector.shape_cast %get3A_449 : vector<1x16xf32> to vector<16xf32>
      %lt3A_451 = arith.cmpf olt, %get3A_450, %scan3A_411 : vector<16xf32>
      %select_n3A_452 = arith.select %lt3A_451, %get3A_450, %scan3A_411 : vector<16xi1>, vector<16xf32>
      %select_n3A_453 = arith.select %lt3A_451, %broadcast_in_dim3A_426, %scan3A_419 : vector<16xi1>, vector<16xi32>
      %get3A_454 = arith.index_cast %scan3A_407 : i32 to index
      %get3A_455 = arith.constant 64 : index
      %get3A_456 = tpu.vector_load %arg4[%get3A_454, %get3A_455] {strides = array<i32>} : memref<256x128xf32, #tpu.memory_space<vmem>>, vector<1x16xf32>,
      %get3A_457 = vector.shape_cast %get3A_456 : vector<1x16xf32> to vector<16xf32>
      %lt3A_458 = arith.cmpf olt, %get3A_457, %scan3A_412 : vector<16xf32>
      %select_n3A_459 = arith.select %lt3A_458, %get3A_457, %scan3A_412 : vector<16xi1>, vector<16xf32>
      %select_n3A_460 = arith.select %lt3A_458, %broadcast_in_dim3A_426, %scan3A_420 : vector<16xi1>, vector<16xi32>
      %get3A_461 = arith.index_cast %scan3A_407 : i32 to index
      %get3A_462 = arith.constant 80 : index
      %get3A_463 = tpu.vector_load %arg4[%get3A_461, %get3A_462] {strides = array<i32>} : memref<256x128xf32, #tpu.memory_space<vmem>>, vector<1x16xf32>,
      %get3A_464 = vector.shape_cast %get3A_463 : vector<1x16xf32> to vector<16xf32>
      %lt3A_465 = arith.cmpf olt, %get3A_464, %scan3A_413 : vector<16xf32>
      %select_n3A_466 = arith.select %lt3A_465, %get3A_464, %scan3A_413 : vector<16xi1>, vector<16xf32>
      %select_n3A_467 = arith.select %lt3A_465, %broadcast_in_dim3A_426, %scan3A_421 : vector<16xi1>, vector<16xi32>
      %get3A_468 = arith.index_cast %scan3A_407 : i32 to index
      %get3A_469 = arith.constant 96 : index
      %get3A_470 = tpu.vector_load %arg4[%get3A_468, %get3A_469] {strides = array<i32>} : memref<256x128xf32, #tpu.memory_space<vmem>>, vector<1x16xf32>,
      %get3A_471 = vector.shape_cast %get3A_470 : vector<1x16xf32> to vector<16xf32>
      %lt3A_472 = arith.cmpf olt, %get3A_471, %scan3A_414 : vector<16xf32>
      %select_n3A_473 = arith.select %lt3A_472, %get3A_471, %scan3A_414 : vector<16xi1>, vector<16xf32>
      %select_n3A_474 = arith.select %lt3A_472, %broadcast_in_dim3A_426, %scan3A_422 : vector<16xi1>, vector<16xi32>
      %get3A_475 = arith.index_cast %scan3A_407 : i32 to index
      %get3A_476 = arith.constant 112 : index
      %get3A_477 = tpu.vector_load %arg4[%get3A_475, %get3A_476] {strides = array<i32>} : memref<256x128xf32, #tpu.memory_space<vmem>>, vector<1x16xf32>,
      %get3A_478 = vector.shape_cast %get3A_477 : vector<1x16xf32> to vector<16xf32>
      %lt3A_479 = arith.cmpf olt, %get3A_478, %scan3A_415 : vector<16xf32>
      %select_n3A_480 = arith.select %lt3A_479, %get3A_478, %scan3A_415 : vector<16xi1>, vector<16xf32>
      %select_n3A_481 = arith.select %lt3A_479, %broadcast_in_dim3A_426, %scan3A_423 : vector<16xi1>, vector<16xi32>
      scf.yield %select_n3A_431, %select_n3A_438, %select_n3A_445, %select_n3A_452, %select_n3A_459, %select_n3A_466, %select_n3A_473, %select_n3A_480, %select_n3A_432, %select_n3A_439, %select_n3A_446, %select_n3A_453, %select_n3A_460, %select_n3A_467, %select_n3A_474, %select_n3A_481 : vector<16xf32>, vector<16xf32>, vector<16xf32>, vector<16xf32>, vector<16xf32>, vector<16xf32>, vector<16xf32>, vector<16xf32>, vector<16xi32>, vector<16xi32>, vector<16xi32>, vector<16xi32>, vector<16xi32>, vector<16xi32>, vector<16xi32>, vector<16xi32>
    }
    %scan3A_126 = arith.constant 256 : i32
    %dma_start3A_127 = arith.constant 1024 : i32
    %dma_start3A_128 = tpu.memref_slice %arg2[%select_n3A, %dma_start3A_127, %mul3A_38] : memref<4x4096x2048xf32, #tpu.memory_space<hbm>> -> memref<1x256x128xf32, #tpu.memory_space<hbm>>
    %dma_start3A_129 = tpu.memref_squeeze %dma_start3A_128 : memref<1x256x128xf32, #tpu.memory_space<hbm>> -> memref<256x128xf32, #tpu.memory_space<hbm>>
    %dma_start3A_130 = arith.constant 1024 : i32
    %dma_start3A_131 = tpu.memref_slice %arg2[%select_n3A, %dma_start3A_130, %mul3A_38] : memref<4x4096x2048xf32, #tpu.memory_space<hbm>> -> memref<1x256x128xf32, #tpu.memory_space<hbm>>
    %dma_start3A_132 = tpu.memref_squeeze %dma_start3A_131 : memref<1x256x128xf32, #tpu.memory_space<hbm>> -> memref<256x128xf32, #tpu.memory_space<hbm>>
    tpu.enqueue_dma source(%dma_start3A_132 : memref<256x128xf32, #tpu.memory_space<hbm>>) target(%arg4 : memref<256x128xf32, #tpu.memory_space<vmem>>) target_semaphore(%arg7 : memref<!tpu.dma_semaphore, #tpu.memory_space<semaphore_mem>>)
    %dma_wait3A_133 = arith.constant 768 : i32
    %dma_wait3A_134 = tpu.memref_slice %arg2[%select_n3A, %dma_wait3A_133, %mul3A_38] : memref<4x4096x2048xf32, #tpu.memory_space<hbm>> -> memref<1x256x128xf32, #tpu.memory_space<hbm>>
    %dma_wait3A_135 = tpu.memref_squeeze %dma_wait3A_134 : memref<1x256x128xf32, #tpu.memory_space<hbm>> -> memref<256x128xf32, #tpu.memory_space<hbm>>
    %dma_wait3A_136 = arith.constant 768 : i32
    %dma_wait3A_137 = tpu.memref_slice %arg2[%select_n3A, %dma_wait3A_136, %mul3A_38] : memref<4x4096x2048xf32, #tpu.memory_space<hbm>> -> memref<1x256x128xf32, #tpu.memory_space<hbm>>
    %dma_wait3A_138 = tpu.memref_squeeze %dma_wait3A_137 : memref<1x256x128xf32, #tpu.memory_space<hbm>> -> memref<256x128xf32, #tpu.memory_space<hbm>>
    tpu.wait_dma2 semaphore(%arg8 : memref<!tpu.dma_semaphore, #tpu.memory_space<semaphore_mem>>) src(%dma_wait3A_138 : memref<256x128xf32, #tpu.memory_space<hbm>>) dst(%arg5 : memref<256x128xf32, #tpu.memory_space<vmem>>)
    %scan3A_139 = arith.constant 0 : i32
    %scan3A_140 = arith.constant 256 : i32
    %scan3A_141 = arith.addi %scan3A_139, %scan3A_140 : i32
    %scan3A_142 = arith.constant 1 : i32
    %scan3A_143:16 = scf.for %scan3A_407 = %scan3A_139 to %scan3A_141 step %scan3A_142 iter_args(%scan3A_408 = %scan3A_125#0, %scan3A_409 = %scan3A_125#1, %scan3A_410 = %scan3A_125#2, %scan3A_411 = %scan3A_125#3, %scan3A_412 = %scan3A_125#4, %scan3A_413 = %scan3A_125#5, %scan3A_414 = %scan3A_125#6, %scan3A_415 = %scan3A_125#7, %scan3A_416 = %scan3A_125#8, %scan3A_417 = %scan3A_125#9, %scan3A_418 = %scan3A_125#10, %scan3A_419 = %scan3A_125#11, %scan3A_420 = %scan3A_125#12, %scan3A_421 = %scan3A_125#13, %scan3A_422 = %scan3A_125#14, %scan3A_423 = %scan3A_125#15) -> (vector<16xf32>, vector<16xf32>, vector<16xf32>, vector<16xf32>, vector<16xf32>, vector<16xf32>, vector<16xf32>, vector<16xf32>, vector<16xi32>, vector<16xi32>, vector<16xi32>, vector<16xi32>, vector<16xi32>, vector<16xi32>, vector<16xi32>, vector<16xi32>)  : i32 {
      %add3A_424 = arith.constant 768 : i32
      %add3A_425 = arith.addi %add3A_424, %scan3A_407 : i32
      %broadcast_in_dim3A_426 = vector.broadcast %add3A_425 : i32 to vector<16xi32>
      %get3A = arith.index_cast %scan3A_407 : i32 to index
      %get3A_427 = arith.constant 0 : index
      %get3A_428 = tpu.vector_load %arg5[%get3A, %get3A_427] {strides = array<i32>} : memref<256x128xf32, #tpu.memory_space<vmem>>, vector<1x16xf32>,
      %get3A_429 = vector.shape_cast %get3A_428 : vector<1x16xf32> to vector<16xf32>
      %lt3A_430 = arith.cmpf olt, %get3A_429, %scan3A_408 : vector<16xf32>
      %select_n3A_431 = arith.select %lt3A_430, %get3A_429, %scan3A_408 : vector<16xi1>, vector<16xf32>
      %select_n3A_432 = arith.select %lt3A_430, %broadcast_in_dim3A_426, %scan3A_416 : vector<16xi1>, vector<16xi32>
      %get3A_433 = arith.index_cast %scan3A_407 : i32 to index
      %get3A_434 = arith.constant 16 : index
      %get3A_435 = tpu.vector_load %arg5[%get3A_433, %get3A_434] {strides = array<i32>} : memref<256x128xf32, #tpu.memory_space<vmem>>, vector<1x16xf32>,
      %get3A_436 = vector.shape_cast %get3A_435 : vector<1x16xf32> to vector<16xf32>
      %lt3A_437 = arith.cmpf olt, %get3A_436, %scan3A_409 : vector<16xf32>
      %select_n3A_438 = arith.select %lt3A_437, %get3A_436, %scan3A_409 : vector<16xi1>, vector<16xf32>
      %select_n3A_439 = arith.select %lt3A_437, %broadcast_in_dim3A_426, %scan3A_417 : vector<16xi1>, vector<16xi32>
      %get3A_440 = arith.index_cast %scan3A_407 : i32 to index
      %get3A_441 = arith.constant 32 : index
      %get3A_442 = tpu.vector_load %arg5[%get3A_440, %get3A_441] {strides = array<i32>} : memref<256x128xf32, #tpu.memory_space<vmem>>, vector<1x16xf32>,
      %get3A_443 = vector.shape_cast %get3A_442 : vector<1x16xf32> to vector<16xf32>
      %lt3A_444 = arith.cmpf olt, %get3A_443, %scan3A_410 : vector<16xf32>
      %select_n3A_445 = arith.select %lt3A_444, %get3A_443, %scan3A_410 : vector<16xi1>, vector<16xf32>
      %select_n3A_446 = arith.select %lt3A_444, %broadcast_in_dim3A_426, %scan3A_418 : vector<16xi1>, vector<16xi32>
      %get3A_447 = arith.index_cast %scan3A_407 : i32 to index
      %get3A_448 = arith.constant 48 : index
      %get3A_449 = tpu.vector_load %arg5[%get3A_447, %get3A_448] {strides = array<i32>} : memref<256x128xf32, #tpu.memory_space<vmem>>, vector<1x16xf32>,
      %get3A_450 = vector.shape_cast %get3A_449 : vector<1x16xf32> to vector<16xf32>
      %lt3A_451 = arith.cmpf olt, %get3A_450, %scan3A_411 : vector<16xf32>
      %select_n3A_452 = arith.select %lt3A_451, %get3A_450, %scan3A_411 : vector<16xi1>, vector<16xf32>
      %select_n3A_453 = arith.select %lt3A_451, %broadcast_in_dim3A_426, %scan3A_419 : vector<16xi1>, vector<16xi32>
      %get3A_454 = arith.index_cast %scan3A_407 : i32 to index
      %get3A_455 = arith.constant 64 : index
      %get3A_456 = tpu.vector_load %arg5[%get3A_454, %get3A_455] {strides = array<i32>} : memref<256x128xf32, #tpu.memory_space<vmem>>, vector<1x16xf32>,
      %get3A_457 = vector.shape_cast %get3A_456 : vector<1x16xf32> to vector<16xf32>
      %lt3A_458 = arith.cmpf olt, %get3A_457, %scan3A_412 : vector<16xf32>
      %select_n3A_459 = arith.select %lt3A_458, %get3A_457, %scan3A_412 : vector<16xi1>, vector<16xf32>
      %select_n3A_460 = arith.select %lt3A_458, %broadcast_in_dim3A_426, %scan3A_420 : vector<16xi1>, vector<16xi32>
      %get3A_461 = arith.index_cast %scan3A_407 : i32 to index
      %get3A_462 = arith.constant 80 : index
      %get3A_463 = tpu.vector_load %arg5[%get3A_461, %get3A_462] {strides = array<i32>} : memref<256x128xf32, #tpu.memory_space<vmem>>, vector<1x16xf32>,
      %get3A_464 = vector.shape_cast %get3A_463 : vector<1x16xf32> to vector<16xf32>
      %lt3A_465 = arith.cmpf olt, %get3A_464, %scan3A_413 : vector<16xf32>
      %select_n3A_466 = arith.select %lt3A_465, %get3A_464, %scan3A_413 : vector<16xi1>, vector<16xf32>
      %select_n3A_467 = arith.select %lt3A_465, %broadcast_in_dim3A_426, %scan3A_421 : vector<16xi1>, vector<16xi32>
      %get3A_468 = arith.index_cast %scan3A_407 : i32 to index
      %get3A_469 = arith.constant 96 : index
      %get3A_470 = tpu.vector_load %arg5[%get3A_468, %get3A_469] {strides = array<i32>} : memref<256x128xf32, #tpu.memory_space<vmem>>, vector<1x16xf32>,
      %get3A_471 = vector.shape_cast %get3A_470 : vector<1x16xf32> to vector<16xf32>
      %lt3A_472 = arith.cmpf olt, %get3A_471, %scan3A_414 : vector<16xf32>
      %select_n3A_473 = arith.select %lt3A_472, %get3A_471, %scan3A_414 : vector<16xi1>, vector<16xf32>
      %select_n3A_474 = arith.select %lt3A_472, %broadcast_in_dim3A_426, %scan3A_422 : vector<16xi1>, vector<16xi32>
      %get3A_475 = arith.index_cast %scan3A_407 : i32 to index
      %get3A_476 = arith.constant 112 : index
      %get3A_477 = tpu.vector_load %arg5[%get3A_475, %get3A_476] {strides = array<i32>} : memref<256x128xf32, #tpu.memory_space<vmem>>, vector<1x16xf32>,
      %get3A_478 = vector.shape_cast %get3A_477 : vector<1x16xf32> to vector<16xf32>
      %lt3A_479 = arith.cmpf olt, %get3A_478, %scan3A_415 : vector<16xf32>
      %select_n3A_480 = arith.select %lt3A_479, %get3A_478, %scan3A_415 : vector<16xi1>, vector<16xf32>
      %select_n3A_481 = arith.select %lt3A_479, %broadcast_in_dim3A_426, %scan3A_423 : vector<16xi1>, vector<16xi32>
      scf.yield %select_n3A_431, %select_n3A_438, %select_n3A_445, %select_n3A_452, %select_n3A_459, %select_n3A_466, %select_n3A_473, %select_n3A_480, %select_n3A_432, %select_n3A_439, %select_n3A_446, %select_n3A_453, %select_n3A_460, %select_n3A_467, %select_n3A_474, %select_n3A_481 : vector<16xf32>, vector<16xf32>, vector<16xf32>, vector<16xf32>, vector<16xf32>, vector<16xf32>, vector<16xf32>, vector<16xf32>, vector<16xi32>, vector<16xi32>, vector<16xi32>, vector<16xi32>, vector<16xi32>, vector<16xi32>, vector<16xi32>, vector<16xi32>
    }
    %scan3A_144 = arith.constant 256 : i32
    %dma_start3A_145 = arith.constant 1280 : i32
    %dma_start3A_146 = tpu.memref_slice %arg2[%select_n3A, %dma_start3A_145, %mul3A_38] : memref<4x4096x2048xf32, #tpu.memory_space<hbm>> -> memref<1x256x128xf32, #tpu.memory_space<hbm>>
    %dma_start3A_147 = tpu.memref_squeeze %dma_start3A_146 : memref<1x256x128xf32, #tpu.memory_space<hbm>> -> memref<256x128xf32, #tpu.memory_space<hbm>>
    %dma_start3A_148 = arith.constant 1280 : i32
    %dma_start3A_149 = tpu.memref_slice %arg2[%select_n3A, %dma_start3A_148, %mul3A_38] : memref<4x4096x2048xf32, #tpu.memory_space<hbm>> -> memref<1x256x128xf32, #tpu.memory_space<hbm>>
    %dma_start3A_150 = tpu.memref_squeeze %dma_start3A_149 : memref<1x256x128xf32, #tpu.memory_space<hbm>> -> memref<256x128xf32, #tpu.memory_space<hbm>>
    tpu.enqueue_dma source(%dma_start3A_150 : memref<256x128xf32, #tpu.memory_space<hbm>>) target(%arg5 : memref<256x128xf32, #tpu.memory_space<vmem>>) target_semaphore(%arg8 : memref<!tpu.dma_semaphore, #tpu.memory_space<semaphore_mem>>)
    %dma_wait3A_151 = arith.constant 1024 : i32
    %dma_wait3A_152 = tpu.memref_slice %arg2[%select_n3A, %dma_wait3A_151, %mul3A_38] : memref<4x4096x2048xf32, #tpu.memory_space<hbm>> -> memref<1x256x128xf32, #tpu.memory_space<hbm>>
    %dma_wait3A_153 = tpu.memref_squeeze %dma_wait3A_152 : memref<1x256x128xf32, #tpu.memory_space<hbm>> -> memref<256x128xf32, #tpu.memory_space<hbm>>
    %dma_wait3A_154 = arith.constant 1024 : i32
    %dma_wait3A_155 = tpu.memref_slice %arg2[%select_n3A, %dma_wait3A_154, %mul3A_38] : memref<4x4096x2048xf32, #tpu.memory_space<hbm>> -> memref<1x256x128xf32, #tpu.memory_space<hbm>>
    %dma_wait3A_156 = tpu.memref_squeeze %dma_wait3A_155 : memref<1x256x128xf32, #tpu.memory_space<hbm>> -> memref<256x128xf32, #tpu.memory_space<hbm>>
    tpu.wait_dma2 semaphore(%arg7 : memref<!tpu.dma_semaphore, #tpu.memory_space<semaphore_mem>>) src(%dma_wait3A_156 : memref<256x128xf32, #tpu.memory_space<hbm>>) dst(%arg4 : memref<256x128xf32, #tpu.memory_space<vmem>>)
    %scan3A_157 = arith.constant 0 : i32
    %scan3A_158 = arith.constant 256 : i32
    %scan3A_159 = arith.addi %scan3A_157, %scan3A_158 : i32
    %scan3A_160 = arith.constant 1 : i32
    %scan3A_161:16 = scf.for %scan3A_407 = %scan3A_157 to %scan3A_159 step %scan3A_160 iter_args(%scan3A_408 = %scan3A_143#0, %scan3A_409 = %scan3A_143#1, %scan3A_410 = %scan3A_143#2, %scan3A_411 = %scan3A_143#3, %scan3A_412 = %scan3A_143#4, %scan3A_413 = %scan3A_143#5, %scan3A_414 = %scan3A_143#6, %scan3A_415 = %scan3A_143#7, %scan3A_416 = %scan3A_143#8, %scan3A_417 = %scan3A_143#9, %scan3A_418 = %scan3A_143#10, %scan3A_419 = %scan3A_143#11, %scan3A_420 = %scan3A_143#12, %scan3A_421 = %scan3A_143#13, %scan3A_422 = %scan3A_143#14, %scan3A_423 = %scan3A_143#15) -> (vector<16xf32>, vector<16xf32>, vector<16xf32>, vector<16xf32>, vector<16xf32>, vector<16xf32>, vector<16xf32>, vector<16xf32>, vector<16xi32>, vector<16xi32>, vector<16xi32>, vector<16xi32>, vector<16xi32>, vector<16xi32>, vector<16xi32>, vector<16xi32>)  : i32 {
      %add3A_424 = arith.constant 1024 : i32
      %add3A_425 = arith.addi %add3A_424, %scan3A_407 : i32
      %broadcast_in_dim3A_426 = vector.broadcast %add3A_425 : i32 to vector<16xi32>
      %get3A = arith.index_cast %scan3A_407 : i32 to index
      %get3A_427 = arith.constant 0 : index
      %get3A_428 = tpu.vector_load %arg4[%get3A, %get3A_427] {strides = array<i32>} : memref<256x128xf32, #tpu.memory_space<vmem>>, vector<1x16xf32>,
      %get3A_429 = vector.shape_cast %get3A_428 : vector<1x16xf32> to vector<16xf32>
      %lt3A_430 = arith.cmpf olt, %get3A_429, %scan3A_408 : vector<16xf32>
      %select_n3A_431 = arith.select %lt3A_430, %get3A_429, %scan3A_408 : vector<16xi1>, vector<16xf32>
      %select_n3A_432 = arith.select %lt3A_430, %broadcast_in_dim3A_426, %scan3A_416 : vector<16xi1>, vector<16xi32>
      %get3A_433 = arith.index_cast %scan3A_407 : i32 to index
      %get3A_434 = arith.constant 16 : index
      %get3A_435 = tpu.vector_load %arg4[%get3A_433, %get3A_434] {strides = array<i32>} : memref<256x128xf32, #tpu.memory_space<vmem>>, vector<1x16xf32>,
      %get3A_436 = vector.shape_cast %get3A_435 : vector<1x16xf32> to vector<16xf32>
      %lt3A_437 = arith.cmpf olt, %get3A_436, %scan3A_409 : vector<16xf32>
      %select_n3A_438 = arith.select %lt3A_437, %get3A_436, %scan3A_409 : vector<16xi1>, vector<16xf32>
      %select_n3A_439 = arith.select %lt3A_437, %broadcast_in_dim3A_426, %scan3A_417 : vector<16xi1>, vector<16xi32>
      %get3A_440 = arith.index_cast %scan3A_407 : i32 to index
      %get3A_441 = arith.constant 32 : index
      %get3A_442 = tpu.vector_load %arg4[%get3A_440, %get3A_441] {strides = array<i32>} : memref<256x128xf32, #tpu.memory_space<vmem>>, vector<1x16xf32>,
      %get3A_443 = vector.shape_cast %get3A_442 : vector<1x16xf32> to vector<16xf32>
      %lt3A_444 = arith.cmpf olt, %get3A_443, %scan3A_410 : vector<16xf32>
      %select_n3A_445 = arith.select %lt3A_444, %get3A_443, %scan3A_410 : vector<16xi1>, vector<16xf32>
      %select_n3A_446 = arith.select %lt3A_444, %broadcast_in_dim3A_426, %scan3A_418 : vector<16xi1>, vector<16xi32>
      %get3A_447 = arith.index_cast %scan3A_407 : i32 to index
      %get3A_448 = arith.constant 48 : index
      %get3A_449 = tpu.vector_load %arg4[%get3A_447, %get3A_448] {strides = array<i32>} : memref<256x128xf32, #tpu.memory_space<vmem>>, vector<1x16xf32>,
      %get3A_450 = vector.shape_cast %get3A_449 : vector<1x16xf32> to vector<16xf32>
      %lt3A_451 = arith.cmpf olt, %get3A_450, %scan3A_411 : vector<16xf32>
      %select_n3A_452 = arith.select %lt3A_451, %get3A_450, %scan3A_411 : vector<16xi1>, vector<16xf32>
      %select_n3A_453 = arith.select %lt3A_451, %broadcast_in_dim3A_426, %scan3A_419 : vector<16xi1>, vector<16xi32>
      %get3A_454 = arith.index_cast %scan3A_407 : i32 to index
      %get3A_455 = arith.constant 64 : index
      %get3A_456 = tpu.vector_load %arg4[%get3A_454, %get3A_455] {strides = array<i32>} : memref<256x128xf32, #tpu.memory_space<vmem>>, vector<1x16xf32>,
      %get3A_457 = vector.shape_cast %get3A_456 : vector<1x16xf32> to vector<16xf32>
      %lt3A_458 = arith.cmpf olt, %get3A_457, %scan3A_412 : vector<16xf32>
      %select_n3A_459 = arith.select %lt3A_458, %get3A_457, %scan3A_412 : vector<16xi1>, vector<16xf32>
      %select_n3A_460 = arith.select %lt3A_458, %broadcast_in_dim3A_426, %scan3A_420 : vector<16xi1>, vector<16xi32>
      %get3A_461 = arith.index_cast %scan3A_407 : i32 to index
      %get3A_462 = arith.constant 80 : index
      %get3A_463 = tpu.vector_load %arg4[%get3A_461, %get3A_462] {strides = array<i32>} : memref<256x128xf32, #tpu.memory_space<vmem>>, vector<1x16xf32>,
      %get3A_464 = vector.shape_cast %get3A_463 : vector<1x16xf32> to vector<16xf32>
      %lt3A_465 = arith.cmpf olt, %get3A_464, %scan3A_413 : vector<16xf32>
      %select_n3A_466 = arith.select %lt3A_465, %get3A_464, %scan3A_413 : vector<16xi1>, vector<16xf32>
      %select_n3A_467 = arith.select %lt3A_465, %broadcast_in_dim3A_426, %scan3A_421 : vector<16xi1>, vector<16xi32>
      %get3A_468 = arith.index_cast %scan3A_407 : i32 to index
      %get3A_469 = arith.constant 96 : index
      %get3A_470 = tpu.vector_load %arg4[%get3A_468, %get3A_469] {strides = array<i32>} : memref<256x128xf32, #tpu.memory_space<vmem>>, vector<1x16xf32>,
      %get3A_471 = vector.shape_cast %get3A_470 : vector<1x16xf32> to vector<16xf32>
      %lt3A_472 = arith.cmpf olt, %get3A_471, %scan3A_414 : vector<16xf32>
      %select_n3A_473 = arith.select %lt3A_472, %get3A_471, %scan3A_414 : vector<16xi1>, vector<16xf32>
      %select_n3A_474 = arith.select %lt3A_472, %broadcast_in_dim3A_426, %scan3A_422 : vector<16xi1>, vector<16xi32>
      %get3A_475 = arith.index_cast %scan3A_407 : i32 to index
      %get3A_476 = arith.constant 112 : index
      %get3A_477 = tpu.vector_load %arg4[%get3A_475, %get3A_476] {strides = array<i32>} : memref<256x128xf32, #tpu.memory_space<vmem>>, vector<1x16xf32>,
      %get3A_478 = vector.shape_cast %get3A_477 : vector<1x16xf32> to vector<16xf32>
      %lt3A_479 = arith.cmpf olt, %get3A_478, %scan3A_415 : vector<16xf32>
      %select_n3A_480 = arith.select %lt3A_479, %get3A_478, %scan3A_415 : vector<16xi1>, vector<16xf32>
      %select_n3A_481 = arith.select %lt3A_479, %broadcast_in_dim3A_426, %scan3A_423 : vector<16xi1>, vector<16xi32>
      scf.yield %select_n3A_431, %select_n3A_438, %select_n3A_445, %select_n3A_452, %select_n3A_459, %select_n3A_466, %select_n3A_473, %select_n3A_480, %select_n3A_432, %select_n3A_439, %select_n3A_446, %select_n3A_453, %select_n3A_460, %select_n3A_467, %select_n3A_474, %select_n3A_481 : vector<16xf32>, vector<16xf32>, vector<16xf32>, vector<16xf32>, vector<16xf32>, vector<16xf32>, vector<16xf32>, vector<16xf32>, vector<16xi32>, vector<16xi32>, vector<16xi32>, vector<16xi32>, vector<16xi32>, vector<16xi32>, vector<16xi32>, vector<16xi32>
    }
    %scan3A_162 = arith.constant 256 : i32
    %dma_start3A_163 = arith.constant 1536 : i32
    %dma_start3A_164 = tpu.memref_slice %arg2[%select_n3A, %dma_start3A_163, %mul3A_38] : memref<4x4096x2048xf32, #tpu.memory_space<hbm>> -> memref<1x256x128xf32, #tpu.memory_space<hbm>>
    %dma_start3A_165 = tpu.memref_squeeze %dma_start3A_164 : memref<1x256x128xf32, #tpu.memory_space<hbm>> -> memref<256x128xf32, #tpu.memory_space<hbm>>
    %dma_start3A_166 = arith.constant 1536 : i32
    %dma_start3A_167 = tpu.memref_slice %arg2[%select_n3A, %dma_start3A_166, %mul3A_38] : memref<4x4096x2048xf32, #tpu.memory_space<hbm>> -> memref<1x256x128xf32, #tpu.memory_space<hbm>>
    %dma_start3A_168 = tpu.memref_squeeze %dma_start3A_167 : memref<1x256x128xf32, #tpu.memory_space<hbm>> -> memref<256x128xf32, #tpu.memory_space<hbm>>
    tpu.enqueue_dma source(%dma_start3A_168 : memref<256x128xf32, #tpu.memory_space<hbm>>) target(%arg4 : memref<256x128xf32, #tpu.memory_space<vmem>>) target_semaphore(%arg7 : memref<!tpu.dma_semaphore, #tpu.memory_space<semaphore_mem>>)
    %dma_wait3A_169 = arith.constant 1280 : i32
    %dma_wait3A_170 = tpu.memref_slice %arg2[%select_n3A, %dma_wait3A_169, %mul3A_38] : memref<4x4096x2048xf32, #tpu.memory_space<hbm>> -> memref<1x256x128xf32, #tpu.memory_space<hbm>>
    %dma_wait3A_171 = tpu.memref_squeeze %dma_wait3A_170 : memref<1x256x128xf32, #tpu.memory_space<hbm>> -> memref<256x128xf32, #tpu.memory_space<hbm>>
    %dma_wait3A_172 = arith.constant 1280 : i32
    %dma_wait3A_173 = tpu.memref_slice %arg2[%select_n3A, %dma_wait3A_172, %mul3A_38] : memref<4x4096x2048xf32, #tpu.memory_space<hbm>> -> memref<1x256x128xf32, #tpu.memory_space<hbm>>
    %dma_wait3A_174 = tpu.memref_squeeze %dma_wait3A_173 : memref<1x256x128xf32, #tpu.memory_space<hbm>> -> memref<256x128xf32, #tpu.memory_space<hbm>>
    tpu.wait_dma2 semaphore(%arg8 : memref<!tpu.dma_semaphore, #tpu.memory_space<semaphore_mem>>) src(%dma_wait3A_174 : memref<256x128xf32, #tpu.memory_space<hbm>>) dst(%arg5 : memref<256x128xf32, #tpu.memory_space<vmem>>)
    %scan3A_175 = arith.constant 0 : i32
    %scan3A_176 = arith.constant 256 : i32
    %scan3A_177 = arith.addi %scan3A_175, %scan3A_176 : i32
    %scan3A_178 = arith.constant 1 : i32
    %scan3A_179:16 = scf.for %scan3A_407 = %scan3A_175 to %scan3A_177 step %scan3A_178 iter_args(%scan3A_408 = %scan3A_161#0, %scan3A_409 = %scan3A_161#1, %scan3A_410 = %scan3A_161#2, %scan3A_411 = %scan3A_161#3, %scan3A_412 = %scan3A_161#4, %scan3A_413 = %scan3A_161#5, %scan3A_414 = %scan3A_161#6, %scan3A_415 = %scan3A_161#7, %scan3A_416 = %scan3A_161#8, %scan3A_417 = %scan3A_161#9, %scan3A_418 = %scan3A_161#10, %scan3A_419 = %scan3A_161#11, %scan3A_420 = %scan3A_161#12, %scan3A_421 = %scan3A_161#13, %scan3A_422 = %scan3A_161#14, %scan3A_423 = %scan3A_161#15) -> (vector<16xf32>, vector<16xf32>, vector<16xf32>, vector<16xf32>, vector<16xf32>, vector<16xf32>, vector<16xf32>, vector<16xf32>, vector<16xi32>, vector<16xi32>, vector<16xi32>, vector<16xi32>, vector<16xi32>, vector<16xi32>, vector<16xi32>, vector<16xi32>)  : i32 {
      %add3A_424 = arith.constant 1280 : i32
      %add3A_425 = arith.addi %add3A_424, %scan3A_407 : i32
      %broadcast_in_dim3A_426 = vector.broadcast %add3A_425 : i32 to vector<16xi32>
      %get3A = arith.index_cast %scan3A_407 : i32 to index
      %get3A_427 = arith.constant 0 : index
      %get3A_428 = tpu.vector_load %arg5[%get3A, %get3A_427] {strides = array<i32>} : memref<256x128xf32, #tpu.memory_space<vmem>>, vector<1x16xf32>,
      %get3A_429 = vector.shape_cast %get3A_428 : vector<1x16xf32> to vector<16xf32>
      %lt3A_430 = arith.cmpf olt, %get3A_429, %scan3A_408 : vector<16xf32>
      %select_n3A_431 = arith.select %lt3A_430, %get3A_429, %scan3A_408 : vector<16xi1>, vector<16xf32>
      %select_n3A_432 = arith.select %lt3A_430, %broadcast_in_dim3A_426, %scan3A_416 : vector<16xi1>, vector<16xi32>
      %get3A_433 = arith.index_cast %scan3A_407 : i32 to index
      %get3A_434 = arith.constant 16 : index
      %get3A_435 = tpu.vector_load %arg5[%get3A_433, %get3A_434] {strides = array<i32>} : memref<256x128xf32, #tpu.memory_space<vmem>>, vector<1x16xf32>,
      %get3A_436 = vector.shape_cast %get3A_435 : vector<1x16xf32> to vector<16xf32>
      %lt3A_437 = arith.cmpf olt, %get3A_436, %scan3A_409 : vector<16xf32>
      %select_n3A_438 = arith.select %lt3A_437, %get3A_436, %scan3A_409 : vector<16xi1>, vector<16xf32>
      %select_n3A_439 = arith.select %lt3A_437, %broadcast_in_dim3A_426, %scan3A_417 : vector<16xi1>, vector<16xi32>
      %get3A_440 = arith.index_cast %scan3A_407 : i32 to index
      %get3A_441 = arith.constant 32 : index
      %get3A_442 = tpu.vector_load %arg5[%get3A_440, %get3A_441] {strides = array<i32>} : memref<256x128xf32, #tpu.memory_space<vmem>>, vector<1x16xf32>,
      %get3A_443 = vector.shape_cast %get3A_442 : vector<1x16xf32> to vector<16xf32>
      %lt3A_444 = arith.cmpf olt, %get3A_443, %scan3A_410 : vector<16xf32>
      %select_n3A_445 = arith.select %lt3A_444, %get3A_443, %scan3A_410 : vector<16xi1>, vector<16xf32>
      %select_n3A_446 = arith.select %lt3A_444, %broadcast_in_dim3A_426, %scan3A_418 : vector<16xi1>, vector<16xi32>
      %get3A_447 = arith.index_cast %scan3A_407 : i32 to index
      %get3A_448 = arith.constant 48 : index
      %get3A_449 = tpu.vector_load %arg5[%get3A_447, %get3A_448] {strides = array<i32>} : memref<256x128xf32, #tpu.memory_space<vmem>>, vector<1x16xf32>,
      %get3A_450 = vector.shape_cast %get3A_449 : vector<1x16xf32> to vector<16xf32>
      %lt3A_451 = arith.cmpf olt, %get3A_450, %scan3A_411 : vector<16xf32>
      %select_n3A_452 = arith.select %lt3A_451, %get3A_450, %scan3A_411 : vector<16xi1>, vector<16xf32>
      %select_n3A_453 = arith.select %lt3A_451, %broadcast_in_dim3A_426, %scan3A_419 : vector<16xi1>, vector<16xi32>
      %get3A_454 = arith.index_cast %scan3A_407 : i32 to index
      %get3A_455 = arith.constant 64 : index
      %get3A_456 = tpu.vector_load %arg5[%get3A_454, %get3A_455] {strides = array<i32>} : memref<256x128xf32, #tpu.memory_space<vmem>>, vector<1x16xf32>,
      %get3A_457 = vector.shape_cast %get3A_456 : vector<1x16xf32> to vector<16xf32>
      %lt3A_458 = arith.cmpf olt, %get3A_457, %scan3A_412 : vector<16xf32>
      %select_n3A_459 = arith.select %lt3A_458, %get3A_457, %scan3A_412 : vector<16xi1>, vector<16xf32>
      %select_n3A_460 = arith.select %lt3A_458, %broadcast_in_dim3A_426, %scan3A_420 : vector<16xi1>, vector<16xi32>
      %get3A_461 = arith.index_cast %scan3A_407 : i32 to index
      %get3A_462 = arith.constant 80 : index
      %get3A_463 = tpu.vector_load %arg5[%get3A_461, %get3A_462] {strides = array<i32>} : memref<256x128xf32, #tpu.memory_space<vmem>>, vector<1x16xf32>,
      %get3A_464 = vector.shape_cast %get3A_463 : vector<1x16xf32> to vector<16xf32>
      %lt3A_465 = arith.cmpf olt, %get3A_464, %scan3A_413 : vector<16xf32>
      %select_n3A_466 = arith.select %lt3A_465, %get3A_464, %scan3A_413 : vector<16xi1>, vector<16xf32>
      %select_n3A_467 = arith.select %lt3A_465, %broadcast_in_dim3A_426, %scan3A_421 : vector<16xi1>, vector<16xi32>
      %get3A_468 = arith.index_cast %scan3A_407 : i32 to index
      %get3A_469 = arith.constant 96 : index
      %get3A_470 = tpu.vector_load %arg5[%get3A_468, %get3A_469] {strides = array<i32>} : memref<256x128xf32, #tpu.memory_space<vmem>>, vector<1x16xf32>,
      %get3A_471 = vector.shape_cast %get3A_470 : vector<1x16xf32> to vector<16xf32>
      %lt3A_472 = arith.cmpf olt, %get3A_471, %scan3A_414 : vector<16xf32>
      %select_n3A_473 = arith.select %lt3A_472, %get3A_471, %scan3A_414 : vector<16xi1>, vector<16xf32>
      %select_n3A_474 = arith.select %lt3A_472, %broadcast_in_dim3A_426, %scan3A_422 : vector<16xi1>, vector<16xi32>
      %get3A_475 = arith.index_cast %scan3A_407 : i32 to index
      %get3A_476 = arith.constant 112 : index
      %get3A_477 = tpu.vector_load %arg5[%get3A_475, %get3A_476] {strides = array<i32>} : memref<256x128xf32, #tpu.memory_space<vmem>>, vector<1x16xf32>,
      %get3A_478 = vector.shape_cast %get3A_477 : vector<1x16xf32> to vector<16xf32>
      %lt3A_479 = arith.cmpf olt, %get3A_478, %scan3A_415 : vector<16xf32>
      %select_n3A_480 = arith.select %lt3A_479, %get3A_478, %scan3A_415 : vector<16xi1>, vector<16xf32>
      %select_n3A_481 = arith.select %lt3A_479, %broadcast_in_dim3A_426, %scan3A_423 : vector<16xi1>, vector<16xi32>
      scf.yield %select_n3A_431, %select_n3A_438, %select_n3A_445, %select_n3A_452, %select_n3A_459, %select_n3A_466, %select_n3A_473, %select_n3A_480, %select_n3A_432, %select_n3A_439, %select_n3A_446, %select_n3A_453, %select_n3A_460, %select_n3A_467, %select_n3A_474, %select_n3A_481 : vector<16xf32>, vector<16xf32>, vector<16xf32>, vector<16xf32>, vector<16xf32>, vector<16xf32>, vector<16xf32>, vector<16xf32>, vector<16xi32>, vector<16xi32>, vector<16xi32>, vector<16xi32>, vector<16xi32>, vector<16xi32>, vector<16xi32>, vector<16xi32>
    }
    %scan3A_180 = arith.constant 256 : i32
    %dma_start3A_181 = arith.constant 1792 : i32
    %dma_start3A_182 = tpu.memref_slice %arg2[%select_n3A, %dma_start3A_181, %mul3A_38] : memref<4x4096x2048xf32, #tpu.memory_space<hbm>> -> memref<1x256x128xf32, #tpu.memory_space<hbm>>
    %dma_start3A_183 = tpu.memref_squeeze %dma_start3A_182 : memref<1x256x128xf32, #tpu.memory_space<hbm>> -> memref<256x128xf32, #tpu.memory_space<hbm>>
    %dma_start3A_184 = arith.constant 1792 : i32
    %dma_start3A_185 = tpu.memref_slice %arg2[%select_n3A, %dma_start3A_184, %mul3A_38] : memref<4x4096x2048xf32, #tpu.memory_space<hbm>> -> memref<1x256x128xf32, #tpu.memory_space<hbm>>
    %dma_start3A_186 = tpu.memref_squeeze %dma_start3A_185 : memref<1x256x128xf32, #tpu.memory_space<hbm>> -> memref<256x128xf32, #tpu.memory_space<hbm>>
    tpu.enqueue_dma source(%dma_start3A_186 : memref<256x128xf32, #tpu.memory_space<hbm>>) target(%arg5 : memref<256x128xf32, #tpu.memory_space<vmem>>) target_semaphore(%arg8 : memref<!tpu.dma_semaphore, #tpu.memory_space<semaphore_mem>>)
    %dma_wait3A_187 = arith.constant 1536 : i32
    %dma_wait3A_188 = tpu.memref_slice %arg2[%select_n3A, %dma_wait3A_187, %mul3A_38] : memref<4x4096x2048xf32, #tpu.memory_space<hbm>> -> memref<1x256x128xf32, #tpu.memory_space<hbm>>
    %dma_wait3A_189 = tpu.memref_squeeze %dma_wait3A_188 : memref<1x256x128xf32, #tpu.memory_space<hbm>> -> memref<256x128xf32, #tpu.memory_space<hbm>>
    %dma_wait3A_190 = arith.constant 1536 : i32
    %dma_wait3A_191 = tpu.memref_slice %arg2[%select_n3A, %dma_wait3A_190, %mul3A_38] : memref<4x4096x2048xf32, #tpu.memory_space<hbm>> -> memref<1x256x128xf32, #tpu.memory_space<hbm>>
    %dma_wait3A_192 = tpu.memref_squeeze %dma_wait3A_191 : memref<1x256x128xf32, #tpu.memory_space<hbm>> -> memref<256x128xf32, #tpu.memory_space<hbm>>
    tpu.wait_dma2 semaphore(%arg7 : memref<!tpu.dma_semaphore, #tpu.memory_space<semaphore_mem>>) src(%dma_wait3A_192 : memref<256x128xf32, #tpu.memory_space<hbm>>) dst(%arg4 : memref<256x128xf32, #tpu.memory_space<vmem>>)
    %scan3A_193 = arith.constant 0 : i32
    %scan3A_194 = arith.constant 256 : i32
    %scan3A_195 = arith.addi %scan3A_193, %scan3A_194 : i32
    %scan3A_196 = arith.constant 1 : i32
    %scan3A_197:16 = scf.for %scan3A_407 = %scan3A_193 to %scan3A_195 step %scan3A_196 iter_args(%scan3A_408 = %scan3A_179#0, %scan3A_409 = %scan3A_179#1, %scan3A_410 = %scan3A_179#2, %scan3A_411 = %scan3A_179#3, %scan3A_412 = %scan3A_179#4, %scan3A_413 = %scan3A_179#5, %scan3A_414 = %scan3A_179#6, %scan3A_415 = %scan3A_179#7, %scan3A_416 = %scan3A_179#8, %scan3A_417 = %scan3A_179#9, %scan3A_418 = %scan3A_179#10, %scan3A_419 = %scan3A_179#11, %scan3A_420 = %scan3A_179#12, %scan3A_421 = %scan3A_179#13, %scan3A_422 = %scan3A_179#14, %scan3A_423 = %scan3A_179#15) -> (vector<16xf32>, vector<16xf32>, vector<16xf32>, vector<16xf32>, vector<16xf32>, vector<16xf32>, vector<16xf32>, vector<16xf32>, vector<16xi32>, vector<16xi32>, vector<16xi32>, vector<16xi32>, vector<16xi32>, vector<16xi32>, vector<16xi32>, vector<16xi32>)  : i32 {
      %add3A_424 = arith.constant 1536 : i32
      %add3A_425 = arith.addi %add3A_424, %scan3A_407 : i32
      %broadcast_in_dim3A_426 = vector.broadcast %add3A_425 : i32 to vector<16xi32>
      %get3A = arith.index_cast %scan3A_407 : i32 to index
      %get3A_427 = arith.constant 0 : index
      %get3A_428 = tpu.vector_load %arg4[%get3A, %get3A_427] {strides = array<i32>} : memref<256x128xf32, #tpu.memory_space<vmem>>, vector<1x16xf32>,
      %get3A_429 = vector.shape_cast %get3A_428 : vector<1x16xf32> to vector<16xf32>
      %lt3A_430 = arith.cmpf olt, %get3A_429, %scan3A_408 : vector<16xf32>
      %select_n3A_431 = arith.select %lt3A_430, %get3A_429, %scan3A_408 : vector<16xi1>, vector<16xf32>
      %select_n3A_432 = arith.select %lt3A_430, %broadcast_in_dim3A_426, %scan3A_416 : vector<16xi1>, vector<16xi32>
      %get3A_433 = arith.index_cast %scan3A_407 : i32 to index
      %get3A_434 = arith.constant 16 : index
      %get3A_435 = tpu.vector_load %arg4[%get3A_433, %get3A_434] {strides = array<i32>} : memref<256x128xf32, #tpu.memory_space<vmem>>, vector<1x16xf32>,
      %get3A_436 = vector.shape_cast %get3A_435 : vector<1x16xf32> to vector<16xf32>
      %lt3A_437 = arith.cmpf olt, %get3A_436, %scan3A_409 : vector<16xf32>
      %select_n3A_438 = arith.select %lt3A_437, %get3A_436, %scan3A_409 : vector<16xi1>, vector<16xf32>
      %select_n3A_439 = arith.select %lt3A_437, %broadcast_in_dim3A_426, %scan3A_417 : vector<16xi1>, vector<16xi32>
      %get3A_440 = arith.index_cast %scan3A_407 : i32 to index
      %get3A_441 = arith.constant 32 : index
      %get3A_442 = tpu.vector_load %arg4[%get3A_440, %get3A_441] {strides = array<i32>} : memref<256x128xf32, #tpu.memory_space<vmem>>, vector<1x16xf32>,
      %get3A_443 = vector.shape_cast %get3A_442 : vector<1x16xf32> to vector<16xf32>
      %lt3A_444 = arith.cmpf olt, %get3A_443, %scan3A_410 : vector<16xf32>
      %select_n3A_445 = arith.select %lt3A_444, %get3A_443, %scan3A_410 : vector<16xi1>, vector<16xf32>
      %select_n3A_446 = arith.select %lt3A_444, %broadcast_in_dim3A_426, %scan3A_418 : vector<16xi1>, vector<16xi32>
      %get3A_447 = arith.index_cast %scan3A_407 : i32 to index
      %get3A_448 = arith.constant 48 : index
      %get3A_449 = tpu.vector_load %arg4[%get3A_447, %get3A_448] {strides = array<i32>} : memref<256x128xf32, #tpu.memory_space<vmem>>, vector<1x16xf32>,
      %get3A_450 = vector.shape_cast %get3A_449 : vector<1x16xf32> to vector<16xf32>
      %lt3A_451 = arith.cmpf olt, %get3A_450, %scan3A_411 : vector<16xf32>
      %select_n3A_452 = arith.select %lt3A_451, %get3A_450, %scan3A_411 : vector<16xi1>, vector<16xf32>
      %select_n3A_453 = arith.select %lt3A_451, %broadcast_in_dim3A_426, %scan3A_419 : vector<16xi1>, vector<16xi32>
      %get3A_454 = arith.index_cast %scan3A_407 : i32 to index
      %get3A_455 = arith.constant 64 : index
      %get3A_456 = tpu.vector_load %arg4[%get3A_454, %get3A_455] {strides = array<i32>} : memref<256x128xf32, #tpu.memory_space<vmem>>, vector<1x16xf32>,
      %get3A_457 = vector.shape_cast %get3A_456 : vector<1x16xf32> to vector<16xf32>
      %lt3A_458 = arith.cmpf olt, %get3A_457, %scan3A_412 : vector<16xf32>
      %select_n3A_459 = arith.select %lt3A_458, %get3A_457, %scan3A_412 : vector<16xi1>, vector<16xf32>
      %select_n3A_460 = arith.select %lt3A_458, %broadcast_in_dim3A_426, %scan3A_420 : vector<16xi1>, vector<16xi32>
      %get3A_461 = arith.index_cast %scan3A_407 : i32 to index
      %get3A_462 = arith.constant 80 : index
      %get3A_463 = tpu.vector_load %arg4[%get3A_461, %get3A_462] {strides = array<i32>} : memref<256x128xf32, #tpu.memory_space<vmem>>, vector<1x16xf32>,
      %get3A_464 = vector.shape_cast %get3A_463 : vector<1x16xf32> to vector<16xf32>
      %lt3A_465 = arith.cmpf olt, %get3A_464, %scan3A_413 : vector<16xf32>
      %select_n3A_466 = arith.select %lt3A_465, %get3A_464, %scan3A_413 : vector<16xi1>, vector<16xf32>
      %select_n3A_467 = arith.select %lt3A_465, %broadcast_in_dim3A_426, %scan3A_421 : vector<16xi1>, vector<16xi32>
      %get3A_468 = arith.index_cast %scan3A_407 : i32 to index
      %get3A_469 = arith.constant 96 : index
      %get3A_470 = tpu.vector_load %arg4[%get3A_468, %get3A_469] {strides = array<i32>} : memref<256x128xf32, #tpu.memory_space<vmem>>, vector<1x16xf32>,
      %get3A_471 = vector.shape_cast %get3A_470 : vector<1x16xf32> to vector<16xf32>
      %lt3A_472 = arith.cmpf olt, %get3A_471, %scan3A_414 : vector<16xf32>
      %select_n3A_473 = arith.select %lt3A_472, %get3A_471, %scan3A_414 : vector<16xi1>, vector<16xf32>
      %select_n3A_474 = arith.select %lt3A_472, %broadcast_in_dim3A_426, %scan3A_422 : vector<16xi1>, vector<16xi32>
      %get3A_475 = arith.index_cast %scan3A_407 : i32 to index
      %get3A_476 = arith.constant 112 : index
      %get3A_477 = tpu.vector_load %arg4[%get3A_475, %get3A_476] {strides = array<i32>} : memref<256x128xf32, #tpu.memory_space<vmem>>, vector<1x16xf32>,
      %get3A_478 = vector.shape_cast %get3A_477 : vector<1x16xf32> to vector<16xf32>
      %lt3A_479 = arith.cmpf olt, %get3A_478, %scan3A_415 : vector<16xf32>
      %select_n3A_480 = arith.select %lt3A_479, %get3A_478, %scan3A_415 : vector<16xi1>, vector<16xf32>
      %select_n3A_481 = arith.select %lt3A_479, %broadcast_in_dim3A_426, %scan3A_423 : vector<16xi1>, vector<16xi32>
      scf.yield %select_n3A_431, %select_n3A_438, %select_n3A_445, %select_n3A_452, %select_n3A_459, %select_n3A_466, %select_n3A_473, %select_n3A_480, %select_n3A_432, %select_n3A_439, %select_n3A_446, %select_n3A_453, %select_n3A_460, %select_n3A_467, %select_n3A_474, %select_n3A_481 : vector<16xf32>, vector<16xf32>, vector<16xf32>, vector<16xf32>, vector<16xf32>, vector<16xf32>, vector<16xf32>, vector<16xf32>, vector<16xi32>, vector<16xi32>, vector<16xi32>, vector<16xi32>, vector<16xi32>, vector<16xi32>, vector<16xi32>, vector<16xi32>
    }
    %scan3A_198 = arith.constant 256 : i32
    %dma_start3A_199 = arith.constant 2048 : i32
    %dma_start3A_200 = tpu.memref_slice %arg2[%select_n3A, %dma_start3A_199, %mul3A_38] : memref<4x4096x2048xf32, #tpu.memory_space<hbm>> -> memref<1x256x128xf32, #tpu.memory_space<hbm>>
    %dma_start3A_201 = tpu.memref_squeeze %dma_start3A_200 : memref<1x256x128xf32, #tpu.memory_space<hbm>> -> memref<256x128xf32, #tpu.memory_space<hbm>>
    %dma_start3A_202 = arith.constant 2048 : i32
    %dma_start3A_203 = tpu.memref_slice %arg2[%select_n3A, %dma_start3A_202, %mul3A_38] : memref<4x4096x2048xf32, #tpu.memory_space<hbm>> -> memref<1x256x128xf32, #tpu.memory_space<hbm>>
    %dma_start3A_204 = tpu.memref_squeeze %dma_start3A_203 : memref<1x256x128xf32, #tpu.memory_space<hbm>> -> memref<256x128xf32, #tpu.memory_space<hbm>>
    tpu.enqueue_dma source(%dma_start3A_204 : memref<256x128xf32, #tpu.memory_space<hbm>>) target(%arg4 : memref<256x128xf32, #tpu.memory_space<vmem>>) target_semaphore(%arg7 : memref<!tpu.dma_semaphore, #tpu.memory_space<semaphore_mem>>)
    %dma_wait3A_205 = arith.constant 1792 : i32
    %dma_wait3A_206 = tpu.memref_slice %arg2[%select_n3A, %dma_wait3A_205, %mul3A_38] : memref<4x4096x2048xf32, #tpu.memory_space<hbm>> -> memref<1x256x128xf32, #tpu.memory_space<hbm>>
    %dma_wait3A_207 = tpu.memref_squeeze %dma_wait3A_206 : memref<1x256x128xf32, #tpu.memory_space<hbm>> -> memref<256x128xf32, #tpu.memory_space<hbm>>
    %dma_wait3A_208 = arith.constant 1792 : i32
    %dma_wait3A_209 = tpu.memref_slice %arg2[%select_n3A, %dma_wait3A_208, %mul3A_38] : memref<4x4096x2048xf32, #tpu.memory_space<hbm>> -> memref<1x256x128xf32, #tpu.memory_space<hbm>>
    %dma_wait3A_210 = tpu.memref_squeeze %dma_wait3A_209 : memref<1x256x128xf32, #tpu.memory_space<hbm>> -> memref<256x128xf32, #tpu.memory_space<hbm>>
    tpu.wait_dma2 semaphore(%arg8 : memref<!tpu.dma_semaphore, #tpu.memory_space<semaphore_mem>>) src(%dma_wait3A_210 : memref<256x128xf32, #tpu.memory_space<hbm>>) dst(%arg5 : memref<256x128xf32, #tpu.memory_space<vmem>>)
    %scan3A_211 = arith.constant 0 : i32
    %scan3A_212 = arith.constant 256 : i32
    %scan3A_213 = arith.addi %scan3A_211, %scan3A_212 : i32
    %scan3A_214 = arith.constant 1 : i32
    %scan3A_215:16 = scf.for %scan3A_407 = %scan3A_211 to %scan3A_213 step %scan3A_214 iter_args(%scan3A_408 = %scan3A_197#0, %scan3A_409 = %scan3A_197#1, %scan3A_410 = %scan3A_197#2, %scan3A_411 = %scan3A_197#3, %scan3A_412 = %scan3A_197#4, %scan3A_413 = %scan3A_197#5, %scan3A_414 = %scan3A_197#6, %scan3A_415 = %scan3A_197#7, %scan3A_416 = %scan3A_197#8, %scan3A_417 = %scan3A_197#9, %scan3A_418 = %scan3A_197#10, %scan3A_419 = %scan3A_197#11, %scan3A_420 = %scan3A_197#12, %scan3A_421 = %scan3A_197#13, %scan3A_422 = %scan3A_197#14, %scan3A_423 = %scan3A_197#15) -> (vector<16xf32>, vector<16xf32>, vector<16xf32>, vector<16xf32>, vector<16xf32>, vector<16xf32>, vector<16xf32>, vector<16xf32>, vector<16xi32>, vector<16xi32>, vector<16xi32>, vector<16xi32>, vector<16xi32>, vector<16xi32>, vector<16xi32>, vector<16xi32>)  : i32 {
      %add3A_424 = arith.constant 1792 : i32
      %add3A_425 = arith.addi %add3A_424, %scan3A_407 : i32
      %broadcast_in_dim3A_426 = vector.broadcast %add3A_425 : i32 to vector<16xi32>
      %get3A = arith.index_cast %scan3A_407 : i32 to index
      %get3A_427 = arith.constant 0 : index
      %get3A_428 = tpu.vector_load %arg5[%get3A, %get3A_427] {strides = array<i32>} : memref<256x128xf32, #tpu.memory_space<vmem>>, vector<1x16xf32>,
      %get3A_429 = vector.shape_cast %get3A_428 : vector<1x16xf32> to vector<16xf32>
      %lt3A_430 = arith.cmpf olt, %get3A_429, %scan3A_408 : vector<16xf32>
      %select_n3A_431 = arith.select %lt3A_430, %get3A_429, %scan3A_408 : vector<16xi1>, vector<16xf32>
      %select_n3A_432 = arith.select %lt3A_430, %broadcast_in_dim3A_426, %scan3A_416 : vector<16xi1>, vector<16xi32>
      %get3A_433 = arith.index_cast %scan3A_407 : i32 to index
      %get3A_434 = arith.constant 16 : index
      %get3A_435 = tpu.vector_load %arg5[%get3A_433, %get3A_434] {strides = array<i32>} : memref<256x128xf32, #tpu.memory_space<vmem>>, vector<1x16xf32>,
      %get3A_436 = vector.shape_cast %get3A_435 : vector<1x16xf32> to vector<16xf32>
      %lt3A_437 = arith.cmpf olt, %get3A_436, %scan3A_409 : vector<16xf32>
      %select_n3A_438 = arith.select %lt3A_437, %get3A_436, %scan3A_409 : vector<16xi1>, vector<16xf32>
      %select_n3A_439 = arith.select %lt3A_437, %broadcast_in_dim3A_426, %scan3A_417 : vector<16xi1>, vector<16xi32>
      %get3A_440 = arith.index_cast %scan3A_407 : i32 to index
      %get3A_441 = arith.constant 32 : index
      %get3A_442 = tpu.vector_load %arg5[%get3A_440, %get3A_441] {strides = array<i32>} : memref<256x128xf32, #tpu.memory_space<vmem>>, vector<1x16xf32>,
      %get3A_443 = vector.shape_cast %get3A_442 : vector<1x16xf32> to vector<16xf32>
      %lt3A_444 = arith.cmpf olt, %get3A_443, %scan3A_410 : vector<16xf32>
      %select_n3A_445 = arith.select %lt3A_444, %get3A_443, %scan3A_410 : vector<16xi1>, vector<16xf32>
      %select_n3A_446 = arith.select %lt3A_444, %broadcast_in_dim3A_426, %scan3A_418 : vector<16xi1>, vector<16xi32>
      %get3A_447 = arith.index_cast %scan3A_407 : i32 to index
      %get3A_448 = arith.constant 48 : index
      %get3A_449 = tpu.vector_load %arg5[%get3A_447, %get3A_448] {strides = array<i32>} : memref<256x128xf32, #tpu.memory_space<vmem>>, vector<1x16xf32>,
      %get3A_450 = vector.shape_cast %get3A_449 : vector<1x16xf32> to vector<16xf32>
      %lt3A_451 = arith.cmpf olt, %get3A_450, %scan3A_411 : vector<16xf32>
      %select_n3A_452 = arith.select %lt3A_451, %get3A_450, %scan3A_411 : vector<16xi1>, vector<16xf32>
      %select_n3A_453 = arith.select %lt3A_451, %broadcast_in_dim3A_426, %scan3A_419 : vector<16xi1>, vector<16xi32>
      %get3A_454 = arith.index_cast %scan3A_407 : i32 to index
      %get3A_455 = arith.constant 64 : index
      %get3A_456 = tpu.vector_load %arg5[%get3A_454, %get3A_455] {strides = array<i32>} : memref<256x128xf32, #tpu.memory_space<vmem>>, vector<1x16xf32>,
      %get3A_457 = vector.shape_cast %get3A_456 : vector<1x16xf32> to vector<16xf32>
      %lt3A_458 = arith.cmpf olt, %get3A_457, %scan3A_412 : vector<16xf32>
      %select_n3A_459 = arith.select %lt3A_458, %get3A_457, %scan3A_412 : vector<16xi1>, vector<16xf32>
      %select_n3A_460 = arith.select %lt3A_458, %broadcast_in_dim3A_426, %scan3A_420 : vector<16xi1>, vector<16xi32>
      %get3A_461 = arith.index_cast %scan3A_407 : i32 to index
      %get3A_462 = arith.constant 80 : index
      %get3A_463 = tpu.vector_load %arg5[%get3A_461, %get3A_462] {strides = array<i32>} : memref<256x128xf32, #tpu.memory_space<vmem>>, vector<1x16xf32>,
      %get3A_464 = vector.shape_cast %get3A_463 : vector<1x16xf32> to vector<16xf32>
      %lt3A_465 = arith.cmpf olt, %get3A_464, %scan3A_413 : vector<16xf32>
      %select_n3A_466 = arith.select %lt3A_465, %get3A_464, %scan3A_413 : vector<16xi1>, vector<16xf32>
      %select_n3A_467 = arith.select %lt3A_465, %broadcast_in_dim3A_426, %scan3A_421 : vector<16xi1>, vector<16xi32>
      %get3A_468 = arith.index_cast %scan3A_407 : i32 to index
      %get3A_469 = arith.constant 96 : index
      %get3A_470 = tpu.vector_load %arg5[%get3A_468, %get3A_469] {strides = array<i32>} : memref<256x128xf32, #tpu.memory_space<vmem>>, vector<1x16xf32>,
      %get3A_471 = vector.shape_cast %get3A_470 : vector<1x16xf32> to vector<16xf32>
      %lt3A_472 = arith.cmpf olt, %get3A_471, %scan3A_414 : vector<16xf32>
      %select_n3A_473 = arith.select %lt3A_472, %get3A_471, %scan3A_414 : vector<16xi1>, vector<16xf32>
      %select_n3A_474 = arith.select %lt3A_472, %broadcast_in_dim3A_426, %scan3A_422 : vector<16xi1>, vector<16xi32>
      %get3A_475 = arith.index_cast %scan3A_407 : i32 to index
      %get3A_476 = arith.constant 112 : index
      %get3A_477 = tpu.vector_load %arg5[%get3A_475, %get3A_476] {strides = array<i32>} : memref<256x128xf32, #tpu.memory_space<vmem>>, vector<1x16xf32>,
      %get3A_478 = vector.shape_cast %get3A_477 : vector<1x16xf32> to vector<16xf32>
      %lt3A_479 = arith.cmpf olt, %get3A_478, %scan3A_415 : vector<16xf32>
      %select_n3A_480 = arith.select %lt3A_479, %get3A_478, %scan3A_415 : vector<16xi1>, vector<16xf32>
      %select_n3A_481 = arith.select %lt3A_479, %broadcast_in_dim3A_426, %scan3A_423 : vector<16xi1>, vector<16xi32>
      scf.yield %select_n3A_431, %select_n3A_438, %select_n3A_445, %select_n3A_452, %select_n3A_459, %select_n3A_466, %select_n3A_473, %select_n3A_480, %select_n3A_432, %select_n3A_439, %select_n3A_446, %select_n3A_453, %select_n3A_460, %select_n3A_467, %select_n3A_474, %select_n3A_481 : vector<16xf32>, vector<16xf32>, vector<16xf32>, vector<16xf32>, vector<16xf32>, vector<16xf32>, vector<16xf32>, vector<16xf32>, vector<16xi32>, vector<16xi32>, vector<16xi32>, vector<16xi32>, vector<16xi32>, vector<16xi32>, vector<16xi32>, vector<16xi32>
    }
    %scan3A_216 = arith.constant 256 : i32
    %dma_start3A_217 = arith.constant 2304 : i32
    %dma_start3A_218 = tpu.memref_slice %arg2[%select_n3A, %dma_start3A_217, %mul3A_38] : memref<4x4096x2048xf32, #tpu.memory_space<hbm>> -> memref<1x256x128xf32, #tpu.memory_space<hbm>>
    %dma_start3A_219 = tpu.memref_squeeze %dma_start3A_218 : memref<1x256x128xf32, #tpu.memory_space<hbm>> -> memref<256x128xf32, #tpu.memory_space<hbm>>
    %dma_start3A_220 = arith.constant 2304 : i32
    %dma_start3A_221 = tpu.memref_slice %arg2[%select_n3A, %dma_start3A_220, %mul3A_38] : memref<4x4096x2048xf32, #tpu.memory_space<hbm>> -> memref<1x256x128xf32, #tpu.memory_space<hbm>>
    %dma_start3A_222 = tpu.memref_squeeze %dma_start3A_221 : memref<1x256x128xf32, #tpu.memory_space<hbm>> -> memref<256x128xf32, #tpu.memory_space<hbm>>
    tpu.enqueue_dma source(%dma_start3A_222 : memref<256x128xf32, #tpu.memory_space<hbm>>) target(%arg5 : memref<256x128xf32, #tpu.memory_space<vmem>>) target_semaphore(%arg8 : memref<!tpu.dma_semaphore, #tpu.memory_space<semaphore_mem>>)
    %dma_wait3A_223 = arith.constant 2048 : i32
    %dma_wait3A_224 = tpu.memref_slice %arg2[%select_n3A, %dma_wait3A_223, %mul3A_38] : memref<4x4096x2048xf32, #tpu.memory_space<hbm>> -> memref<1x256x128xf32, #tpu.memory_space<hbm>>
    %dma_wait3A_225 = tpu.memref_squeeze %dma_wait3A_224 : memref<1x256x128xf32, #tpu.memory_space<hbm>> -> memref<256x128xf32, #tpu.memory_space<hbm>>
    %dma_wait3A_226 = arith.constant 2048 : i32
    %dma_wait3A_227 = tpu.memref_slice %arg2[%select_n3A, %dma_wait3A_226, %mul3A_38] : memref<4x4096x2048xf32, #tpu.memory_space<hbm>> -> memref<1x256x128xf32, #tpu.memory_space<hbm>>
    %dma_wait3A_228 = tpu.memref_squeeze %dma_wait3A_227 : memref<1x256x128xf32, #tpu.memory_space<hbm>> -> memref<256x128xf32, #tpu.memory_space<hbm>>
    tpu.wait_dma2 semaphore(%arg7 : memref<!tpu.dma_semaphore, #tpu.memory_space<semaphore_mem>>) src(%dma_wait3A_228 : memref<256x128xf32, #tpu.memory_space<hbm>>) dst(%arg4 : memref<256x128xf32, #tpu.memory_space<vmem>>)
    %scan3A_229 = arith.constant 0 : i32
    %scan3A_230 = arith.constant 256 : i32
    %scan3A_231 = arith.addi %scan3A_229, %scan3A_230 : i32
    %scan3A_232 = arith.constant 1 : i32
    %scan3A_233:16 = scf.for %scan3A_407 = %scan3A_229 to %scan3A_231 step %scan3A_232 iter_args(%scan3A_408 = %scan3A_215#0, %scan3A_409 = %scan3A_215#1, %scan3A_410 = %scan3A_215#2, %scan3A_411 = %scan3A_215#3, %scan3A_412 = %scan3A_215#4, %scan3A_413 = %scan3A_215#5, %scan3A_414 = %scan3A_215#6, %scan3A_415 = %scan3A_215#7, %scan3A_416 = %scan3A_215#8, %scan3A_417 = %scan3A_215#9, %scan3A_418 = %scan3A_215#10, %scan3A_419 = %scan3A_215#11, %scan3A_420 = %scan3A_215#12, %scan3A_421 = %scan3A_215#13, %scan3A_422 = %scan3A_215#14, %scan3A_423 = %scan3A_215#15) -> (vector<16xf32>, vector<16xf32>, vector<16xf32>, vector<16xf32>, vector<16xf32>, vector<16xf32>, vector<16xf32>, vector<16xf32>, vector<16xi32>, vector<16xi32>, vector<16xi32>, vector<16xi32>, vector<16xi32>, vector<16xi32>, vector<16xi32>, vector<16xi32>)  : i32 {
      %add3A_424 = arith.constant 2048 : i32
      %add3A_425 = arith.addi %add3A_424, %scan3A_407 : i32
      %broadcast_in_dim3A_426 = vector.broadcast %add3A_425 : i32 to vector<16xi32>
      %get3A = arith.index_cast %scan3A_407 : i32 to index
      %get3A_427 = arith.constant 0 : index
      %get3A_428 = tpu.vector_load %arg4[%get3A, %get3A_427] {strides = array<i32>} : memref<256x128xf32, #tpu.memory_space<vmem>>, vector<1x16xf32>,
      %get3A_429 = vector.shape_cast %get3A_428 : vector<1x16xf32> to vector<16xf32>
      %lt3A_430 = arith.cmpf olt, %get3A_429, %scan3A_408 : vector<16xf32>
      %select_n3A_431 = arith.select %lt3A_430, %get3A_429, %scan3A_408 : vector<16xi1>, vector<16xf32>
      %select_n3A_432 = arith.select %lt3A_430, %broadcast_in_dim3A_426, %scan3A_416 : vector<16xi1>, vector<16xi32>
      %get3A_433 = arith.index_cast %scan3A_407 : i32 to index
      %get3A_434 = arith.constant 16 : index
      %get3A_435 = tpu.vector_load %arg4[%get3A_433, %get3A_434] {strides = array<i32>} : memref<256x128xf32, #tpu.memory_space<vmem>>, vector<1x16xf32>,
      %get3A_436 = vector.shape_cast %get3A_435 : vector<1x16xf32> to vector<16xf32>
      %lt3A_437 = arith.cmpf olt, %get3A_436, %scan3A_409 : vector<16xf32>
      %select_n3A_438 = arith.select %lt3A_437, %get3A_436, %scan3A_409 : vector<16xi1>, vector<16xf32>
      %select_n3A_439 = arith.select %lt3A_437, %broadcast_in_dim3A_426, %scan3A_417 : vector<16xi1>, vector<16xi32>
      %get3A_440 = arith.index_cast %scan3A_407 : i32 to index
      %get3A_441 = arith.constant 32 : index
      %get3A_442 = tpu.vector_load %arg4[%get3A_440, %get3A_441] {strides = array<i32>} : memref<256x128xf32, #tpu.memory_space<vmem>>, vector<1x16xf32>,
      %get3A_443 = vector.shape_cast %get3A_442 : vector<1x16xf32> to vector<16xf32>
      %lt3A_444 = arith.cmpf olt, %get3A_443, %scan3A_410 : vector<16xf32>
      %select_n3A_445 = arith.select %lt3A_444, %get3A_443, %scan3A_410 : vector<16xi1>, vector<16xf32>
      %select_n3A_446 = arith.select %lt3A_444, %broadcast_in_dim3A_426, %scan3A_418 : vector<16xi1>, vector<16xi32>
      %get3A_447 = arith.index_cast %scan3A_407 : i32 to index
      %get3A_448 = arith.constant 48 : index
      %get3A_449 = tpu.vector_load %arg4[%get3A_447, %get3A_448] {strides = array<i32>} : memref<256x128xf32, #tpu.memory_space<vmem>>, vector<1x16xf32>,
      %get3A_450 = vector.shape_cast %get3A_449 : vector<1x16xf32> to vector<16xf32>
      %lt3A_451 = arith.cmpf olt, %get3A_450, %scan3A_411 : vector<16xf32>
      %select_n3A_452 = arith.select %lt3A_451, %get3A_450, %scan3A_411 : vector<16xi1>, vector<16xf32>
      %select_n3A_453 = arith.select %lt3A_451, %broadcast_in_dim3A_426, %scan3A_419 : vector<16xi1>, vector<16xi32>
      %get3A_454 = arith.index_cast %scan3A_407 : i32 to index
      %get3A_455 = arith.constant 64 : index
      %get3A_456 = tpu.vector_load %arg4[%get3A_454, %get3A_455] {strides = array<i32>} : memref<256x128xf32, #tpu.memory_space<vmem>>, vector<1x16xf32>,
      %get3A_457 = vector.shape_cast %get3A_456 : vector<1x16xf32> to vector<16xf32>
      %lt3A_458 = arith.cmpf olt, %get3A_457, %scan3A_412 : vector<16xf32>
      %select_n3A_459 = arith.select %lt3A_458, %get3A_457, %scan3A_412 : vector<16xi1>, vector<16xf32>
      %select_n3A_460 = arith.select %lt3A_458, %broadcast_in_dim3A_426, %scan3A_420 : vector<16xi1>, vector<16xi32>
      %get3A_461 = arith.index_cast %scan3A_407 : i32 to index
      %get3A_462 = arith.constant 80 : index
      %get3A_463 = tpu.vector_load %arg4[%get3A_461, %get3A_462] {strides = array<i32>} : memref<256x128xf32, #tpu.memory_space<vmem>>, vector<1x16xf32>,
      %get3A_464 = vector.shape_cast %get3A_463 : vector<1x16xf32> to vector<16xf32>
      %lt3A_465 = arith.cmpf olt, %get3A_464, %scan3A_413 : vector<16xf32>
      %select_n3A_466 = arith.select %lt3A_465, %get3A_464, %scan3A_413 : vector<16xi1>, vector<16xf32>
      %select_n3A_467 = arith.select %lt3A_465, %broadcast_in_dim3A_426, %scan3A_421 : vector<16xi1>, vector<16xi32>
      %get3A_468 = arith.index_cast %scan3A_407 : i32 to index
      %get3A_469 = arith.constant 96 : index
      %get3A_470 = tpu.vector_load %arg4[%get3A_468, %get3A_469] {strides = array<i32>} : memref<256x128xf32, #tpu.memory_space<vmem>>, vector<1x16xf32>,
      %get3A_471 = vector.shape_cast %get3A_470 : vector<1x16xf32> to vector<16xf32>
      %lt3A_472 = arith.cmpf olt, %get3A_471, %scan3A_414 : vector<16xf32>
      %select_n3A_473 = arith.select %lt3A_472, %get3A_471, %scan3A_414 : vector<16xi1>, vector<16xf32>
      %select_n3A_474 = arith.select %lt3A_472, %broadcast_in_dim3A_426, %scan3A_422 : vector<16xi1>, vector<16xi32>
      %get3A_475 = arith.index_cast %scan3A_407 : i32 to index
      %get3A_476 = arith.constant 112 : index
      %get3A_477 = tpu.vector_load %arg4[%get3A_475, %get3A_476] {strides = array<i32>} : memref<256x128xf32, #tpu.memory_space<vmem>>, vector<1x16xf32>,
      %get3A_478 = vector.shape_cast %get3A_477 : vector<1x16xf32> to vector<16xf32>
      %lt3A_479 = arith.cmpf olt, %get3A_478, %scan3A_415 : vector<16xf32>
      %select_n3A_480 = arith.select %lt3A_479, %get3A_478, %scan3A_415 : vector<16xi1>, vector<16xf32>
      %select_n3A_481 = arith.select %lt3A_479, %broadcast_in_dim3A_426, %scan3A_423 : vector<16xi1>, vector<16xi32>
      scf.yield %select_n3A_431, %select_n3A_438, %select_n3A_445, %select_n3A_452, %select_n3A_459, %select_n3A_466, %select_n3A_473, %select_n3A_480, %select_n3A_432, %select_n3A_439, %select_n3A_446, %select_n3A_453, %select_n3A_460, %select_n3A_467, %select_n3A_474, %select_n3A_481 : vector<16xf32>, vector<16xf32>, vector<16xf32>, vector<16xf32>, vector<16xf32>, vector<16xf32>, vector<16xf32>, vector<16xf32>, vector<16xi32>, vector<16xi32>, vector<16xi32>, vector<16xi32>, vector<16xi32>, vector<16xi32>, vector<16xi32>, vector<16xi32>
    }
    %scan3A_234 = arith.constant 256 : i32
    %dma_start3A_235 = arith.constant 2560 : i32
    %dma_start3A_236 = tpu.memref_slice %arg2[%select_n3A, %dma_start3A_235, %mul3A_38] : memref<4x4096x2048xf32, #tpu.memory_space<hbm>> -> memref<1x256x128xf32, #tpu.memory_space<hbm>>
    %dma_start3A_237 = tpu.memref_squeeze %dma_start3A_236 : memref<1x256x128xf32, #tpu.memory_space<hbm>> -> memref<256x128xf32, #tpu.memory_space<hbm>>
    %dma_start3A_238 = arith.constant 2560 : i32
    %dma_start3A_239 = tpu.memref_slice %arg2[%select_n3A, %dma_start3A_238, %mul3A_38] : memref<4x4096x2048xf32, #tpu.memory_space<hbm>> -> memref<1x256x128xf32, #tpu.memory_space<hbm>>
    %dma_start3A_240 = tpu.memref_squeeze %dma_start3A_239 : memref<1x256x128xf32, #tpu.memory_space<hbm>> -> memref<256x128xf32, #tpu.memory_space<hbm>>
    tpu.enqueue_dma source(%dma_start3A_240 : memref<256x128xf32, #tpu.memory_space<hbm>>) target(%arg4 : memref<256x128xf32, #tpu.memory_space<vmem>>) target_semaphore(%arg7 : memref<!tpu.dma_semaphore, #tpu.memory_space<semaphore_mem>>)
    %dma_wait3A_241 = arith.constant 2304 : i32
    %dma_wait3A_242 = tpu.memref_slice %arg2[%select_n3A, %dma_wait3A_241, %mul3A_38] : memref<4x4096x2048xf32, #tpu.memory_space<hbm>> -> memref<1x256x128xf32, #tpu.memory_space<hbm>>
    %dma_wait3A_243 = tpu.memref_squeeze %dma_wait3A_242 : memref<1x256x128xf32, #tpu.memory_space<hbm>> -> memref<256x128xf32, #tpu.memory_space<hbm>>
    %dma_wait3A_244 = arith.constant 2304 : i32
    %dma_wait3A_245 = tpu.memref_slice %arg2[%select_n3A, %dma_wait3A_244, %mul3A_38] : memref<4x4096x2048xf32, #tpu.memory_space<hbm>> -> memref<1x256x128xf32, #tpu.memory_space<hbm>>
    %dma_wait3A_246 = tpu.memref_squeeze %dma_wait3A_245 : memref<1x256x128xf32, #tpu.memory_space<hbm>> -> memref<256x128xf32, #tpu.memory_space<hbm>>
    tpu.wait_dma2 semaphore(%arg8 : memref<!tpu.dma_semaphore, #tpu.memory_space<semaphore_mem>>) src(%dma_wait3A_246 : memref<256x128xf32, #tpu.memory_space<hbm>>) dst(%arg5 : memref<256x128xf32, #tpu.memory_space<vmem>>)
    %scan3A_247 = arith.constant 0 : i32
    %scan3A_248 = arith.constant 256 : i32
    %scan3A_249 = arith.addi %scan3A_247, %scan3A_248 : i32
    %scan3A_250 = arith.constant 1 : i32
    %scan3A_251:16 = scf.for %scan3A_407 = %scan3A_247 to %scan3A_249 step %scan3A_250 iter_args(%scan3A_408 = %scan3A_233#0, %scan3A_409 = %scan3A_233#1, %scan3A_410 = %scan3A_233#2, %scan3A_411 = %scan3A_233#3, %scan3A_412 = %scan3A_233#4, %scan3A_413 = %scan3A_233#5, %scan3A_414 = %scan3A_233#6, %scan3A_415 = %scan3A_233#7, %scan3A_416 = %scan3A_233#8, %scan3A_417 = %scan3A_233#9, %scan3A_418 = %scan3A_233#10, %scan3A_419 = %scan3A_233#11, %scan3A_420 = %scan3A_233#12, %scan3A_421 = %scan3A_233#13, %scan3A_422 = %scan3A_233#14, %scan3A_423 = %scan3A_233#15) -> (vector<16xf32>, vector<16xf32>, vector<16xf32>, vector<16xf32>, vector<16xf32>, vector<16xf32>, vector<16xf32>, vector<16xf32>, vector<16xi32>, vector<16xi32>, vector<16xi32>, vector<16xi32>, vector<16xi32>, vector<16xi32>, vector<16xi32>, vector<16xi32>)  : i32 {
      %add3A_424 = arith.constant 2304 : i32
      %add3A_425 = arith.addi %add3A_424, %scan3A_407 : i32
      %broadcast_in_dim3A_426 = vector.broadcast %add3A_425 : i32 to vector<16xi32>
      %get3A = arith.index_cast %scan3A_407 : i32 to index
      %get3A_427 = arith.constant 0 : index
      %get3A_428 = tpu.vector_load %arg5[%get3A, %get3A_427] {strides = array<i32>} : memref<256x128xf32, #tpu.memory_space<vmem>>, vector<1x16xf32>,
      %get3A_429 = vector.shape_cast %get3A_428 : vector<1x16xf32> to vector<16xf32>
      %lt3A_430 = arith.cmpf olt, %get3A_429, %scan3A_408 : vector<16xf32>
      %select_n3A_431 = arith.select %lt3A_430, %get3A_429, %scan3A_408 : vector<16xi1>, vector<16xf32>
      %select_n3A_432 = arith.select %lt3A_430, %broadcast_in_dim3A_426, %scan3A_416 : vector<16xi1>, vector<16xi32>
      %get3A_433 = arith.index_cast %scan3A_407 : i32 to index
      %get3A_434 = arith.constant 16 : index
      %get3A_435 = tpu.vector_load %arg5[%get3A_433, %get3A_434] {strides = array<i32>} : memref<256x128xf32, #tpu.memory_space<vmem>>, vector<1x16xf32>,
      %get3A_436 = vector.shape_cast %get3A_435 : vector<1x16xf32> to vector<16xf32>
      %lt3A_437 = arith.cmpf olt, %get3A_436, %scan3A_409 : vector<16xf32>
      %select_n3A_438 = arith.select %lt3A_437, %get3A_436, %scan3A_409 : vector<16xi1>, vector<16xf32>
      %select_n3A_439 = arith.select %lt3A_437, %broadcast_in_dim3A_426, %scan3A_417 : vector<16xi1>, vector<16xi32>
      %get3A_440 = arith.index_cast %scan3A_407 : i32 to index
      %get3A_441 = arith.constant 32 : index
      %get3A_442 = tpu.vector_load %arg5[%get3A_440, %get3A_441] {strides = array<i32>} : memref<256x128xf32, #tpu.memory_space<vmem>>, vector<1x16xf32>,
      %get3A_443 = vector.shape_cast %get3A_442 : vector<1x16xf32> to vector<16xf32>
      %lt3A_444 = arith.cmpf olt, %get3A_443, %scan3A_410 : vector<16xf32>
      %select_n3A_445 = arith.select %lt3A_444, %get3A_443, %scan3A_410 : vector<16xi1>, vector<16xf32>
      %select_n3A_446 = arith.select %lt3A_444, %broadcast_in_dim3A_426, %scan3A_418 : vector<16xi1>, vector<16xi32>
      %get3A_447 = arith.index_cast %scan3A_407 : i32 to index
      %get3A_448 = arith.constant 48 : index
      %get3A_449 = tpu.vector_load %arg5[%get3A_447, %get3A_448] {strides = array<i32>} : memref<256x128xf32, #tpu.memory_space<vmem>>, vector<1x16xf32>,
      %get3A_450 = vector.shape_cast %get3A_449 : vector<1x16xf32> to vector<16xf32>
      %lt3A_451 = arith.cmpf olt, %get3A_450, %scan3A_411 : vector<16xf32>
      %select_n3A_452 = arith.select %lt3A_451, %get3A_450, %scan3A_411 : vector<16xi1>, vector<16xf32>
      %select_n3A_453 = arith.select %lt3A_451, %broadcast_in_dim3A_426, %scan3A_419 : vector<16xi1>, vector<16xi32>
      %get3A_454 = arith.index_cast %scan3A_407 : i32 to index
      %get3A_455 = arith.constant 64 : index
      %get3A_456 = tpu.vector_load %arg5[%get3A_454, %get3A_455] {strides = array<i32>} : memref<256x128xf32, #tpu.memory_space<vmem>>, vector<1x16xf32>,
      %get3A_457 = vector.shape_cast %get3A_456 : vector<1x16xf32> to vector<16xf32>
      %lt3A_458 = arith.cmpf olt, %get3A_457, %scan3A_412 : vector<16xf32>
      %select_n3A_459 = arith.select %lt3A_458, %get3A_457, %scan3A_412 : vector<16xi1>, vector<16xf32>
      %select_n3A_460 = arith.select %lt3A_458, %broadcast_in_dim3A_426, %scan3A_420 : vector<16xi1>, vector<16xi32>
      %get3A_461 = arith.index_cast %scan3A_407 : i32 to index
      %get3A_462 = arith.constant 80 : index
      %get3A_463 = tpu.vector_load %arg5[%get3A_461, %get3A_462] {strides = array<i32>} : memref<256x128xf32, #tpu.memory_space<vmem>>, vector<1x16xf32>,
      %get3A_464 = vector.shape_cast %get3A_463 : vector<1x16xf32> to vector<16xf32>
      %lt3A_465 = arith.cmpf olt, %get3A_464, %scan3A_413 : vector<16xf32>
      %select_n3A_466 = arith.select %lt3A_465, %get3A_464, %scan3A_413 : vector<16xi1>, vector<16xf32>
      %select_n3A_467 = arith.select %lt3A_465, %broadcast_in_dim3A_426, %scan3A_421 : vector<16xi1>, vector<16xi32>
      %get3A_468 = arith.index_cast %scan3A_407 : i32 to index
      %get3A_469 = arith.constant 96 : index
      %get3A_470 = tpu.vector_load %arg5[%get3A_468, %get3A_469] {strides = array<i32>} : memref<256x128xf32, #tpu.memory_space<vmem>>, vector<1x16xf32>,
      %get3A_471 = vector.shape_cast %get3A_470 : vector<1x16xf32> to vector<16xf32>
      %lt3A_472 = arith.cmpf olt, %get3A_471, %scan3A_414 : vector<16xf32>
      %select_n3A_473 = arith.select %lt3A_472, %get3A_471, %scan3A_414 : vector<16xi1>, vector<16xf32>
      %select_n3A_474 = arith.select %lt3A_472, %broadcast_in_dim3A_426, %scan3A_422 : vector<16xi1>, vector<16xi32>
      %get3A_475 = arith.index_cast %scan3A_407 : i32 to index
      %get3A_476 = arith.constant 112 : index
      %get3A_477 = tpu.vector_load %arg5[%get3A_475, %get3A_476] {strides = array<i32>} : memref<256x128xf32, #tpu.memory_space<vmem>>, vector<1x16xf32>,
      %get3A_478 = vector.shape_cast %get3A_477 : vector<1x16xf32> to vector<16xf32>
      %lt3A_479 = arith.cmpf olt, %get3A_478, %scan3A_415 : vector<16xf32>
      %select_n3A_480 = arith.select %lt3A_479, %get3A_478, %scan3A_415 : vector<16xi1>, vector<16xf32>
      %select_n3A_481 = arith.select %lt3A_479, %broadcast_in_dim3A_426, %scan3A_423 : vector<16xi1>, vector<16xi32>
      scf.yield %select_n3A_431, %select_n3A_438, %select_n3A_445, %select_n3A_452, %select_n3A_459, %select_n3A_466, %select_n3A_473, %select_n3A_480, %select_n3A_432, %select_n3A_439, %select_n3A_446, %select_n3A_453, %select_n3A_460, %select_n3A_467, %select_n3A_474, %select_n3A_481 : vector<16xf32>, vector<16xf32>, vector<16xf32>, vector<16xf32>, vector<16xf32>, vector<16xf32>, vector<16xf32>, vector<16xf32>, vector<16xi32>, vector<16xi32>, vector<16xi32>, vector<16xi32>, vector<16xi32>, vector<16xi32>, vector<16xi32>, vector<16xi32>
    }
    %scan3A_252 = arith.constant 256 : i32
    %dma_start3A_253 = arith.constant 2816 : i32
    %dma_start3A_254 = tpu.memref_slice %arg2[%select_n3A, %dma_start3A_253, %mul3A_38] : memref<4x4096x2048xf32, #tpu.memory_space<hbm>> -> memref<1x256x128xf32, #tpu.memory_space<hbm>>
    %dma_start3A_255 = tpu.memref_squeeze %dma_start3A_254 : memref<1x256x128xf32, #tpu.memory_space<hbm>> -> memref<256x128xf32, #tpu.memory_space<hbm>>
    %dma_start3A_256 = arith.constant 2816 : i32
    %dma_start3A_257 = tpu.memref_slice %arg2[%select_n3A, %dma_start3A_256, %mul3A_38] : memref<4x4096x2048xf32, #tpu.memory_space<hbm>> -> memref<1x256x128xf32, #tpu.memory_space<hbm>>
    %dma_start3A_258 = tpu.memref_squeeze %dma_start3A_257 : memref<1x256x128xf32, #tpu.memory_space<hbm>> -> memref<256x128xf32, #tpu.memory_space<hbm>>
    tpu.enqueue_dma source(%dma_start3A_258 : memref<256x128xf32, #tpu.memory_space<hbm>>) target(%arg5 : memref<256x128xf32, #tpu.memory_space<vmem>>) target_semaphore(%arg8 : memref<!tpu.dma_semaphore, #tpu.memory_space<semaphore_mem>>)
    %dma_wait3A_259 = arith.constant 2560 : i32
    %dma_wait3A_260 = tpu.memref_slice %arg2[%select_n3A, %dma_wait3A_259, %mul3A_38] : memref<4x4096x2048xf32, #tpu.memory_space<hbm>> -> memref<1x256x128xf32, #tpu.memory_space<hbm>>
    %dma_wait3A_261 = tpu.memref_squeeze %dma_wait3A_260 : memref<1x256x128xf32, #tpu.memory_space<hbm>> -> memref<256x128xf32, #tpu.memory_space<hbm>>
    %dma_wait3A_262 = arith.constant 2560 : i32
    %dma_wait3A_263 = tpu.memref_slice %arg2[%select_n3A, %dma_wait3A_262, %mul3A_38] : memref<4x4096x2048xf32, #tpu.memory_space<hbm>> -> memref<1x256x128xf32, #tpu.memory_space<hbm>>
    %dma_wait3A_264 = tpu.memref_squeeze %dma_wait3A_263 : memref<1x256x128xf32, #tpu.memory_space<hbm>> -> memref<256x128xf32, #tpu.memory_space<hbm>>
    tpu.wait_dma2 semaphore(%arg7 : memref<!tpu.dma_semaphore, #tpu.memory_space<semaphore_mem>>) src(%dma_wait3A_264 : memref<256x128xf32, #tpu.memory_space<hbm>>) dst(%arg4 : memref<256x128xf32, #tpu.memory_space<vmem>>)
    %scan3A_265 = arith.constant 0 : i32
    %scan3A_266 = arith.constant 256 : i32
    %scan3A_267 = arith.addi %scan3A_265, %scan3A_266 : i32
    %scan3A_268 = arith.constant 1 : i32
    %scan3A_269:16 = scf.for %scan3A_407 = %scan3A_265 to %scan3A_267 step %scan3A_268 iter_args(%scan3A_408 = %scan3A_251#0, %scan3A_409 = %scan3A_251#1, %scan3A_410 = %scan3A_251#2, %scan3A_411 = %scan3A_251#3, %scan3A_412 = %scan3A_251#4, %scan3A_413 = %scan3A_251#5, %scan3A_414 = %scan3A_251#6, %scan3A_415 = %scan3A_251#7, %scan3A_416 = %scan3A_251#8, %scan3A_417 = %scan3A_251#9, %scan3A_418 = %scan3A_251#10, %scan3A_419 = %scan3A_251#11, %scan3A_420 = %scan3A_251#12, %scan3A_421 = %scan3A_251#13, %scan3A_422 = %scan3A_251#14, %scan3A_423 = %scan3A_251#15) -> (vector<16xf32>, vector<16xf32>, vector<16xf32>, vector<16xf32>, vector<16xf32>, vector<16xf32>, vector<16xf32>, vector<16xf32>, vector<16xi32>, vector<16xi32>, vector<16xi32>, vector<16xi32>, vector<16xi32>, vector<16xi32>, vector<16xi32>, vector<16xi32>)  : i32 {
      %add3A_424 = arith.constant 2560 : i32
      %add3A_425 = arith.addi %add3A_424, %scan3A_407 : i32
      %broadcast_in_dim3A_426 = vector.broadcast %add3A_425 : i32 to vector<16xi32>
      %get3A = arith.index_cast %scan3A_407 : i32 to index
      %get3A_427 = arith.constant 0 : index
      %get3A_428 = tpu.vector_load %arg4[%get3A, %get3A_427] {strides = array<i32>} : memref<256x128xf32, #tpu.memory_space<vmem>>, vector<1x16xf32>,
      %get3A_429 = vector.shape_cast %get3A_428 : vector<1x16xf32> to vector<16xf32>
      %lt3A_430 = arith.cmpf olt, %get3A_429, %scan3A_408 : vector<16xf32>
      %select_n3A_431 = arith.select %lt3A_430, %get3A_429, %scan3A_408 : vector<16xi1>, vector<16xf32>
      %select_n3A_432 = arith.select %lt3A_430, %broadcast_in_dim3A_426, %scan3A_416 : vector<16xi1>, vector<16xi32>
      %get3A_433 = arith.index_cast %scan3A_407 : i32 to index
      %get3A_434 = arith.constant 16 : index
      %get3A_435 = tpu.vector_load %arg4[%get3A_433, %get3A_434] {strides = array<i32>} : memref<256x128xf32, #tpu.memory_space<vmem>>, vector<1x16xf32>,
      %get3A_436 = vector.shape_cast %get3A_435 : vector<1x16xf32> to vector<16xf32>
      %lt3A_437 = arith.cmpf olt, %get3A_436, %scan3A_409 : vector<16xf32>
      %select_n3A_438 = arith.select %lt3A_437, %get3A_436, %scan3A_409 : vector<16xi1>, vector<16xf32>
      %select_n3A_439 = arith.select %lt3A_437, %broadcast_in_dim3A_426, %scan3A_417 : vector<16xi1>, vector<16xi32>
      %get3A_440 = arith.index_cast %scan3A_407 : i32 to index
      %get3A_441 = arith.constant 32 : index
      %get3A_442 = tpu.vector_load %arg4[%get3A_440, %get3A_441] {strides = array<i32>} : memref<256x128xf32, #tpu.memory_space<vmem>>, vector<1x16xf32>,
      %get3A_443 = vector.shape_cast %get3A_442 : vector<1x16xf32> to vector<16xf32>
      %lt3A_444 = arith.cmpf olt, %get3A_443, %scan3A_410 : vector<16xf32>
      %select_n3A_445 = arith.select %lt3A_444, %get3A_443, %scan3A_410 : vector<16xi1>, vector<16xf32>
      %select_n3A_446 = arith.select %lt3A_444, %broadcast_in_dim3A_426, %scan3A_418 : vector<16xi1>, vector<16xi32>
      %get3A_447 = arith.index_cast %scan3A_407 : i32 to index
      %get3A_448 = arith.constant 48 : index
      %get3A_449 = tpu.vector_load %arg4[%get3A_447, %get3A_448] {strides = array<i32>} : memref<256x128xf32, #tpu.memory_space<vmem>>, vector<1x16xf32>,
      %get3A_450 = vector.shape_cast %get3A_449 : vector<1x16xf32> to vector<16xf32>
      %lt3A_451 = arith.cmpf olt, %get3A_450, %scan3A_411 : vector<16xf32>
      %select_n3A_452 = arith.select %lt3A_451, %get3A_450, %scan3A_411 : vector<16xi1>, vector<16xf32>
      %select_n3A_453 = arith.select %lt3A_451, %broadcast_in_dim3A_426, %scan3A_419 : vector<16xi1>, vector<16xi32>
      %get3A_454 = arith.index_cast %scan3A_407 : i32 to index
      %get3A_455 = arith.constant 64 : index
      %get3A_456 = tpu.vector_load %arg4[%get3A_454, %get3A_455] {strides = array<i32>} : memref<256x128xf32, #tpu.memory_space<vmem>>, vector<1x16xf32>,
      %get3A_457 = vector.shape_cast %get3A_456 : vector<1x16xf32> to vector<16xf32>
      %lt3A_458 = arith.cmpf olt, %get3A_457, %scan3A_412 : vector<16xf32>
      %select_n3A_459 = arith.select %lt3A_458, %get3A_457, %scan3A_412 : vector<16xi1>, vector<16xf32>
      %select_n3A_460 = arith.select %lt3A_458, %broadcast_in_dim3A_426, %scan3A_420 : vector<16xi1>, vector<16xi32>
      %get3A_461 = arith.index_cast %scan3A_407 : i32 to index
      %get3A_462 = arith.constant 80 : index
      %get3A_463 = tpu.vector_load %arg4[%get3A_461, %get3A_462] {strides = array<i32>} : memref<256x128xf32, #tpu.memory_space<vmem>>, vector<1x16xf32>,
      %get3A_464 = vector.shape_cast %get3A_463 : vector<1x16xf32> to vector<16xf32>
      %lt3A_465 = arith.cmpf olt, %get3A_464, %scan3A_413 : vector<16xf32>
      %select_n3A_466 = arith.select %lt3A_465, %get3A_464, %scan3A_413 : vector<16xi1>, vector<16xf32>
      %select_n3A_467 = arith.select %lt3A_465, %broadcast_in_dim3A_426, %scan3A_421 : vector<16xi1>, vector<16xi32>
      %get3A_468 = arith.index_cast %scan3A_407 : i32 to index
      %get3A_469 = arith.constant 96 : index
      %get3A_470 = tpu.vector_load %arg4[%get3A_468, %get3A_469] {strides = array<i32>} : memref<256x128xf32, #tpu.memory_space<vmem>>, vector<1x16xf32>,
      %get3A_471 = vector.shape_cast %get3A_470 : vector<1x16xf32> to vector<16xf32>
      %lt3A_472 = arith.cmpf olt, %get3A_471, %scan3A_414 : vector<16xf32>
      %select_n3A_473 = arith.select %lt3A_472, %get3A_471, %scan3A_414 : vector<16xi1>, vector<16xf32>
      %select_n3A_474 = arith.select %lt3A_472, %broadcast_in_dim3A_426, %scan3A_422 : vector<16xi1>, vector<16xi32>
      %get3A_475 = arith.index_cast %scan3A_407 : i32 to index
      %get3A_476 = arith.constant 112 : index
      %get3A_477 = tpu.vector_load %arg4[%get3A_475, %get3A_476] {strides = array<i32>} : memref<256x128xf32, #tpu.memory_space<vmem>>, vector<1x16xf32>,
      %get3A_478 = vector.shape_cast %get3A_477 : vector<1x16xf32> to vector<16xf32>
      %lt3A_479 = arith.cmpf olt, %get3A_478, %scan3A_415 : vector<16xf32>
      %select_n3A_480 = arith.select %lt3A_479, %get3A_478, %scan3A_415 : vector<16xi1>, vector<16xf32>
      %select_n3A_481 = arith.select %lt3A_479, %broadcast_in_dim3A_426, %scan3A_423 : vector<16xi1>, vector<16xi32>
      scf.yield %select_n3A_431, %select_n3A_438, %select_n3A_445, %select_n3A_452, %select_n3A_459, %select_n3A_466, %select_n3A_473, %select_n3A_480, %select_n3A_432, %select_n3A_439, %select_n3A_446, %select_n3A_453, %select_n3A_460, %select_n3A_467, %select_n3A_474, %select_n3A_481 : vector<16xf32>, vector<16xf32>, vector<16xf32>, vector<16xf32>, vector<16xf32>, vector<16xf32>, vector<16xf32>, vector<16xf32>, vector<16xi32>, vector<16xi32>, vector<16xi32>, vector<16xi32>, vector<16xi32>, vector<16xi32>, vector<16xi32>, vector<16xi32>
    }
    %scan3A_270 = arith.constant 256 : i32
    %dma_start3A_271 = arith.constant 3072 : i32
    %dma_start3A_272 = tpu.memref_slice %arg2[%select_n3A, %dma_start3A_271, %mul3A_38] : memref<4x4096x2048xf32, #tpu.memory_space<hbm>> -> memref<1x256x128xf32, #tpu.memory_space<hbm>>
    %dma_start3A_273 = tpu.memref_squeeze %dma_start3A_272 : memref<1x256x128xf32, #tpu.memory_space<hbm>> -> memref<256x128xf32, #tpu.memory_space<hbm>>
    %dma_start3A_274 = arith.constant 3072 : i32
    %dma_start3A_275 = tpu.memref_slice %arg2[%select_n3A, %dma_start3A_274, %mul3A_38] : memref<4x4096x2048xf32, #tpu.memory_space<hbm>> -> memref<1x256x128xf32, #tpu.memory_space<hbm>>
    %dma_start3A_276 = tpu.memref_squeeze %dma_start3A_275 : memref<1x256x128xf32, #tpu.memory_space<hbm>> -> memref<256x128xf32, #tpu.memory_space<hbm>>
    tpu.enqueue_dma source(%dma_start3A_276 : memref<256x128xf32, #tpu.memory_space<hbm>>) target(%arg4 : memref<256x128xf32, #tpu.memory_space<vmem>>) target_semaphore(%arg7 : memref<!tpu.dma_semaphore, #tpu.memory_space<semaphore_mem>>)
    %dma_wait3A_277 = arith.constant 2816 : i32
    %dma_wait3A_278 = tpu.memref_slice %arg2[%select_n3A, %dma_wait3A_277, %mul3A_38] : memref<4x4096x2048xf32, #tpu.memory_space<hbm>> -> memref<1x256x128xf32, #tpu.memory_space<hbm>>
    %dma_wait3A_279 = tpu.memref_squeeze %dma_wait3A_278 : memref<1x256x128xf32, #tpu.memory_space<hbm>> -> memref<256x128xf32, #tpu.memory_space<hbm>>
    %dma_wait3A_280 = arith.constant 2816 : i32
    %dma_wait3A_281 = tpu.memref_slice %arg2[%select_n3A, %dma_wait3A_280, %mul3A_38] : memref<4x4096x2048xf32, #tpu.memory_space<hbm>> -> memref<1x256x128xf32, #tpu.memory_space<hbm>>
    %dma_wait3A_282 = tpu.memref_squeeze %dma_wait3A_281 : memref<1x256x128xf32, #tpu.memory_space<hbm>> -> memref<256x128xf32, #tpu.memory_space<hbm>>
    tpu.wait_dma2 semaphore(%arg8 : memref<!tpu.dma_semaphore, #tpu.memory_space<semaphore_mem>>) src(%dma_wait3A_282 : memref<256x128xf32, #tpu.memory_space<hbm>>) dst(%arg5 : memref<256x128xf32, #tpu.memory_space<vmem>>)
    %scan3A_283 = arith.constant 0 : i32
    %scan3A_284 = arith.constant 256 : i32
    %scan3A_285 = arith.addi %scan3A_283, %scan3A_284 : i32
    %scan3A_286 = arith.constant 1 : i32
    %scan3A_287:16 = scf.for %scan3A_407 = %scan3A_283 to %scan3A_285 step %scan3A_286 iter_args(%scan3A_408 = %scan3A_269#0, %scan3A_409 = %scan3A_269#1, %scan3A_410 = %scan3A_269#2, %scan3A_411 = %scan3A_269#3, %scan3A_412 = %scan3A_269#4, %scan3A_413 = %scan3A_269#5, %scan3A_414 = %scan3A_269#6, %scan3A_415 = %scan3A_269#7, %scan3A_416 = %scan3A_269#8, %scan3A_417 = %scan3A_269#9, %scan3A_418 = %scan3A_269#10, %scan3A_419 = %scan3A_269#11, %scan3A_420 = %scan3A_269#12, %scan3A_421 = %scan3A_269#13, %scan3A_422 = %scan3A_269#14, %scan3A_423 = %scan3A_269#15) -> (vector<16xf32>, vector<16xf32>, vector<16xf32>, vector<16xf32>, vector<16xf32>, vector<16xf32>, vector<16xf32>, vector<16xf32>, vector<16xi32>, vector<16xi32>, vector<16xi32>, vector<16xi32>, vector<16xi32>, vector<16xi32>, vector<16xi32>, vector<16xi32>)  : i32 {
      %add3A_424 = arith.constant 2816 : i32
      %add3A_425 = arith.addi %add3A_424, %scan3A_407 : i32
      %broadcast_in_dim3A_426 = vector.broadcast %add3A_425 : i32 to vector<16xi32>
      %get3A = arith.index_cast %scan3A_407 : i32 to index
      %get3A_427 = arith.constant 0 : index
      %get3A_428 = tpu.vector_load %arg5[%get3A, %get3A_427] {strides = array<i32>} : memref<256x128xf32, #tpu.memory_space<vmem>>, vector<1x16xf32>,
      %get3A_429 = vector.shape_cast %get3A_428 : vector<1x16xf32> to vector<16xf32>
      %lt3A_430 = arith.cmpf olt, %get3A_429, %scan3A_408 : vector<16xf32>
      %select_n3A_431 = arith.select %lt3A_430, %get3A_429, %scan3A_408 : vector<16xi1>, vector<16xf32>
      %select_n3A_432 = arith.select %lt3A_430, %broadcast_in_dim3A_426, %scan3A_416 : vector<16xi1>, vector<16xi32>
      %get3A_433 = arith.index_cast %scan3A_407 : i32 to index
      %get3A_434 = arith.constant 16 : index
      %get3A_435 = tpu.vector_load %arg5[%get3A_433, %get3A_434] {strides = array<i32>} : memref<256x128xf32, #tpu.memory_space<vmem>>, vector<1x16xf32>,
      %get3A_436 = vector.shape_cast %get3A_435 : vector<1x16xf32> to vector<16xf32>
      %lt3A_437 = arith.cmpf olt, %get3A_436, %scan3A_409 : vector<16xf32>
      %select_n3A_438 = arith.select %lt3A_437, %get3A_436, %scan3A_409 : vector<16xi1>, vector<16xf32>
      %select_n3A_439 = arith.select %lt3A_437, %broadcast_in_dim3A_426, %scan3A_417 : vector<16xi1>, vector<16xi32>
      %get3A_440 = arith.index_cast %scan3A_407 : i32 to index
      %get3A_441 = arith.constant 32 : index
      %get3A_442 = tpu.vector_load %arg5[%get3A_440, %get3A_441] {strides = array<i32>} : memref<256x128xf32, #tpu.memory_space<vmem>>, vector<1x16xf32>,
      %get3A_443 = vector.shape_cast %get3A_442 : vector<1x16xf32> to vector<16xf32>
      %lt3A_444 = arith.cmpf olt, %get3A_443, %scan3A_410 : vector<16xf32>
      %select_n3A_445 = arith.select %lt3A_444, %get3A_443, %scan3A_410 : vector<16xi1>, vector<16xf32>
      %select_n3A_446 = arith.select %lt3A_444, %broadcast_in_dim3A_426, %scan3A_418 : vector<16xi1>, vector<16xi32>
      %get3A_447 = arith.index_cast %scan3A_407 : i32 to index
      %get3A_448 = arith.constant 48 : index
      %get3A_449 = tpu.vector_load %arg5[%get3A_447, %get3A_448] {strides = array<i32>} : memref<256x128xf32, #tpu.memory_space<vmem>>, vector<1x16xf32>,
      %get3A_450 = vector.shape_cast %get3A_449 : vector<1x16xf32> to vector<16xf32>
      %lt3A_451 = arith.cmpf olt, %get3A_450, %scan3A_411 : vector<16xf32>
      %select_n3A_452 = arith.select %lt3A_451, %get3A_450, %scan3A_411 : vector<16xi1>, vector<16xf32>
      %select_n3A_453 = arith.select %lt3A_451, %broadcast_in_dim3A_426, %scan3A_419 : vector<16xi1>, vector<16xi32>
      %get3A_454 = arith.index_cast %scan3A_407 : i32 to index
      %get3A_455 = arith.constant 64 : index
      %get3A_456 = tpu.vector_load %arg5[%get3A_454, %get3A_455] {strides = array<i32>} : memref<256x128xf32, #tpu.memory_space<vmem>>, vector<1x16xf32>,
      %get3A_457 = vector.shape_cast %get3A_456 : vector<1x16xf32> to vector<16xf32>
      %lt3A_458 = arith.cmpf olt, %get3A_457, %scan3A_412 : vector<16xf32>
      %select_n3A_459 = arith.select %lt3A_458, %get3A_457, %scan3A_412 : vector<16xi1>, vector<16xf32>
      %select_n3A_460 = arith.select %lt3A_458, %broadcast_in_dim3A_426, %scan3A_420 : vector<16xi1>, vector<16xi32>
      %get3A_461 = arith.index_cast %scan3A_407 : i32 to index
      %get3A_462 = arith.constant 80 : index
      %get3A_463 = tpu.vector_load %arg5[%get3A_461, %get3A_462] {strides = array<i32>} : memref<256x128xf32, #tpu.memory_space<vmem>>, vector<1x16xf32>,
      %get3A_464 = vector.shape_cast %get3A_463 : vector<1x16xf32> to vector<16xf32>
      %lt3A_465 = arith.cmpf olt, %get3A_464, %scan3A_413 : vector<16xf32>
      %select_n3A_466 = arith.select %lt3A_465, %get3A_464, %scan3A_413 : vector<16xi1>, vector<16xf32>
      %select_n3A_467 = arith.select %lt3A_465, %broadcast_in_dim3A_426, %scan3A_421 : vector<16xi1>, vector<16xi32>
      %get3A_468 = arith.index_cast %scan3A_407 : i32 to index
      %get3A_469 = arith.constant 96 : index
      %get3A_470 = tpu.vector_load %arg5[%get3A_468, %get3A_469] {strides = array<i32>} : memref<256x128xf32, #tpu.memory_space<vmem>>, vector<1x16xf32>,
      %get3A_471 = vector.shape_cast %get3A_470 : vector<1x16xf32> to vector<16xf32>
      %lt3A_472 = arith.cmpf olt, %get3A_471, %scan3A_414 : vector<16xf32>
      %select_n3A_473 = arith.select %lt3A_472, %get3A_471, %scan3A_414 : vector<16xi1>, vector<16xf32>
      %select_n3A_474 = arith.select %lt3A_472, %broadcast_in_dim3A_426, %scan3A_422 : vector<16xi1>, vector<16xi32>
      %get3A_475 = arith.index_cast %scan3A_407 : i32 to index
      %get3A_476 = arith.constant 112 : index
      %get3A_477 = tpu.vector_load %arg5[%get3A_475, %get3A_476] {strides = array<i32>} : memref<256x128xf32, #tpu.memory_space<vmem>>, vector<1x16xf32>,
      %get3A_478 = vector.shape_cast %get3A_477 : vector<1x16xf32> to vector<16xf32>
      %lt3A_479 = arith.cmpf olt, %get3A_478, %scan3A_415 : vector<16xf32>
      %select_n3A_480 = arith.select %lt3A_479, %get3A_478, %scan3A_415 : vector<16xi1>, vector<16xf32>
      %select_n3A_481 = arith.select %lt3A_479, %broadcast_in_dim3A_426, %scan3A_423 : vector<16xi1>, vector<16xi32>
      scf.yield %select_n3A_431, %select_n3A_438, %select_n3A_445, %select_n3A_452, %select_n3A_459, %select_n3A_466, %select_n3A_473, %select_n3A_480, %select_n3A_432, %select_n3A_439, %select_n3A_446, %select_n3A_453, %select_n3A_460, %select_n3A_467, %select_n3A_474, %select_n3A_481 : vector<16xf32>, vector<16xf32>, vector<16xf32>, vector<16xf32>, vector<16xf32>, vector<16xf32>, vector<16xf32>, vector<16xf32>, vector<16xi32>, vector<16xi32>, vector<16xi32>, vector<16xi32>, vector<16xi32>, vector<16xi32>, vector<16xi32>, vector<16xi32>
    }
    %scan3A_288 = arith.constant 256 : i32
    %dma_start3A_289 = arith.constant 3328 : i32
    %dma_start3A_290 = tpu.memref_slice %arg2[%select_n3A, %dma_start3A_289, %mul3A_38] : memref<4x4096x2048xf32, #tpu.memory_space<hbm>> -> memref<1x256x128xf32, #tpu.memory_space<hbm>>
    %dma_start3A_291 = tpu.memref_squeeze %dma_start3A_290 : memref<1x256x128xf32, #tpu.memory_space<hbm>> -> memref<256x128xf32, #tpu.memory_space<hbm>>
    %dma_start3A_292 = arith.constant 3328 : i32
    %dma_start3A_293 = tpu.memref_slice %arg2[%select_n3A, %dma_start3A_292, %mul3A_38] : memref<4x4096x2048xf32, #tpu.memory_space<hbm>> -> memref<1x256x128xf32, #tpu.memory_space<hbm>>
    %dma_start3A_294 = tpu.memref_squeeze %dma_start3A_293 : memref<1x256x128xf32, #tpu.memory_space<hbm>> -> memref<256x128xf32, #tpu.memory_space<hbm>>
    tpu.enqueue_dma source(%dma_start3A_294 : memref<256x128xf32, #tpu.memory_space<hbm>>) target(%arg5 : memref<256x128xf32, #tpu.memory_space<vmem>>) target_semaphore(%arg8 : memref<!tpu.dma_semaphore, #tpu.memory_space<semaphore_mem>>)
    %dma_wait3A_295 = arith.constant 3072 : i32
    %dma_wait3A_296 = tpu.memref_slice %arg2[%select_n3A, %dma_wait3A_295, %mul3A_38] : memref<4x4096x2048xf32, #tpu.memory_space<hbm>> -> memref<1x256x128xf32, #tpu.memory_space<hbm>>
    %dma_wait3A_297 = tpu.memref_squeeze %dma_wait3A_296 : memref<1x256x128xf32, #tpu.memory_space<hbm>> -> memref<256x128xf32, #tpu.memory_space<hbm>>
    %dma_wait3A_298 = arith.constant 3072 : i32
    %dma_wait3A_299 = tpu.memref_slice %arg2[%select_n3A, %dma_wait3A_298, %mul3A_38] : memref<4x4096x2048xf32, #tpu.memory_space<hbm>> -> memref<1x256x128xf32, #tpu.memory_space<hbm>>
    %dma_wait3A_300 = tpu.memref_squeeze %dma_wait3A_299 : memref<1x256x128xf32, #tpu.memory_space<hbm>> -> memref<256x128xf32, #tpu.memory_space<hbm>>
    tpu.wait_dma2 semaphore(%arg7 : memref<!tpu.dma_semaphore, #tpu.memory_space<semaphore_mem>>) src(%dma_wait3A_300 : memref<256x128xf32, #tpu.memory_space<hbm>>) dst(%arg4 : memref<256x128xf32, #tpu.memory_space<vmem>>)
    %scan3A_301 = arith.constant 0 : i32
    %scan3A_302 = arith.constant 256 : i32
    %scan3A_303 = arith.addi %scan3A_301, %scan3A_302 : i32
    %scan3A_304 = arith.constant 1 : i32
    %scan3A_305:16 = scf.for %scan3A_407 = %scan3A_301 to %scan3A_303 step %scan3A_304 iter_args(%scan3A_408 = %scan3A_287#0, %scan3A_409 = %scan3A_287#1, %scan3A_410 = %scan3A_287#2, %scan3A_411 = %scan3A_287#3, %scan3A_412 = %scan3A_287#4, %scan3A_413 = %scan3A_287#5, %scan3A_414 = %scan3A_287#6, %scan3A_415 = %scan3A_287#7, %scan3A_416 = %scan3A_287#8, %scan3A_417 = %scan3A_287#9, %scan3A_418 = %scan3A_287#10, %scan3A_419 = %scan3A_287#11, %scan3A_420 = %scan3A_287#12, %scan3A_421 = %scan3A_287#13, %scan3A_422 = %scan3A_287#14, %scan3A_423 = %scan3A_287#15) -> (vector<16xf32>, vector<16xf32>, vector<16xf32>, vector<16xf32>, vector<16xf32>, vector<16xf32>, vector<16xf32>, vector<16xf32>, vector<16xi32>, vector<16xi32>, vector<16xi32>, vector<16xi32>, vector<16xi32>, vector<16xi32>, vector<16xi32>, vector<16xi32>)  : i32 {
      %add3A_424 = arith.constant 3072 : i32
      %add3A_425 = arith.addi %add3A_424, %scan3A_407 : i32
      %broadcast_in_dim3A_426 = vector.broadcast %add3A_425 : i32 to vector<16xi32>
      %get3A = arith.index_cast %scan3A_407 : i32 to index
      %get3A_427 = arith.constant 0 : index
      %get3A_428 = tpu.vector_load %arg4[%get3A, %get3A_427] {strides = array<i32>} : memref<256x128xf32, #tpu.memory_space<vmem>>, vector<1x16xf32>,
      %get3A_429 = vector.shape_cast %get3A_428 : vector<1x16xf32> to vector<16xf32>
      %lt3A_430 = arith.cmpf olt, %get3A_429, %scan3A_408 : vector<16xf32>
      %select_n3A_431 = arith.select %lt3A_430, %get3A_429, %scan3A_408 : vector<16xi1>, vector<16xf32>
      %select_n3A_432 = arith.select %lt3A_430, %broadcast_in_dim3A_426, %scan3A_416 : vector<16xi1>, vector<16xi32>
      %get3A_433 = arith.index_cast %scan3A_407 : i32 to index
      %get3A_434 = arith.constant 16 : index
      %get3A_435 = tpu.vector_load %arg4[%get3A_433, %get3A_434] {strides = array<i32>} : memref<256x128xf32, #tpu.memory_space<vmem>>, vector<1x16xf32>,
      %get3A_436 = vector.shape_cast %get3A_435 : vector<1x16xf32> to vector<16xf32>
      %lt3A_437 = arith.cmpf olt, %get3A_436, %scan3A_409 : vector<16xf32>
      %select_n3A_438 = arith.select %lt3A_437, %get3A_436, %scan3A_409 : vector<16xi1>, vector<16xf32>
      %select_n3A_439 = arith.select %lt3A_437, %broadcast_in_dim3A_426, %scan3A_417 : vector<16xi1>, vector<16xi32>
      %get3A_440 = arith.index_cast %scan3A_407 : i32 to index
      %get3A_441 = arith.constant 32 : index
      %get3A_442 = tpu.vector_load %arg4[%get3A_440, %get3A_441] {strides = array<i32>} : memref<256x128xf32, #tpu.memory_space<vmem>>, vector<1x16xf32>,
      %get3A_443 = vector.shape_cast %get3A_442 : vector<1x16xf32> to vector<16xf32>
      %lt3A_444 = arith.cmpf olt, %get3A_443, %scan3A_410 : vector<16xf32>
      %select_n3A_445 = arith.select %lt3A_444, %get3A_443, %scan3A_410 : vector<16xi1>, vector<16xf32>
      %select_n3A_446 = arith.select %lt3A_444, %broadcast_in_dim3A_426, %scan3A_418 : vector<16xi1>, vector<16xi32>
      %get3A_447 = arith.index_cast %scan3A_407 : i32 to index
      %get3A_448 = arith.constant 48 : index
      %get3A_449 = tpu.vector_load %arg4[%get3A_447, %get3A_448] {strides = array<i32>} : memref<256x128xf32, #tpu.memory_space<vmem>>, vector<1x16xf32>,
      %get3A_450 = vector.shape_cast %get3A_449 : vector<1x16xf32> to vector<16xf32>
      %lt3A_451 = arith.cmpf olt, %get3A_450, %scan3A_411 : vector<16xf32>
      %select_n3A_452 = arith.select %lt3A_451, %get3A_450, %scan3A_411 : vector<16xi1>, vector<16xf32>
      %select_n3A_453 = arith.select %lt3A_451, %broadcast_in_dim3A_426, %scan3A_419 : vector<16xi1>, vector<16xi32>
      %get3A_454 = arith.index_cast %scan3A_407 : i32 to index
      %get3A_455 = arith.constant 64 : index
      %get3A_456 = tpu.vector_load %arg4[%get3A_454, %get3A_455] {strides = array<i32>} : memref<256x128xf32, #tpu.memory_space<vmem>>, vector<1x16xf32>,
      %get3A_457 = vector.shape_cast %get3A_456 : vector<1x16xf32> to vector<16xf32>
      %lt3A_458 = arith.cmpf olt, %get3A_457, %scan3A_412 : vector<16xf32>
      %select_n3A_459 = arith.select %lt3A_458, %get3A_457, %scan3A_412 : vector<16xi1>, vector<16xf32>
      %select_n3A_460 = arith.select %lt3A_458, %broadcast_in_dim3A_426, %scan3A_420 : vector<16xi1>, vector<16xi32>
      %get3A_461 = arith.index_cast %scan3A_407 : i32 to index
      %get3A_462 = arith.constant 80 : index
      %get3A_463 = tpu.vector_load %arg4[%get3A_461, %get3A_462] {strides = array<i32>} : memref<256x128xf32, #tpu.memory_space<vmem>>, vector<1x16xf32>,
      %get3A_464 = vector.shape_cast %get3A_463 : vector<1x16xf32> to vector<16xf32>
      %lt3A_465 = arith.cmpf olt, %get3A_464, %scan3A_413 : vector<16xf32>
      %select_n3A_466 = arith.select %lt3A_465, %get3A_464, %scan3A_413 : vector<16xi1>, vector<16xf32>
      %select_n3A_467 = arith.select %lt3A_465, %broadcast_in_dim3A_426, %scan3A_421 : vector<16xi1>, vector<16xi32>
      %get3A_468 = arith.index_cast %scan3A_407 : i32 to index
      %get3A_469 = arith.constant 96 : index
      %get3A_470 = tpu.vector_load %arg4[%get3A_468, %get3A_469] {strides = array<i32>} : memref<256x128xf32, #tpu.memory_space<vmem>>, vector<1x16xf32>,
      %get3A_471 = vector.shape_cast %get3A_470 : vector<1x16xf32> to vector<16xf32>
      %lt3A_472 = arith.cmpf olt, %get3A_471, %scan3A_414 : vector<16xf32>
      %select_n3A_473 = arith.select %lt3A_472, %get3A_471, %scan3A_414 : vector<16xi1>, vector<16xf32>
      %select_n3A_474 = arith.select %lt3A_472, %broadcast_in_dim3A_426, %scan3A_422 : vector<16xi1>, vector<16xi32>
      %get3A_475 = arith.index_cast %scan3A_407 : i32 to index
      %get3A_476 = arith.constant 112 : index
      %get3A_477 = tpu.vector_load %arg4[%get3A_475, %get3A_476] {strides = array<i32>} : memref<256x128xf32, #tpu.memory_space<vmem>>, vector<1x16xf32>,
      %get3A_478 = vector.shape_cast %get3A_477 : vector<1x16xf32> to vector<16xf32>
      %lt3A_479 = arith.cmpf olt, %get3A_478, %scan3A_415 : vector<16xf32>
      %select_n3A_480 = arith.select %lt3A_479, %get3A_478, %scan3A_415 : vector<16xi1>, vector<16xf32>
      %select_n3A_481 = arith.select %lt3A_479, %broadcast_in_dim3A_426, %scan3A_423 : vector<16xi1>, vector<16xi32>
      scf.yield %select_n3A_431, %select_n3A_438, %select_n3A_445, %select_n3A_452, %select_n3A_459, %select_n3A_466, %select_n3A_473, %select_n3A_480, %select_n3A_432, %select_n3A_439, %select_n3A_446, %select_n3A_453, %select_n3A_460, %select_n3A_467, %select_n3A_474, %select_n3A_481 : vector<16xf32>, vector<16xf32>, vector<16xf32>, vector<16xf32>, vector<16xf32>, vector<16xf32>, vector<16xf32>, vector<16xf32>, vector<16xi32>, vector<16xi32>, vector<16xi32>, vector<16xi32>, vector<16xi32>, vector<16xi32>, vector<16xi32>, vector<16xi32>
    }
    %scan3A_306 = arith.constant 256 : i32
    %dma_start3A_307 = arith.constant 3584 : i32
    %dma_start3A_308 = tpu.memref_slice %arg2[%select_n3A, %dma_start3A_307, %mul3A_38] : memref<4x4096x2048xf32, #tpu.memory_space<hbm>> -> memref<1x256x128xf32, #tpu.memory_space<hbm>>
    %dma_start3A_309 = tpu.memref_squeeze %dma_start3A_308 : memref<1x256x128xf32, #tpu.memory_space<hbm>> -> memref<256x128xf32, #tpu.memory_space<hbm>>
    %dma_start3A_310 = arith.constant 3584 : i32
    %dma_start3A_311 = tpu.memref_slice %arg2[%select_n3A, %dma_start3A_310, %mul3A_38] : memref<4x4096x2048xf32, #tpu.memory_space<hbm>> -> memref<1x256x128xf32, #tpu.memory_space<hbm>>
    %dma_start3A_312 = tpu.memref_squeeze %dma_start3A_311 : memref<1x256x128xf32, #tpu.memory_space<hbm>> -> memref<256x128xf32, #tpu.memory_space<hbm>>
    tpu.enqueue_dma source(%dma_start3A_312 : memref<256x128xf32, #tpu.memory_space<hbm>>) target(%arg4 : memref<256x128xf32, #tpu.memory_space<vmem>>) target_semaphore(%arg7 : memref<!tpu.dma_semaphore, #tpu.memory_space<semaphore_mem>>)
    %dma_wait3A_313 = arith.constant 3328 : i32
    %dma_wait3A_314 = tpu.memref_slice %arg2[%select_n3A, %dma_wait3A_313, %mul3A_38] : memref<4x4096x2048xf32, #tpu.memory_space<hbm>> -> memref<1x256x128xf32, #tpu.memory_space<hbm>>
    %dma_wait3A_315 = tpu.memref_squeeze %dma_wait3A_314 : memref<1x256x128xf32, #tpu.memory_space<hbm>> -> memref<256x128xf32, #tpu.memory_space<hbm>>
    %dma_wait3A_316 = arith.constant 3328 : i32
    %dma_wait3A_317 = tpu.memref_slice %arg2[%select_n3A, %dma_wait3A_316, %mul3A_38] : memref<4x4096x2048xf32, #tpu.memory_space<hbm>> -> memref<1x256x128xf32, #tpu.memory_space<hbm>>
    %dma_wait3A_318 = tpu.memref_squeeze %dma_wait3A_317 : memref<1x256x128xf32, #tpu.memory_space<hbm>> -> memref<256x128xf32, #tpu.memory_space<hbm>>
    tpu.wait_dma2 semaphore(%arg8 : memref<!tpu.dma_semaphore, #tpu.memory_space<semaphore_mem>>) src(%dma_wait3A_318 : memref<256x128xf32, #tpu.memory_space<hbm>>) dst(%arg5 : memref<256x128xf32, #tpu.memory_space<vmem>>)
    %scan3A_319 = arith.constant 0 : i32
    %scan3A_320 = arith.constant 256 : i32
    %scan3A_321 = arith.addi %scan3A_319, %scan3A_320 : i32
    %scan3A_322 = arith.constant 1 : i32
    %scan3A_323:16 = scf.for %scan3A_407 = %scan3A_319 to %scan3A_321 step %scan3A_322 iter_args(%scan3A_408 = %scan3A_305#0, %scan3A_409 = %scan3A_305#1, %scan3A_410 = %scan3A_305#2, %scan3A_411 = %scan3A_305#3, %scan3A_412 = %scan3A_305#4, %scan3A_413 = %scan3A_305#5, %scan3A_414 = %scan3A_305#6, %scan3A_415 = %scan3A_305#7, %scan3A_416 = %scan3A_305#8, %scan3A_417 = %scan3A_305#9, %scan3A_418 = %scan3A_305#10, %scan3A_419 = %scan3A_305#11, %scan3A_420 = %scan3A_305#12, %scan3A_421 = %scan3A_305#13, %scan3A_422 = %scan3A_305#14, %scan3A_423 = %scan3A_305#15) -> (vector<16xf32>, vector<16xf32>, vector<16xf32>, vector<16xf32>, vector<16xf32>, vector<16xf32>, vector<16xf32>, vector<16xf32>, vector<16xi32>, vector<16xi32>, vector<16xi32>, vector<16xi32>, vector<16xi32>, vector<16xi32>, vector<16xi32>, vector<16xi32>)  : i32 {
      %add3A_424 = arith.constant 3328 : i32
      %add3A_425 = arith.addi %add3A_424, %scan3A_407 : i32
      %broadcast_in_dim3A_426 = vector.broadcast %add3A_425 : i32 to vector<16xi32>
      %get3A = arith.index_cast %scan3A_407 : i32 to index
      %get3A_427 = arith.constant 0 : index
      %get3A_428 = tpu.vector_load %arg5[%get3A, %get3A_427] {strides = array<i32>} : memref<256x128xf32, #tpu.memory_space<vmem>>, vector<1x16xf32>,
      %get3A_429 = vector.shape_cast %get3A_428 : vector<1x16xf32> to vector<16xf32>
      %lt3A_430 = arith.cmpf olt, %get3A_429, %scan3A_408 : vector<16xf32>
      %select_n3A_431 = arith.select %lt3A_430, %get3A_429, %scan3A_408 : vector<16xi1>, vector<16xf32>
      %select_n3A_432 = arith.select %lt3A_430, %broadcast_in_dim3A_426, %scan3A_416 : vector<16xi1>, vector<16xi32>
      %get3A_433 = arith.index_cast %scan3A_407 : i32 to index
      %get3A_434 = arith.constant 16 : index
      %get3A_435 = tpu.vector_load %arg5[%get3A_433, %get3A_434] {strides = array<i32>} : memref<256x128xf32, #tpu.memory_space<vmem>>, vector<1x16xf32>,
      %get3A_436 = vector.shape_cast %get3A_435 : vector<1x16xf32> to vector<16xf32>
      %lt3A_437 = arith.cmpf olt, %get3A_436, %scan3A_409 : vector<16xf32>
      %select_n3A_438 = arith.select %lt3A_437, %get3A_436, %scan3A_409 : vector<16xi1>, vector<16xf32>
      %select_n3A_439 = arith.select %lt3A_437, %broadcast_in_dim3A_426, %scan3A_417 : vector<16xi1>, vector<16xi32>
      %get3A_440 = arith.index_cast %scan3A_407 : i32 to index
      %get3A_441 = arith.constant 32 : index
      %get3A_442 = tpu.vector_load %arg5[%get3A_440, %get3A_441] {strides = array<i32>} : memref<256x128xf32, #tpu.memory_space<vmem>>, vector<1x16xf32>,
      %get3A_443 = vector.shape_cast %get3A_442 : vector<1x16xf32> to vector<16xf32>
      %lt3A_444 = arith.cmpf olt, %get3A_443, %scan3A_410 : vector<16xf32>
      %select_n3A_445 = arith.select %lt3A_444, %get3A_443, %scan3A_410 : vector<16xi1>, vector<16xf32>
      %select_n3A_446 = arith.select %lt3A_444, %broadcast_in_dim3A_426, %scan3A_418 : vector<16xi1>, vector<16xi32>
      %get3A_447 = arith.index_cast %scan3A_407 : i32 to index
      %get3A_448 = arith.constant 48 : index
      %get3A_449 = tpu.vector_load %arg5[%get3A_447, %get3A_448] {strides = array<i32>} : memref<256x128xf32, #tpu.memory_space<vmem>>, vector<1x16xf32>,
      %get3A_450 = vector.shape_cast %get3A_449 : vector<1x16xf32> to vector<16xf32>
      %lt3A_451 = arith.cmpf olt, %get3A_450, %scan3A_411 : vector<16xf32>
      %select_n3A_452 = arith.select %lt3A_451, %get3A_450, %scan3A_411 : vector<16xi1>, vector<16xf32>
      %select_n3A_453 = arith.select %lt3A_451, %broadcast_in_dim3A_426, %scan3A_419 : vector<16xi1>, vector<16xi32>
      %get3A_454 = arith.index_cast %scan3A_407 : i32 to index
      %get3A_455 = arith.constant 64 : index
      %get3A_456 = tpu.vector_load %arg5[%get3A_454, %get3A_455] {strides = array<i32>} : memref<256x128xf32, #tpu.memory_space<vmem>>, vector<1x16xf32>,
      %get3A_457 = vector.shape_cast %get3A_456 : vector<1x16xf32> to vector<16xf32>
      %lt3A_458 = arith.cmpf olt, %get3A_457, %scan3A_412 : vector<16xf32>
      %select_n3A_459 = arith.select %lt3A_458, %get3A_457, %scan3A_412 : vector<16xi1>, vector<16xf32>
      %select_n3A_460 = arith.select %lt3A_458, %broadcast_in_dim3A_426, %scan3A_420 : vector<16xi1>, vector<16xi32>
      %get3A_461 = arith.index_cast %scan3A_407 : i32 to index
      %get3A_462 = arith.constant 80 : index
      %get3A_463 = tpu.vector_load %arg5[%get3A_461, %get3A_462] {strides = array<i32>} : memref<256x128xf32, #tpu.memory_space<vmem>>, vector<1x16xf32>,
      %get3A_464 = vector.shape_cast %get3A_463 : vector<1x16xf32> to vector<16xf32>
      %lt3A_465 = arith.cmpf olt, %get3A_464, %scan3A_413 : vector<16xf32>
      %select_n3A_466 = arith.select %lt3A_465, %get3A_464, %scan3A_413 : vector<16xi1>, vector<16xf32>
      %select_n3A_467 = arith.select %lt3A_465, %broadcast_in_dim3A_426, %scan3A_421 : vector<16xi1>, vector<16xi32>
      %get3A_468 = arith.index_cast %scan3A_407 : i32 to index
      %get3A_469 = arith.constant 96 : index
      %get3A_470 = tpu.vector_load %arg5[%get3A_468, %get3A_469] {strides = array<i32>} : memref<256x128xf32, #tpu.memory_space<vmem>>, vector<1x16xf32>,
      %get3A_471 = vector.shape_cast %get3A_470 : vector<1x16xf32> to vector<16xf32>
      %lt3A_472 = arith.cmpf olt, %get3A_471, %scan3A_414 : vector<16xf32>
      %select_n3A_473 = arith.select %lt3A_472, %get3A_471, %scan3A_414 : vector<16xi1>, vector<16xf32>
      %select_n3A_474 = arith.select %lt3A_472, %broadcast_in_dim3A_426, %scan3A_422 : vector<16xi1>, vector<16xi32>
      %get3A_475 = arith.index_cast %scan3A_407 : i32 to index
      %get3A_476 = arith.constant 112 : index
      %get3A_477 = tpu.vector_load %arg5[%get3A_475, %get3A_476] {strides = array<i32>} : memref<256x128xf32, #tpu.memory_space<vmem>>, vector<1x16xf32>,
      %get3A_478 = vector.shape_cast %get3A_477 : vector<1x16xf32> to vector<16xf32>
      %lt3A_479 = arith.cmpf olt, %get3A_478, %scan3A_415 : vector<16xf32>
      %select_n3A_480 = arith.select %lt3A_479, %get3A_478, %scan3A_415 : vector<16xi1>, vector<16xf32>
      %select_n3A_481 = arith.select %lt3A_479, %broadcast_in_dim3A_426, %scan3A_423 : vector<16xi1>, vector<16xi32>
      scf.yield %select_n3A_431, %select_n3A_438, %select_n3A_445, %select_n3A_452, %select_n3A_459, %select_n3A_466, %select_n3A_473, %select_n3A_480, %select_n3A_432, %select_n3A_439, %select_n3A_446, %select_n3A_453, %select_n3A_460, %select_n3A_467, %select_n3A_474, %select_n3A_481 : vector<16xf32>, vector<16xf32>, vector<16xf32>, vector<16xf32>, vector<16xf32>, vector<16xf32>, vector<16xf32>, vector<16xf32>, vector<16xi32>, vector<16xi32>, vector<16xi32>, vector<16xi32>, vector<16xi32>, vector<16xi32>, vector<16xi32>, vector<16xi32>
    }
    %scan3A_324 = arith.constant 256 : i32
    %dma_start3A_325 = arith.constant 3840 : i32
    %dma_start3A_326 = tpu.memref_slice %arg2[%select_n3A, %dma_start3A_325, %mul3A_38] : memref<4x4096x2048xf32, #tpu.memory_space<hbm>> -> memref<1x256x128xf32, #tpu.memory_space<hbm>>
    %dma_start3A_327 = tpu.memref_squeeze %dma_start3A_326 : memref<1x256x128xf32, #tpu.memory_space<hbm>> -> memref<256x128xf32, #tpu.memory_space<hbm>>
    %dma_start3A_328 = arith.constant 3840 : i32
    %dma_start3A_329 = tpu.memref_slice %arg2[%select_n3A, %dma_start3A_328, %mul3A_38] : memref<4x4096x2048xf32, #tpu.memory_space<hbm>> -> memref<1x256x128xf32, #tpu.memory_space<hbm>>
    %dma_start3A_330 = tpu.memref_squeeze %dma_start3A_329 : memref<1x256x128xf32, #tpu.memory_space<hbm>> -> memref<256x128xf32, #tpu.memory_space<hbm>>
    tpu.enqueue_dma source(%dma_start3A_330 : memref<256x128xf32, #tpu.memory_space<hbm>>) target(%arg5 : memref<256x128xf32, #tpu.memory_space<vmem>>) target_semaphore(%arg8 : memref<!tpu.dma_semaphore, #tpu.memory_space<semaphore_mem>>)
    %dma_wait3A_331 = arith.constant 3584 : i32
    %dma_wait3A_332 = tpu.memref_slice %arg2[%select_n3A, %dma_wait3A_331, %mul3A_38] : memref<4x4096x2048xf32, #tpu.memory_space<hbm>> -> memref<1x256x128xf32, #tpu.memory_space<hbm>>
    %dma_wait3A_333 = tpu.memref_squeeze %dma_wait3A_332 : memref<1x256x128xf32, #tpu.memory_space<hbm>> -> memref<256x128xf32, #tpu.memory_space<hbm>>
    %dma_wait3A_334 = arith.constant 3584 : i32
    %dma_wait3A_335 = tpu.memref_slice %arg2[%select_n3A, %dma_wait3A_334, %mul3A_38] : memref<4x4096x2048xf32, #tpu.memory_space<hbm>> -> memref<1x256x128xf32, #tpu.memory_space<hbm>>
    %dma_wait3A_336 = tpu.memref_squeeze %dma_wait3A_335 : memref<1x256x128xf32, #tpu.memory_space<hbm>> -> memref<256x128xf32, #tpu.memory_space<hbm>>
    tpu.wait_dma2 semaphore(%arg7 : memref<!tpu.dma_semaphore, #tpu.memory_space<semaphore_mem>>) src(%dma_wait3A_336 : memref<256x128xf32, #tpu.memory_space<hbm>>) dst(%arg4 : memref<256x128xf32, #tpu.memory_space<vmem>>)
    %scan3A_337 = arith.constant 0 : i32
    %scan3A_338 = arith.constant 256 : i32
    %scan3A_339 = arith.addi %scan3A_337, %scan3A_338 : i32
    %scan3A_340 = arith.constant 1 : i32
    %scan3A_341:16 = scf.for %scan3A_407 = %scan3A_337 to %scan3A_339 step %scan3A_340 iter_args(%scan3A_408 = %scan3A_323#0, %scan3A_409 = %scan3A_323#1, %scan3A_410 = %scan3A_323#2, %scan3A_411 = %scan3A_323#3, %scan3A_412 = %scan3A_323#4, %scan3A_413 = %scan3A_323#5, %scan3A_414 = %scan3A_323#6, %scan3A_415 = %scan3A_323#7, %scan3A_416 = %scan3A_323#8, %scan3A_417 = %scan3A_323#9, %scan3A_418 = %scan3A_323#10, %scan3A_419 = %scan3A_323#11, %scan3A_420 = %scan3A_323#12, %scan3A_421 = %scan3A_323#13, %scan3A_422 = %scan3A_323#14, %scan3A_423 = %scan3A_323#15) -> (vector<16xf32>, vector<16xf32>, vector<16xf32>, vector<16xf32>, vector<16xf32>, vector<16xf32>, vector<16xf32>, vector<16xf32>, vector<16xi32>, vector<16xi32>, vector<16xi32>, vector<16xi32>, vector<16xi32>, vector<16xi32>, vector<16xi32>, vector<16xi32>)  : i32 {
      %add3A_424 = arith.constant 3584 : i32
      %add3A_425 = arith.addi %add3A_424, %scan3A_407 : i32
      %broadcast_in_dim3A_426 = vector.broadcast %add3A_425 : i32 to vector<16xi32>
      %get3A = arith.index_cast %scan3A_407 : i32 to index
      %get3A_427 = arith.constant 0 : index
      %get3A_428 = tpu.vector_load %arg4[%get3A, %get3A_427] {strides = array<i32>} : memref<256x128xf32, #tpu.memory_space<vmem>>, vector<1x16xf32>,
      %get3A_429 = vector.shape_cast %get3A_428 : vector<1x16xf32> to vector<16xf32>
      %lt3A_430 = arith.cmpf olt, %get3A_429, %scan3A_408 : vector<16xf32>
      %select_n3A_431 = arith.select %lt3A_430, %get3A_429, %scan3A_408 : vector<16xi1>, vector<16xf32>
      %select_n3A_432 = arith.select %lt3A_430, %broadcast_in_dim3A_426, %scan3A_416 : vector<16xi1>, vector<16xi32>
      %get3A_433 = arith.index_cast %scan3A_407 : i32 to index
      %get3A_434 = arith.constant 16 : index
      %get3A_435 = tpu.vector_load %arg4[%get3A_433, %get3A_434] {strides = array<i32>} : memref<256x128xf32, #tpu.memory_space<vmem>>, vector<1x16xf32>,
      %get3A_436 = vector.shape_cast %get3A_435 : vector<1x16xf32> to vector<16xf32>
      %lt3A_437 = arith.cmpf olt, %get3A_436, %scan3A_409 : vector<16xf32>
      %select_n3A_438 = arith.select %lt3A_437, %get3A_436, %scan3A_409 : vector<16xi1>, vector<16xf32>
      %select_n3A_439 = arith.select %lt3A_437, %broadcast_in_dim3A_426, %scan3A_417 : vector<16xi1>, vector<16xi32>
      %get3A_440 = arith.index_cast %scan3A_407 : i32 to index
      %get3A_441 = arith.constant 32 : index
      %get3A_442 = tpu.vector_load %arg4[%get3A_440, %get3A_441] {strides = array<i32>} : memref<256x128xf32, #tpu.memory_space<vmem>>, vector<1x16xf32>,
      %get3A_443 = vector.shape_cast %get3A_442 : vector<1x16xf32> to vector<16xf32>
      %lt3A_444 = arith.cmpf olt, %get3A_443, %scan3A_410 : vector<16xf32>
      %select_n3A_445 = arith.select %lt3A_444, %get3A_443, %scan3A_410 : vector<16xi1>, vector<16xf32>
      %select_n3A_446 = arith.select %lt3A_444, %broadcast_in_dim3A_426, %scan3A_418 : vector<16xi1>, vector<16xi32>
      %get3A_447 = arith.index_cast %scan3A_407 : i32 to index
      %get3A_448 = arith.constant 48 : index
      %get3A_449 = tpu.vector_load %arg4[%get3A_447, %get3A_448] {strides = array<i32>} : memref<256x128xf32, #tpu.memory_space<vmem>>, vector<1x16xf32>,
      %get3A_450 = vector.shape_cast %get3A_449 : vector<1x16xf32> to vector<16xf32>
      %lt3A_451 = arith.cmpf olt, %get3A_450, %scan3A_411 : vector<16xf32>
      %select_n3A_452 = arith.select %lt3A_451, %get3A_450, %scan3A_411 : vector<16xi1>, vector<16xf32>
      %select_n3A_453 = arith.select %lt3A_451, %broadcast_in_dim3A_426, %scan3A_419 : vector<16xi1>, vector<16xi32>
      %get3A_454 = arith.index_cast %scan3A_407 : i32 to index
      %get3A_455 = arith.constant 64 : index
      %get3A_456 = tpu.vector_load %arg4[%get3A_454, %get3A_455] {strides = array<i32>} : memref<256x128xf32, #tpu.memory_space<vmem>>, vector<1x16xf32>,
      %get3A_457 = vector.shape_cast %get3A_456 : vector<1x16xf32> to vector<16xf32>
      %lt3A_458 = arith.cmpf olt, %get3A_457, %scan3A_412 : vector<16xf32>
      %select_n3A_459 = arith.select %lt3A_458, %get3A_457, %scan3A_412 : vector<16xi1>, vector<16xf32>
      %select_n3A_460 = arith.select %lt3A_458, %broadcast_in_dim3A_426, %scan3A_420 : vector<16xi1>, vector<16xi32>
      %get3A_461 = arith.index_cast %scan3A_407 : i32 to index
      %get3A_462 = arith.constant 80 : index
      %get3A_463 = tpu.vector_load %arg4[%get3A_461, %get3A_462] {strides = array<i32>} : memref<256x128xf32, #tpu.memory_space<vmem>>, vector<1x16xf32>,
      %get3A_464 = vector.shape_cast %get3A_463 : vector<1x16xf32> to vector<16xf32>
      %lt3A_465 = arith.cmpf olt, %get3A_464, %scan3A_413 : vector<16xf32>
      %select_n3A_466 = arith.select %lt3A_465, %get3A_464, %scan3A_413 : vector<16xi1>, vector<16xf32>
      %select_n3A_467 = arith.select %lt3A_465, %broadcast_in_dim3A_426, %scan3A_421 : vector<16xi1>, vector<16xi32>
      %get3A_468 = arith.index_cast %scan3A_407 : i32 to index
      %get3A_469 = arith.constant 96 : index
      %get3A_470 = tpu.vector_load %arg4[%get3A_468, %get3A_469] {strides = array<i32>} : memref<256x128xf32, #tpu.memory_space<vmem>>, vector<1x16xf32>,
      %get3A_471 = vector.shape_cast %get3A_470 : vector<1x16xf32> to vector<16xf32>
      %lt3A_472 = arith.cmpf olt, %get3A_471, %scan3A_414 : vector<16xf32>
      %select_n3A_473 = arith.select %lt3A_472, %get3A_471, %scan3A_414 : vector<16xi1>, vector<16xf32>
      %select_n3A_474 = arith.select %lt3A_472, %broadcast_in_dim3A_426, %scan3A_422 : vector<16xi1>, vector<16xi32>
      %get3A_475 = arith.index_cast %scan3A_407 : i32 to index
      %get3A_476 = arith.constant 112 : index
      %get3A_477 = tpu.vector_load %arg4[%get3A_475, %get3A_476] {strides = array<i32>} : memref<256x128xf32, #tpu.memory_space<vmem>>, vector<1x16xf32>,
      %get3A_478 = vector.shape_cast %get3A_477 : vector<1x16xf32> to vector<16xf32>
      %lt3A_479 = arith.cmpf olt, %get3A_478, %scan3A_415 : vector<16xf32>
      %select_n3A_480 = arith.select %lt3A_479, %get3A_478, %scan3A_415 : vector<16xi1>, vector<16xf32>
      %select_n3A_481 = arith.select %lt3A_479, %broadcast_in_dim3A_426, %scan3A_423 : vector<16xi1>, vector<16xi32>
      scf.yield %select_n3A_431, %select_n3A_438, %select_n3A_445, %select_n3A_452, %select_n3A_459, %select_n3A_466, %select_n3A_473, %select_n3A_480, %select_n3A_432, %select_n3A_439, %select_n3A_446, %select_n3A_453, %select_n3A_460, %select_n3A_467, %select_n3A_474, %select_n3A_481 : vector<16xf32>, vector<16xf32>, vector<16xf32>, vector<16xf32>, vector<16xf32>, vector<16xf32>, vector<16xf32>, vector<16xf32>, vector<16xi32>, vector<16xi32>, vector<16xi32>, vector<16xi32>, vector<16xi32>, vector<16xi32>, vector<16xi32>, vector<16xi32>
    }
    %scan3A_342 = arith.constant 256 : i32
    %dma_wait3A_343 = arith.constant 3840 : i32
    %dma_wait3A_344 = tpu.memref_slice %arg2[%select_n3A, %dma_wait3A_343, %mul3A_38] : memref<4x4096x2048xf32, #tpu.memory_space<hbm>> -> memref<1x256x128xf32, #tpu.memory_space<hbm>>
    %dma_wait3A_345 = tpu.memref_squeeze %dma_wait3A_344 : memref<1x256x128xf32, #tpu.memory_space<hbm>> -> memref<256x128xf32, #tpu.memory_space<hbm>>
    %dma_wait3A_346 = arith.constant 3840 : i32
    %dma_wait3A_347 = tpu.memref_slice %arg2[%select_n3A, %dma_wait3A_346, %mul3A_38] : memref<4x4096x2048xf32, #tpu.memory_space<hbm>> -> memref<1x256x128xf32, #tpu.memory_space<hbm>>
    %dma_wait3A_348 = tpu.memref_squeeze %dma_wait3A_347 : memref<1x256x128xf32, #tpu.memory_space<hbm>> -> memref<256x128xf32, #tpu.memory_space<hbm>>
    tpu.wait_dma2 semaphore(%arg8 : memref<!tpu.dma_semaphore, #tpu.memory_space<semaphore_mem>>) src(%dma_wait3A_348 : memref<256x128xf32, #tpu.memory_space<hbm>>) dst(%arg5 : memref<256x128xf32, #tpu.memory_space<vmem>>)
    %scan3A_349 = arith.constant 0 : i32
    %scan3A_350 = arith.constant 256 : i32
    %scan3A_351 = arith.addi %scan3A_349, %scan3A_350 : i32
    %scan3A_352 = arith.constant 1 : i32
    %scan3A_353:16 = scf.for %scan3A_407 = %scan3A_349 to %scan3A_351 step %scan3A_352 iter_args(%scan3A_408 = %scan3A_341#0, %scan3A_409 = %scan3A_341#1, %scan3A_410 = %scan3A_341#2, %scan3A_411 = %scan3A_341#3, %scan3A_412 = %scan3A_341#4, %scan3A_413 = %scan3A_341#5, %scan3A_414 = %scan3A_341#6, %scan3A_415 = %scan3A_341#7, %scan3A_416 = %scan3A_341#8, %scan3A_417 = %scan3A_341#9, %scan3A_418 = %scan3A_341#10, %scan3A_419 = %scan3A_341#11, %scan3A_420 = %scan3A_341#12, %scan3A_421 = %scan3A_341#13, %scan3A_422 = %scan3A_341#14, %scan3A_423 = %scan3A_341#15) -> (vector<16xf32>, vector<16xf32>, vector<16xf32>, vector<16xf32>, vector<16xf32>, vector<16xf32>, vector<16xf32>, vector<16xf32>, vector<16xi32>, vector<16xi32>, vector<16xi32>, vector<16xi32>, vector<16xi32>, vector<16xi32>, vector<16xi32>, vector<16xi32>)  : i32 {
      %add3A_424 = arith.constant 3840 : i32
      %add3A_425 = arith.addi %add3A_424, %scan3A_407 : i32
      %broadcast_in_dim3A_426 = vector.broadcast %add3A_425 : i32 to vector<16xi32>
      %get3A = arith.index_cast %scan3A_407 : i32 to index
      %get3A_427 = arith.constant 0 : index
      %get3A_428 = tpu.vector_load %arg5[%get3A, %get3A_427] {strides = array<i32>} : memref<256x128xf32, #tpu.memory_space<vmem>>, vector<1x16xf32>,
      %get3A_429 = vector.shape_cast %get3A_428 : vector<1x16xf32> to vector<16xf32>
      %lt3A_430 = arith.cmpf olt, %get3A_429, %scan3A_408 : vector<16xf32>
      %select_n3A_431 = arith.select %lt3A_430, %get3A_429, %scan3A_408 : vector<16xi1>, vector<16xf32>
      %select_n3A_432 = arith.select %lt3A_430, %broadcast_in_dim3A_426, %scan3A_416 : vector<16xi1>, vector<16xi32>
      %get3A_433 = arith.index_cast %scan3A_407 : i32 to index
      %get3A_434 = arith.constant 16 : index
      %get3A_435 = tpu.vector_load %arg5[%get3A_433, %get3A_434] {strides = array<i32>} : memref<256x128xf32, #tpu.memory_space<vmem>>, vector<1x16xf32>,
      %get3A_436 = vector.shape_cast %get3A_435 : vector<1x16xf32> to vector<16xf32>
      %lt3A_437 = arith.cmpf olt, %get3A_436, %scan3A_409 : vector<16xf32>
      %select_n3A_438 = arith.select %lt3A_437, %get3A_436, %scan3A_409 : vector<16xi1>, vector<16xf32>
      %select_n3A_439 = arith.select %lt3A_437, %broadcast_in_dim3A_426, %scan3A_417 : vector<16xi1>, vector<16xi32>
      %get3A_440 = arith.index_cast %scan3A_407 : i32 to index
      %get3A_441 = arith.constant 32 : index
      %get3A_442 = tpu.vector_load %arg5[%get3A_440, %get3A_441] {strides = array<i32>} : memref<256x128xf32, #tpu.memory_space<vmem>>, vector<1x16xf32>,
      %get3A_443 = vector.shape_cast %get3A_442 : vector<1x16xf32> to vector<16xf32>
      %lt3A_444 = arith.cmpf olt, %get3A_443, %scan3A_410 : vector<16xf32>
      %select_n3A_445 = arith.select %lt3A_444, %get3A_443, %scan3A_410 : vector<16xi1>, vector<16xf32>
      %select_n3A_446 = arith.select %lt3A_444, %broadcast_in_dim3A_426, %scan3A_418 : vector<16xi1>, vector<16xi32>
      %get3A_447 = arith.index_cast %scan3A_407 : i32 to index
      %get3A_448 = arith.constant 48 : index
      %get3A_449 = tpu.vector_load %arg5[%get3A_447, %get3A_448] {strides = array<i32>} : memref<256x128xf32, #tpu.memory_space<vmem>>, vector<1x16xf32>,
      %get3A_450 = vector.shape_cast %get3A_449 : vector<1x16xf32> to vector<16xf32>
      %lt3A_451 = arith.cmpf olt, %get3A_450, %scan3A_411 : vector<16xf32>
      %select_n3A_452 = arith.select %lt3A_451, %get3A_450, %scan3A_411 : vector<16xi1>, vector<16xf32>
      %select_n3A_453 = arith.select %lt3A_451, %broadcast_in_dim3A_426, %scan3A_419 : vector<16xi1>, vector<16xi32>
      %get3A_454 = arith.index_cast %scan3A_407 : i32 to index
      %get3A_455 = arith.constant 64 : index
      %get3A_456 = tpu.vector_load %arg5[%get3A_454, %get3A_455] {strides = array<i32>} : memref<256x128xf32, #tpu.memory_space<vmem>>, vector<1x16xf32>,
      %get3A_457 = vector.shape_cast %get3A_456 : vector<1x16xf32> to vector<16xf32>
      %lt3A_458 = arith.cmpf olt, %get3A_457, %scan3A_412 : vector<16xf32>
      %select_n3A_459 = arith.select %lt3A_458, %get3A_457, %scan3A_412 : vector<16xi1>, vector<16xf32>
      %select_n3A_460 = arith.select %lt3A_458, %broadcast_in_dim3A_426, %scan3A_420 : vector<16xi1>, vector<16xi32>
      %get3A_461 = arith.index_cast %scan3A_407 : i32 to index
      %get3A_462 = arith.constant 80 : index
      %get3A_463 = tpu.vector_load %arg5[%get3A_461, %get3A_462] {strides = array<i32>} : memref<256x128xf32, #tpu.memory_space<vmem>>, vector<1x16xf32>,
      %get3A_464 = vector.shape_cast %get3A_463 : vector<1x16xf32> to vector<16xf32>
      %lt3A_465 = arith.cmpf olt, %get3A_464, %scan3A_413 : vector<16xf32>
      %select_n3A_466 = arith.select %lt3A_465, %get3A_464, %scan3A_413 : vector<16xi1>, vector<16xf32>
      %select_n3A_467 = arith.select %lt3A_465, %broadcast_in_dim3A_426, %scan3A_421 : vector<16xi1>, vector<16xi32>
      %get3A_468 = arith.index_cast %scan3A_407 : i32 to index
      %get3A_469 = arith.constant 96 : index
      %get3A_470 = tpu.vector_load %arg5[%get3A_468, %get3A_469] {strides = array<i32>} : memref<256x128xf32, #tpu.memory_space<vmem>>, vector<1x16xf32>,
      %get3A_471 = vector.shape_cast %get3A_470 : vector<1x16xf32> to vector<16xf32>
      %lt3A_472 = arith.cmpf olt, %get3A_471, %scan3A_414 : vector<16xf32>
      %select_n3A_473 = arith.select %lt3A_472, %get3A_471, %scan3A_414 : vector<16xi1>, vector<16xf32>
      %select_n3A_474 = arith.select %lt3A_472, %broadcast_in_dim3A_426, %scan3A_422 : vector<16xi1>, vector<16xi32>
      %get3A_475 = arith.index_cast %scan3A_407 : i32 to index
      %get3A_476 = arith.constant 112 : index
      %get3A_477 = tpu.vector_load %arg5[%get3A_475, %get3A_476] {strides = array<i32>} : memref<256x128xf32, #tpu.memory_space<vmem>>, vector<1x16xf32>,
      %get3A_478 = vector.shape_cast %get3A_477 : vector<1x16xf32> to vector<16xf32>
      %lt3A_479 = arith.cmpf olt, %get3A_478, %scan3A_415 : vector<16xf32>
      %select_n3A_480 = arith.select %lt3A_479, %get3A_478, %scan3A_415 : vector<16xi1>, vector<16xf32>
      %select_n3A_481 = arith.select %lt3A_479, %broadcast_in_dim3A_426, %scan3A_423 : vector<16xi1>, vector<16xi32>
      scf.yield %select_n3A_431, %select_n3A_438, %select_n3A_445, %select_n3A_452, %select_n3A_459, %select_n3A_466, %select_n3A_473, %select_n3A_480, %select_n3A_432, %select_n3A_439, %select_n3A_446, %select_n3A_453, %select_n3A_460, %select_n3A_467, %select_n3A_474, %select_n3A_481 : vector<16xf32>, vector<16xf32>, vector<16xf32>, vector<16xf32>, vector<16xf32>, vector<16xf32>, vector<16xf32>, vector<16xf32>, vector<16xi32>, vector<16xi32>, vector<16xi32>, vector<16xi32>, vector<16xi32>, vector<16xi32>, vector<16xi32>, vector<16xi32>
    }
    %scan3A_354 = arith.constant 256 : i32
    %swap3A = arith.constant 0 : index
    %swap3A_355 = tpu.vector_load %arg6[%swap3A] {strides = array<i32>} : memref<128xi32, #tpu.memory_space<vmem>>, vector<16xi32>,
    %swap3A_356 = vector.shape_cast %swap3A_355 : vector<16xi32> to vector<16xi32>
    %swap3A_357 = vector.shape_cast %scan3A_353#8 : vector<16xi32> to vector<16xi32>
    tpu.vector_store %arg6[%swap3A], %swap3A_357 {strides = array<i32>} : memref<128xi32, #tpu.memory_space<vmem>>, vector<16xi32>,
    %swap3A_358 = arith.constant 16 : index
    %swap3A_359 = tpu.vector_load %arg6[%swap3A_358] {strides = array<i32>} : memref<128xi32, #tpu.memory_space<vmem>>, vector<16xi32>,
    %swap3A_360 = vector.shape_cast %swap3A_359 : vector<16xi32> to vector<16xi32>
    %swap3A_361 = vector.shape_cast %scan3A_353#9 : vector<16xi32> to vector<16xi32>
    tpu.vector_store %arg6[%swap3A_358], %swap3A_361 {strides = array<i32>} : memref<128xi32, #tpu.memory_space<vmem>>, vector<16xi32>,
    %swap3A_362 = arith.constant 32 : index
    %swap3A_363 = tpu.vector_load %arg6[%swap3A_362] {strides = array<i32>} : memref<128xi32, #tpu.memory_space<vmem>>, vector<16xi32>,
    %swap3A_364 = vector.shape_cast %swap3A_363 : vector<16xi32> to vector<16xi32>
    %swap3A_365 = vector.shape_cast %scan3A_353#10 : vector<16xi32> to vector<16xi32>
    tpu.vector_store %arg6[%swap3A_362], %swap3A_365 {strides = array<i32>} : memref<128xi32, #tpu.memory_space<vmem>>, vector<16xi32>,
    %swap3A_366 = arith.constant 48 : index
    %swap3A_367 = tpu.vector_load %arg6[%swap3A_366] {strides = array<i32>} : memref<128xi32, #tpu.memory_space<vmem>>, vector<16xi32>,
    %swap3A_368 = vector.shape_cast %swap3A_367 : vector<16xi32> to vector<16xi32>
    %swap3A_369 = vector.shape_cast %scan3A_353#11 : vector<16xi32> to vector<16xi32>
    tpu.vector_store %arg6[%swap3A_366], %swap3A_369 {strides = array<i32>} : memref<128xi32, #tpu.memory_space<vmem>>, vector<16xi32>,
    %swap3A_370 = arith.constant 64 : index
    %swap3A_371 = tpu.vector_load %arg6[%swap3A_370] {strides = array<i32>} : memref<128xi32, #tpu.memory_space<vmem>>, vector<16xi32>,
    %swap3A_372 = vector.shape_cast %swap3A_371 : vector<16xi32> to vector<16xi32>
    %swap3A_373 = vector.shape_cast %scan3A_353#12 : vector<16xi32> to vector<16xi32>
    tpu.vector_store %arg6[%swap3A_370], %swap3A_373 {strides = array<i32>} : memref<128xi32, #tpu.memory_space<vmem>>, vector<16xi32>,
    %swap3A_374 = arith.constant 80 : index
    %swap3A_375 = tpu.vector_load %arg6[%swap3A_374] {strides = array<i32>} : memref<128xi32, #tpu.memory_space<vmem>>, vector<16xi32>,
    %swap3A_376 = vector.shape_cast %swap3A_375 : vector<16xi32> to vector<16xi32>
    %swap3A_377 = vector.shape_cast %scan3A_353#13 : vector<16xi32> to vector<16xi32>
    tpu.vector_store %arg6[%swap3A_374], %swap3A_377 {strides = array<i32>} : memref<128xi32, #tpu.memory_space<vmem>>, vector<16xi32>,
    %swap3A_378 = arith.constant 96 : index
    %swap3A_379 = tpu.vector_load %arg6[%swap3A_378] {strides = array<i32>} : memref<128xi32, #tpu.memory_space<vmem>>, vector<16xi32>,
    %swap3A_380 = vector.shape_cast %swap3A_379 : vector<16xi32> to vector<16xi32>
    %swap3A_381 = vector.shape_cast %scan3A_353#14 : vector<16xi32> to vector<16xi32>
    tpu.vector_store %arg6[%swap3A_378], %swap3A_381 {strides = array<i32>} : memref<128xi32, #tpu.memory_space<vmem>>, vector<16xi32>,
    %swap3A_382 = arith.constant 112 : index
    %swap3A_383 = tpu.vector_load %arg6[%swap3A_382] {strides = array<i32>} : memref<128xi32, #tpu.memory_space<vmem>>, vector<16xi32>,
    %swap3A_384 = vector.shape_cast %swap3A_383 : vector<16xi32> to vector<16xi32>
    %swap3A_385 = vector.shape_cast %scan3A_353#15 : vector<16xi32> to vector<16xi32>
    tpu.vector_store %arg6[%swap3A_382], %swap3A_385 {strides = array<i32>} : memref<128xi32, #tpu.memory_space<vmem>>, vector<16xi32>,
    %mul3A_386 = arith.constant 8 : i32
    %mul3A_387 = arith.muli %select_n3A, %mul3A_386 : i32
    %jit3A_388 = arith.constant 8 : i32
    %eq3A_389 = arith.constant 0 : i32
    %eq3A_390 = arith.cmpi eq, %jit3A_388, %eq3A_389 : i32
    %jit3A_391 = arith.constant 1 : i32
    %select_n3A_392 = arith.select %eq3A_390, %jit3A_391, %jit3A_388 : i32
    %rem3A_393 = arith.remsi %add3A_4, %select_n3A_392 : i32
    %ne3A_394 = arith.constant 0 : i32
    %ne3A_395 = arith.cmpi ne, %rem3A_393, %ne3A_394 : i32
    %lt3A_396 = arith.constant 0 : i32
    %lt3A_397 = arith.cmpi slt, %rem3A_393, %lt3A_396 : i32
    %lt3A_398 = arith.constant 0 : i32
    %lt3A_399 = arith.cmpi slt, %select_n3A_392, %lt3A_398 : i32
    %ne3A_400 = arith.xori %lt3A_397, %lt3A_399 : i1
    %and3A_401 = arith.andi %ne3A_400, %ne3A_395 : i1
    %add3A_402 = arith.addi %rem3A_393, %select_n3A_392 : i32
    %select_n3A_403 = arith.select %and3A_401, %add3A_402, %rem3A_393 : i32
    %add3A_404 = arith.addi %mul3A_387, %select_n3A_403 : i32
    %mul3A_405 = arith.constant 128 : i32
    %mul3A_406 = arith.muli %add3A_404, %mul3A_405 : i32
    "tpu.region"() ({
      %run_scoped3A = tpu.sem_alloc : memref<!tpu.dma_semaphore, #tpu.memory_space<semaphore_mem>>
      %dma_start3A_407 = tpu.memref_slice %arg3[%mul3A_406] : memref<4096xi32, #tpu.memory_space<hbm>> -> memref<128xi32, #tpu.memory_space<hbm>>
      %dma_start3A_408 = tpu.memref_slice %arg3[%mul3A_406] : memref<4096xi32, #tpu.memory_space<hbm>> -> memref<128xi32, #tpu.memory_space<hbm>>
      tpu.enqueue_dma source(%arg6 : memref<128xi32, #tpu.memory_space<vmem>>) target(%dma_start3A_408 : memref<128xi32, #tpu.memory_space<hbm>>) target_semaphore(%run_scoped3A : memref<!tpu.dma_semaphore, #tpu.memory_space<semaphore_mem>>)
      %dma_wait3A_409 = tpu.memref_slice %arg3[%mul3A_406] : memref<4096xi32, #tpu.memory_space<hbm>> -> memref<128xi32, #tpu.memory_space<hbm>>
      %dma_wait3A_410 = tpu.memref_slice %arg3[%mul3A_406] : memref<4096xi32, #tpu.memory_space<hbm>> -> memref<128xi32, #tpu.memory_space<hbm>>
      tpu.wait_dma2 semaphore(%run_scoped3A : memref<!tpu.dma_semaphore, #tpu.memory_space<semaphore_mem>>) src(%arg6 : memref<128xi32, #tpu.memory_space<vmem>>) dst(%dma_wait3A_410 : memref<128xi32, #tpu.memory_space<hbm>>)
      tpu.yield
    }) : () -> ()
    return
  }
}

</mosaic_0001>

<sc_bundles>
// kernel: kernel.3.cloned.1.call-start
scs
__scs_entry_jumppad:
0x0: {  	(pc) =	sbr.rel $0x88, $3  }
0x1: {  	(tag) =	ssettag $0x0;
	lr =	simm.s32 $0x1  }
0x2: {  	[smem:$0x3FA0] =	sst lr;
	_ =	strace $0xD0000000  }
0x3: {  	_ = 	snop  }
0x4: {  	_ = 	snop  }
0x5: {  	_ = 	snop  }
0x6: {  	_ = 	snop  }
0x7: {  	_ = 	snop  }
__scs_overlays_trampoline_lowered:
0x8: {  	[smem:$0x3FAF] =	sst s0  }
0x9: {  	[smem:$0x3FB0] =	sst s1  }
0xa: {  	[smem:$0x3FB1] =	sst s2  }
0xb: {  	[smem:$0x3FB2] =	sst s3  }
0xc: {  	[smem:$0x3FB3] =	sst s4  }
0xd: {  	[smem:$0x3FB4] =	sst s5  }
0xe: {  	[smem:$0x3FB5] =	sst s6  }
0xf: {  	[smem:$0x3FB6] =	sst s7  }
0x10: {  	[smem:$0x3FB7] =	sst s8  }
0x11: {  	[smem:$0x3FB8] =	sst s9;
	s0 =	simm.s32 @!p0 $0x0  }
0x12: {  	s1 =	sld [smem:$0x3F9E];
	s0 =	simm.s32 @p0 $0x1  }
0x13: {  	[smem:$0x3FB9] =	sst s0;
	s0 =	simm.s32 @!p1 $0x0  }
0x14: {  	s2 =	sld [smem:$0x3F9D];
	s0 =	simm.s32 @p1 $0x1  }
0x15: {  	[smem:$0x3FBA] =	sst s0;
	s0 =	simm.s32 @!p2 $0x0  }
0x16: {  	s3 =	sld [smem:$0x3FDB];
	s0 =	simm.s32 @p2 $0x1  }
0x17: {  	s4 =	simm.s32 $0x1BF5;
	[smem:$0x3FBC] =	sst s0  }
0x18: {  	s0 =	sld [smem:$0x3F9F];
	_ =	swait.ge [sflag:s4], $0x0  }
0x19: {  	s7 =	sld [smem:$0x3FA0]  }
0x1a: {  	s8 =	sadd.s32 $0xFFFFE003, lr  }
0x1b: {  	s9 =	sadd.s32 $0xFFFFFEF7, lr;
	s5 =	simm.s32 $0xFFFFFFFF;
	p2 =	slt.u32 s8, $0xFFFFF086  }
0x1c: {  	p1 =	slt.u32 s9, $0xF7A;
	s5 =	simm.s32 @!p2 $0x0  }
0x1d: {  	s5 =	simm.s32 @p1 $0x1;
	p0 =	seq.s32 s7, s2  }
0x1e: {  	s7 =	smul.u32 @!p0 $0xF7A, s2;
	p2 =	seq.s32 @!p0 s5, $0x0  }
0x1f: {  	s9 =	smul.u32 $0xF7A, s1;
	s8 =	simm.s32 @!p0 $0x1BF5;
	p2 =	por !p2, p0  }
0x20: {  	[sflag:s8] =	ssyncset.s32 @!p0 $0xFFFFF086;
	s6 =	sadd.s32 @!p0 s3, s7;
	s7 =	simm.s32 @!p0 $0x108  }
0x21: {  	s3 =	sadd.s32 s3, s9;
	s6 =	sadd.s32 @!p0 $0x88, s6;
	s7 =	simm.s32 @p2 $0x1082  }
0x22: {  	[simem:s7], [sflag:s8] =	dma.local @!p0 [hbm:s6], $0xF7A  }
0x23: {  	s9 =	sor.u32 $0xD0000000, s2;
	s6 =	simm.s32 $0x108;
	_ =	swait.ge @!p0 [sflag:s8], $0x0  }
0x24: {  	s3 =	sadd.s32 $0x88, s3;
	s6 =	simm.s32 @!p1 $0x1082;
	[sflag:s4] =	ssyncset.s32 $0xFFFFF086  }
0x25: {  	[simem:s6], [sflag:s4] =	dma.local [hbm:s3], $0xF7A  }
0x26: {  	[smem:$0x3FA0] =	sst s1;
	(tag) =	ssettag s2;
	_ =	strace s9  }
0x27: {  	s1 =	sld [smem:$0x3FB0]  }
0x28: {  	s2 =	sld [smem:$0x3FB1]  }
0x29: {  	s4 =	sld [smem:$0x3FB3]  }
0x2a: {  	p0 =	seq.s32 s5, $0x0;
	s5 =	sld [smem:$0x3FB4]  }
0x2b: {  	s6 =	sld [smem:$0x3FB5]  }
0x2c: {  	s7 =	sld [smem:$0x3FB6]  }
0x2d: {  	s3 =	simm.s32 $0x108;
	s8 =	sld [smem:$0x3FB7]  }
0x2e: {  	s3 =	simm.s32 @!p0 $0x1082;
	s9 =	sld [smem:$0x3FB8]  }
0x2f: {  	lr =	sadd.s32 s0, s3;
	s0 =	sld [smem:$0x3FAF]  }
0x30: {  	s3 =	sld [smem:$0x3FB2]  }
0x31: {  	[smem:$0x3FBB] =	sst s10  }
0x32: {  	s10 =	sld [smem:$0x3FB9];
	_ =	sdelay $0x3  }
0x33: {  	p0 =	seq.s32 s10, $0x1;
	s10 =	sld [smem:$0x3FBB];
	_ =	sdelay $0x3  }
0x34: {  	[smem:$0x3FBB] =	sst s10  }
0x35: {  	s10 =	sld [smem:$0x3FBA];
	_ =	sdelay $0x3  }
0x36: {  	p1 =	seq.s32 s10, $0x1;
	s10 =	sld [smem:$0x3FBB];
	_ =	sdelay $0x3  }
0x37: {  	[smem:$0x3FBB] =	sst s10  }
0x38: {  	s10 =	sld [smem:$0x3FBC]  }
0x39: {  	_ = 	snop;
	(pc) =	sbr.ind lr, $3  }
0x3a: {  	_ = 	snop  }
0x3b: {  	_ = 	snop  }
0x3c: {  	p2 =	seq.s32 s10, $0x1;
	s10 =	sld [smem:$0x3FBB]  }
0x3d: {  	_ =	shalt  }
0x3e: {  	_ =	shalt  }
0x3f: {  	_ =	shalt  }
0x40: {  	_ =	shalt  }
0x41: {  	_ =	shalt  }
0x42: {  	_ =	shalt  }
0x43: {  	_ =	shalt  }
0x44: {  	_ =	shalt  }
0x45: {  	_ =	shalt  }
0x46: {  	_ =	shalt  }
0x47: {  	_ =	shalt  }
0x48: {  	_ =	shalt  }
0x49: {  	_ =	shalt  }
0x4a: {  	_ =	shalt  }
0x4b: {  	_ =	shalt  }
0x4c: {  	_ =	shalt  }
0x4d: {  	_ =	shalt  }
0x4e: {  	_ =	shalt  }
0x4f: {  	_ =	shalt  }
0x50: {  	_ =	shalt  }
0x51: {  	_ =	shalt  }
0x52: {  	_ =	shalt  }
0x53: {  	_ =	shalt  }
0x54: {  	_ =	shalt  }
0x55: {  	_ =	shalt  }
0x56: {  	_ =	shalt  }
0x57: {  	_ =	shalt  }
0x58: {  	_ =	shalt  }
0x59: {  	_ =	shalt  }
0x5a: {  	_ =	shalt  }
0x5b: {  	_ =	shalt  }
0x5c: {  	_ =	shalt  }
0x5d: {  	_ =	shalt  }
0x5e: {  	_ =	shalt  }
0x5f: {  	_ =	shalt  }
0x60: {  	_ =	shalt  }
0x61: {  	_ =	shalt  }
0x62: {  	_ =	shalt  }
0x63: {  	_ =	shalt  }
0x64: {  	_ =	shalt  }
0x65: {  	_ =	shalt  }
0x66: {  	_ =	shalt  }
0x67: {  	_ =	shalt  }
0x68: {  	_ =	shalt  }
0x69: {  	_ =	shalt  }
0x6a: {  	_ =	shalt  }
0x6b: {  	_ =	shalt  }
0x6c: {  	_ =	shalt  }
0x6d: {  	_ =	shalt  }
0x6e: {  	_ =	shalt  }
0x6f: {  	_ =	shalt  }
0x70: {  	_ =	shalt  }
0x71: {  	_ =	shalt  }
0x72: {  	_ =	shalt  }
0x73: {  	_ =	shalt  }
0x74: {  	_ =	shalt  }
0x75: {  	_ =	shalt  }
0x76: {  	_ =	shalt  }
0x77: {  	_ =	shalt  }
0x78: {  	_ =	shalt  }
0x79: {  	_ =	shalt  }
0x7a: {  	_ =	shalt  }
0x7b: {  	_ =	shalt  }
0x7c: {  	_ =	shalt  }
0x7d: {  	_ =	shalt  }
0x7e: {  	_ =	shalt  }
0x7f: {  	_ =	shalt  }
0x80: {  	_ =	shalt  }
0x81: {  	_ =	shalt  }
0x82: {  	_ =	shalt  }
0x83: {  	_ =	shalt  }
0x84: {  	_ =	shalt  }
0x85: {  	_ =	shalt  }
0x86: {  	_ =	shalt  }
0x87: {  	_ =	shalt  }
.Lfunc_end0:
.L_simem_size_0:
called_computation_lowered:
.L_overlay_start_0:
0x88: {  	s2 =	sld [smem:$0x3FD9]  }
0x89: {  	s3 =	sld [smem:$0x3FFE];
	_ =	sdelay $0x1  }
0x8a: {  	s1 =	srdreg.scid  }
0x8b: {  	s0 =	sand.u32 $0x1, s1  }
0x8c: {  	s18 =	sshll.u32 s0, $0xA;
	s2 =	sadd.s32 s3, s2  }
0x8d: {  	s2 =	sadd.s32 s2, s18  }
0x8e: {  	[smem:$0x3FC7] =	sst s2  }
0x8f: {  	_ = 	snop  }
0x90: {  	s2 =	sld [smem:$0x3FC9]  }
0x91: {  	s19 =	sld [smem:$0x3FD0];
	(tm) =	ssettm $0x1  }
0x92: {  	s4 =	sld [smem:$0x3FFB];
	_ =	sdelay $0x3  }
0x93: {  	_ =	strace s4  }
0x94: {  	s4 =	sld [smem:$0x3FFC];
	_ =	sdelay $0x3  }
0x95: {  	_ =	strace s4  }
0x96: {  	s4 =	sld [smem:$0x3FFD];
	_ =	sdelay $0x3  }
0x97: {  	_ =	strace s4  }
0x98: {  	_ =	strace $0x8FFFFFFF  }
0x99: {  	s20 =	sld [smem:$0x3FDB];
	_ =	sdelay $0x1  }
0x9a: {  	s5 =	simm.s32 $_scs_section_size  }
0x9b: {  	s6 =	simm.s32 $_size__tile_overlayer_lowered;
	s7 =	simm.s32 $_tile_overlayer_lowered  }
0x9c: {  	s23 =	simm.s32 $0x1BFF;
	s22 =	sshll.u32 s7, $0x1;
	s4 =	sadd.s32 s5, s20  }
0x9d: {  	s8 =	simm.s32 $0x0;
	s21 =	sshll.u32 s6, $0x1;
	s6 =	sadd.s32 s22, s4  }
0x9e: {  	[timem:s8], [sflag:s23] =	dma.local [hbm:s6], s21  }
0x9f: {  	_ =	swait.ge [sflag:s23], s21  }
0xa0: {  	s5 =	ssub.s32 $0x0, s21;
	[sflag:s23] =	ssyncset.done $0x0  }
0xa1: {  	[sflag:s23] =	ssyncadd.s32 s5;
	_ =	sdelay $0x1  }
0xa2: {  	s24 =	simm.s32 $0x1B8B  }
0xa3: {  	_ =	swait.ge [sflag:s24], $0x1  }
0xa4: {  	[sflag:s24] =	ssyncset.done $0x0  }
0xa5: {  	s25 =	simm.s32 $0x1B8E;
	[sflag:s24] =	ssyncadd.s32 $0xFFFFFFFF  }
0xa6: {  	s26 =	simm.s32 $execute0_lowered;
	[smem:$0x3FD2] =	sst s25  }
0xa7: {  	s5 =	sshll.u32 s26, $0x1;
	_ =	strace $0x80000046;
	[dreg:$0x1] =	wrdreg $0xFFFFFFFF  }
0xa8: {  	s28 =	simm.s32 $_size_execute0_lowered;
	s4 =	sadd.s32 s4, s5;
	[dreg:$0x0] =	wrdreg $0x0  }
0xa9: {  	s5 =	sshll.u32 s28, $0x1;
	[dreg:$0x2] =	wrdreg s4  }
0xaa: {  	[dreg:$0x3] =	wrdreg s5  }
0xab: {  	[dreg:$0x4] =	wrdreg $0xC0  }
0xac: {  	_ =	task [dreg:s8], $0x5FFFF  }
0xad: {  	[dreg:$0x1] =	wrdreg $0xFFFFFFFF  }
0xae: {  	[dreg:$0x0] =	wrdreg $0x60  }
0xaf: {  	[dreg:$0x2] =	wrdreg s2  }
0xb0: {  	[dreg:$0x3] =	wrdreg s19  }
0xb1: {  	[dreg:$0x4] =	wrdreg $0x9  }
0xb2: {  	_ =	task.clear_ibuf [dreg:s8], $0x5FFFF;
	_ =	strace $0x90000046  }
0xb3: {  	s29 =	simm.s32 $0x9;
	_ =	strace $0x80000048  }
0xb4: {  	_ =	swait.ge [sflag:s29], $0x1  }
0xb5: {  	[sflag:s29] =	ssyncadd.s32 $0xFFFFFFFF  }
0xb6: {  	_ =	strace $0x90000048  }
0xb7: {  	_ =	sfence  }
0xb8: {  	s30 =	sld [smem:$0x0];
	_ =	sdelay $0x2  }
0xb9: {  	s31 =	sshll.u32 s1, $0xD;
	s1 =	sshrl.u32 s1, $0x2  }
0xba: {  	s3 =	sand.u32 $0x4000, s31;
	s1 =	sadd.s32 s1, s30  }
0xbb: {  	s0 =	sor.u32 s3, s0;
	s1 =	sshll.u32 s1, $0x11  }
0xbc: {  	s0 =	sor.u32 s1, s0  }
0xbd: {  	s0 =	sadd.s32 $0x8F2B, s0  }
0xbe: {  	[sflag:s0] =	ssyncadd.remote.s32 $0x1  }
0xbf: {  	_ =	sfence.sel $0xFFFF  }
0xc0: {  	[dreg:$0x0] =	wrdreg $0xFFFFFFFF;
	(pc) =	sbr.abs _section_cstart, $3  }
0xc1: {  	[dreg:$0x1] =	wrdreg $0xFFFFFFFF  }
0xc2: {  	_ =	task.clear_ibuf [dreg:s8], $0x2FFFF;
	_ =	strace $0x9FFFFFFF  }
0xc3: {  	(tm) =	ssettm $0x7FFFFFFF  }
tec
execute0_lowered:
.L_overlay_start_1:
0x0: {  	(tag) =	ssettag $0x1  }
0x1: {  	s3 =	stileid.u32  }
0x2: {  	s0 =	rddreg [dreg:$0x0];
	s1 =	srdreg.scid  }
0x3: {  	s17 =	rddreg [dreg:$0x1];
	s21 =	simm.s32 $0x400;
	s22 =	simm.s32 $0x4000  }
0x4: {  	s23 =	simm.s32 $0x8000;
	s24 =	simm.s32 $0x1;
	s25 =	simm.s32 $0x2  }
0x5: {  	s26 =	simm.s32 $0x10000;
	s28 =	simm.s32 $0x3;
	s29 =	simm.s32 $0x0  }
0x6: {  	s2 =	sshll.u32 s3, $0x1;
	s1 =	sand.u32 $0x1, s1;
	s16 =	sshrl.u32 s3, $0x2  }
0x7: {  	s2 =	sand.u32 $0x6, s2;
	s3 =	sshll.u32 s16, $0x14;
	s19 =	sshll.u32 s16, $0x7  }
0x8: {  	s18 =	sor.u32 s1, s2;
	s2 =	simm.s32 $0x0;
	s1 =	ssub.s32 $0x2, s1  }
0x9: {  	s19 =	sadd.s32 s17, s19;
	s4 =	sshll.u32 s18, $0x7;
	[smem:$0x7FF] =	sst s2  }
0xa: {  	s31 =	sshrl.u32 s1, $0x1;
	s20 =	sshll.u32 s18, $0x4;
	s3 =	sor.u32 s3, s4  }
0xb: {  	_ =	strace $0x80000047;
	s1 =	ssub.s32 s1, s31;
	s0 =	sadd.s32 s3, s0  }
0xc: {  	s19 =	sadd.s32 s20, s19;
	s20 =	smax.u32 s1, $0x1;
	s3 =	sadd.s32 $0x400, s0  }
0xd: {  	s4 =	sadd.s32 $0x10400, s0;
	s5 =	sadd.s32 $0x20400, s0;
	s6 =	sadd.s32 $0x30400, s0  }
0xe: {  	s7 =	sadd.s32 $0x40400, s0;
	s8 =	sadd.s32 $0x50400, s0;
	s9 =	sadd.s32 $0x60400, s0  }
0xf: {  	s10 =	sadd.s32 $0x70400, s0;
	s11 =	sadd.s32 $0x80400, s0;
	s12 =	sadd.s32 $0x90400, s0  }
0x10: {  	s13 =	sadd.s32 $0xA0400, s0;
	s14 =	sadd.s32 $0xB0400, s0;
	s15 =	sadd.s32 $0xC0400, s0  }
0x11: {  	s16 =	sadd.s32 $0xD0400, s0;
	s17 =	sadd.s32 $0xE0400, s0;
	s18 =	sadd.s32 $0xF0400, s0  }
.LBB2_1:
0x12: {  	[tilespmem:s2], [sflag:$0x1] =	stream.strided.gather [hbm4b:s3+s21], $0x8000, s22, s21, $0x38;
	[tilespmem:$0x10080] =	vst v63  }
0x13: {  	_ = 	snop  }
0x14: {  	[tilespmem:s23], [sflag:$0x2] =	stream.strided.gather [hbm4b:s4+s21], $0x8000, s22, s21, $0x38;
	[tilespmem:$0x10080] =	vst v63  }
0x15: {  	_ =	swait.ge [sflag:s24], $0x8000  }
0x16: {  	[sflag:s24] =	ssyncset.done $0x0  }
0x17: {  	s0 =	simm.s32 $0x40;
	[sflag:s24] =	ssyncadd.s32 $0xFFFF8000  }
0x18: {  	v2 =	vld [tilespmem:s0+$0xFFFFFFC0]  }
0x19: {  	v4 =	vld [tilespmem:s0+$0xFFFFFFD0]  }
0x1a: {  	v6 =	vld [tilespmem:s0+$0xFFFFFFE0]  }
0x1b: {  	v7 =	vld [tilespmem:s0+$0xFFFFFFF0]  }
0x1c: {  	v8 =	vld [tilespmem:s0+$0x0]  }
0x1d: {  	v10 =	vld [tilespmem:s0+$0x10]  }
0x1e: {  	v11 =	vld [tilespmem:s0+$0x20];
	_ =	sdelay $0x1  }
0x1f: {  	v12 =	vimm.f32 $+Inf;
	s1 =	simm.s32 $0xC0;
	v13 =	vld [tilespmem:s0+$0x30]  }
0x20: {  	v0 =	vimm.s32 $0x0;
	v22 =	vld [tilespmem:s1+$0xFFFFFFC0];
	vm0 =	vlt.f32 v2, v12;
	vm1 =	vlt.f32 v4, v12  }
0x21: {  	v1 =	vld [tilespmem:s1+$0xFFFFFFD0];
	vm2 =	vlt.f32 v6, v12;
	vm3 =	vlt.f32 v7, v12;
	vm4 =	vlt.f32 v8, v12  }
0x22: {  	v23 =	vld [tilespmem:s1+$0xFFFFFFE0];
	vm5 =	vlt.f32 v10, v12;
	vm6 =	vlt.f32 v11, v12;
	v3 =	vsel vm0, v2, v12  }
0x23: {  	v16 =	vld [tilespmem:s1+$0x0];
	v5 =	vsel vm0, s2, v0;
	v4 =	vsel vm1, v4, v12;
	v6 =	vsel vm2, v6, v12  }
0x24: {  	v9 =	vld [tilespmem:s1+$0x10];
	v7 =	vsel vm3, v7, v12;
	v8 =	vsel vm4, v8, v12;
	vm0 =	vlt.f32 v13, v12  }
0x25: {  	v2 =	vld [tilespmem:s1+$0xFFFFFFF0];
	v10 =	vsel vm5, v10, v12;
	v11 =	vsel vm6, v11, v12;
	v14 =	vsel vm2, s2, v0  }
0x26: {  	s30 =	simm.s32 $0x1;
	v20 =	vld [tilespmem:s1+$0x20];
	v15 =	vsel vm3, s2, v0;
	v17 =	vsel vm4, s2, v0;
	v18 =	vsel vm5, s2, v0  }
0x27: {  	s31 =	simm.s32 $0x140;
	v21 =	vld [tilespmem:s1+$0x30];
	s0 =	simm.s32 $0x2;
	v19 =	vsel vm6, s2, v0;
	s1 =	simm.s32 $0x0;
	v12 =	vsel vm0, v13, v12;
	v13 =	vsel vm1, s2, v0  }
.LBB2_2:
0x28: {  	v24 =	vld [tilespmem:s31+$0xFFFFFFC0];
	p0 =	sne.s32 s0, $0xFF;
	vm1 =	vlt.f32 v22, v3;
	vm2 =	vlt.f32 v1, v4;
	v0 =	vsel vm0, s1, v0;
	s1 =	smov.u32 s30;
	s30 =	smov.u32 s0  }
0x29: {  	v3 =	vsel vm1, v22, v3;
	v5 =	vsel vm1, s1, v5;
	v4 =	vsel vm2, v1, v4;
	v1 =	vld [tilespmem:s31+$0xFFFFFFD0]  }
0x2a: {  	vm3 =	vlt.f32 v2, v7;
	vm1 =	vlt.f32 v23, v6;
	vm4 =	vlt.f32 v16, v8;
	v25 =	vld [tilespmem:s31+$0xFFFFFFE0]  }
.Ltmp0:
0x2b: {  	v7 =	vsel vm3, v2, v7;
	v6 =	vsel vm1, v23, v6;
	v8 =	vsel vm4, v16, v8;
	v2 =	vld [tilespmem:s31+$0xFFFFFFF0];
	(pc) =	sbr.rel @p0 .LBB2_2-.Ltmp0, $4  }
0x2c: {  	vm5 =	vlt.f32 v9, v10;
	vm6 =	vlt.f32 v20, v11;
	v16 =	vld [tilespmem:s31+$0x0];
	vm0 =	vlt.f32 v21, v12  }
0x2d: {  	v10 =	vsel vm5, v9, v10;
	v11 =	vsel vm6, v20, v11;
	v9 =	vld [tilespmem:s31+$0x10];
	v12 =	vsel vm0, v21, v12;
	v22 =	vmovc v24  }
0x2e: {  	v13 =	vsel vm2, s1, v13;
	v15 =	vsel vm3, s1, v15;
	v14 =	vsel vm1, s1, v14;
	v20 =	vld [tilespmem:s31+$0x20]  }
0x2f: {  	s0 =	sadd.s32 $0x1, s0;
	v17 =	vsel vm4, s1, v17;
	v18 =	vsel vm5, s1, v18;
	v19 =	vsel vm6, s1, v19;
	v21 =	vld [tilespmem:s31+$0x30];
	s31 =	sadd.s32 $0x80, s31;
	v23 =	vmovc v25  }
0x30: {  	[tilespmem:s2], [sflag:$0x1] =	stream.strided.gather [hbm4b:s5+s21], $0x8000, s22, s21, $0x38;
	[tilespmem:$0x10080] =	vst v63  }
0x31: {  	_ =	swait.ge [sflag:s25], $0x8000  }
0x32: {  	[sflag:s25] =	ssyncset.done $0x0  }
0x33: {  	s0 =	simm.s32 $0x8040;
	[sflag:s25] =	ssyncadd.s32 $0xFFFF8000  }
0x34: {  	vm1 =	vlt.f32 v22, v3;
	vm2 =	vlt.f32 v1, v4;
	v0 =	vsel vm0, s1, v0;
	v24 =	vld [tilespmem:s0+$0xFFFFFFC0]  }
0x35: {  	vm0 =	vlt.f32 v23, v6;
	v3 =	vsel vm1, v22, v3;
	v5 =	vsel vm1, s30, v5;
	v25 =	vld [tilespmem:s0+$0xFFFFFFD0]  }
0x36: {  	v4 =	vsel vm2, v1, v4;
	vm1 =	vlt.f32 v2, v7;
	vm3 =	vlt.f32 v16, v8;
	v26 =	vld [tilespmem:s0+$0xFFFFFFE0]  }
0x37: {  	v6 =	vsel vm0, v23, v6;
	v13 =	vsel vm2, s30, v13;
	v8 =	vsel vm3, v16, v8;
	v16 =	vld [tilespmem:s0+$0xFFFFFFF0]  }
0x38: {  	v14 =	vsel vm0, s30, v14;
	v7 =	vsel vm1, v2, v7;
	vm5 =	vlt.f32 v20, v11;
	v27 =	vld [tilespmem:s0+$0x0]  }
0x39: {  	vm4 =	vlt.f32 v9, v10;
	v15 =	vsel vm1, s30, v15;
	v11 =	vsel vm5, v20, v11;
	v20 =	vld [tilespmem:s0+$0x10]  }
0x3a: {  	v17 =	vsel vm3, s30, v17;
	v10 =	vsel vm4, v9, v10;
	vm6 =	vlt.f32 v21, v12;
	v28 =	vld [tilespmem:s0+$0x30]  }
0x3b: {  	v18 =	vsel vm4, s30, v18;
	v19 =	vsel vm5, s30, v19;
	v12 =	vsel vm6, v21, v12;
	v21 =	vld [tilespmem:s0+$0x20];
	s0 =	simm.s32 $0x80C0  }
0x3c: {  	v0 =	vsel vm6, s30, v0;
	v22 =	vld [tilespmem:s0+$0xFFFFFFC0];
	vm0 =	vlt.f32 v24, v3;
	vm1 =	vlt.f32 v25, v4  }
0x3d: {  	s1 =	simm.s32 $0x100;
	v1 =	vld [tilespmem:s0+$0xFFFFFFD0];
	vm2 =	vlt.f32 v26, v6;
	vm3 =	vlt.f32 v16, v7;
	vm13 =	vlt.f32 v27, v8  }
0x3e: {  	v23 =	vld [tilespmem:s0+$0xFFFFFFE0];
	vm14 =	vlt.f32 v20, v10;
	v3 =	vsel vm0, v24, v3;
	v5 =	vsel vm0, s1, v5  }
0x3f: {  	v2 =	vld [tilespmem:s0+$0xFFFFFFF0];
	v4 =	vsel vm1, v25, v4;
	v6 =	vsel vm2, v26, v6;
	v7 =	vsel vm3, v16, v7  }
0x40: {  	v9 =	vld [tilespmem:s0+$0x10];
	v8 =	vsel vm13, v27, v8;
	vm15 =	vlt.f32 v21, v11;
	vm0 =	vlt.f32 v28, v12  }
0x41: {  	v16 =	vld [tilespmem:s0+$0x0];
	v10 =	vsel vm14, v20, v10;
	v13 =	vsel vm1, s1, v13;
	v14 =	vsel vm2, s1, v14  }
0x42: {  	v20 =	vld [tilespmem:s0+$0x20];
	v15 =	vsel vm3, s1, v15;
	v17 =	vsel vm13, s1, v17;
	v18 =	vsel vm14, s1, v18  }
0x43: {  	s31 =	simm.s32 $0x102;
	s30 =	simm.s32 $0x101;
	v11 =	vsel vm15, v21, v11;
	v12 =	vsel vm0, v28, v12;
	v21 =	vld [tilespmem:s0+$0x30];
	s0 =	simm.s32 $0x8140;
	v19 =	vsel vm15, s1, v19  }
.LBB2_4:
0x44: {  	v24 =	vld [tilespmem:s0+$0xFFFFFFC0];
	p0 =	sne.s32 s31, $0x1FF;
	vm1 =	vlt.f32 v22, v3;
	vm2 =	vlt.f32 v1, v4;
	v0 =	vsel vm0, s1, v0;
	s1 =	smov.u32 s30;
	s30 =	smov.u32 s31  }
0x45: {  	v3 =	vsel vm1, v22, v3;
	v5 =	vsel vm1, s1, v5;
	v4 =	vsel vm2, v1, v4;
	v1 =	vld [tilespmem:s0+$0xFFFFFFD0]  }
0x46: {  	vm3 =	vlt.f32 v2, v7;
	vm1 =	vlt.f32 v23, v6;
	vm4 =	vlt.f32 v16, v8;
	v25 =	vld [tilespmem:s0+$0xFFFFFFE0]  }
.Ltmp1:
0x47: {  	v7 =	vsel vm3, v2, v7;
	v6 =	vsel vm1, v23, v6;
	v8 =	vsel vm4, v16, v8;
	v2 =	vld [tilespmem:s0+$0xFFFFFFF0];
	(pc) =	sbr.rel @p0 .LBB2_4-.Ltmp1, $4  }
0x48: {  	vm5 =	vlt.f32 v9, v10;
	vm6 =	vlt.f32 v20, v11;
	v16 =	vld [tilespmem:s0+$0x0];
	vm0 =	vlt.f32 v21, v12  }
0x49: {  	v10 =	vsel vm5, v9, v10;
	v11 =	vsel vm6, v20, v11;
	v9 =	vld [tilespmem:s0+$0x10];
	v12 =	vsel vm0, v21, v12;
	v22 =	vmovc v24  }
0x4a: {  	v13 =	vsel vm2, s1, v13;
	v15 =	vsel vm3, s1, v15;
	v14 =	vsel vm1, s1, v14;
	v20 =	vld [tilespmem:s0+$0x20]  }
0x4b: {  	s31 =	sadd.s32 $0x1, s31;
	v17 =	vsel vm4, s1, v17;
	v18 =	vsel vm5, s1, v18;
	v19 =	vsel vm6, s1, v19;
	v21 =	vld [tilespmem:s0+$0x30];
	s0 =	sadd.s32 $0x80, s0;
	v23 =	vmovc v25  }
0x4c: {  	[tilespmem:s23], [sflag:$0x2] =	stream.strided.gather [hbm4b:s6+s21], $0x8000, s22, s21, $0x38;
	[tilespmem:$0x10080] =	vst v63  }
0x4d: {  	_ =	swait.ge [sflag:s24], $0x8000  }
0x4e: {  	[sflag:s24] =	ssyncset.done $0x0  }
0x4f: {  	s0 =	simm.s32 $0x40;
	[sflag:s24] =	ssyncadd.s32 $0xFFFF8000  }
0x50: {  	vm1 =	vlt.f32 v22, v3;
	vm2 =	vlt.f32 v1, v4;
	v0 =	vsel vm0, s1, v0;
	v24 =	vld [tilespmem:s0+$0xFFFFFFC0]  }
0x51: {  	vm0 =	vlt.f32 v23, v6;
	v3 =	vsel vm1, v22, v3;
	v5 =	vsel vm1, s30, v5;
	v25 =	vld [tilespmem:s0+$0xFFFFFFD0]  }
0x52: {  	v4 =	vsel vm2, v1, v4;
	vm1 =	vlt.f32 v2, v7;
	vm3 =	vlt.f32 v16, v8;
	v26 =	vld [tilespmem:s0+$0xFFFFFFE0]  }
0x53: {  	v6 =	vsel vm0, v23, v6;
	v13 =	vsel vm2, s30, v13;
	v8 =	vsel vm3, v16, v8;
	v16 =	vld [tilespmem:s0+$0xFFFFFFF0]  }
0x54: {  	v14 =	vsel vm0, s30, v14;
	v7 =	vsel vm1, v2, v7;
	vm5 =	vlt.f32 v20, v11;
	v27 =	vld [tilespmem:s0+$0x0]  }
0x55: {  	vm4 =	vlt.f32 v9, v10;
	v15 =	vsel vm1, s30, v15;
	v11 =	vsel vm5, v20, v11;
	v20 =	vld [tilespmem:s0+$0x10]  }
0x56: {  	v17 =	vsel vm3, s30, v17;
	v10 =	vsel vm4, v9, v10;
	vm6 =	vlt.f32 v21, v12;
	v28 =	vld [tilespmem:s0+$0x30]  }
0x57: {  	v18 =	vsel vm4, s30, v18;
	v19 =	vsel vm5, s30, v19;
	v12 =	vsel vm6, v21, v12;
	v21 =	vld [tilespmem:s0+$0x20];
	s0 =	simm.s32 $0xC0  }
0x58: {  	v0 =	vsel vm6, s30, v0;
	v22 =	vld [tilespmem:s0+$0xFFFFFFC0];
	vm0 =	vlt.f32 v24, v3;
	vm1 =	vlt.f32 v25, v4  }
0x59: {  	s1 =	simm.s32 $0x200;
	v1 =	vld [tilespmem:s0+$0xFFFFFFD0];
	vm2 =	vlt.f32 v26, v6;
	vm3 =	vlt.f32 v16, v7;
	vm13 =	vlt.f32 v27, v8  }
0x5a: {  	v23 =	vld [tilespmem:s0+$0xFFFFFFE0];
	vm14 =	vlt.f32 v20, v10;
	v3 =	vsel vm0, v24, v3;
	v5 =	vsel vm0, s1, v5  }
0x5b: {  	v2 =	vld [tilespmem:s0+$0xFFFFFFF0];
	v4 =	vsel vm1, v25, v4;
	v6 =	vsel vm2, v26, v6;
	v7 =	vsel vm3, v16, v7  }
0x5c: {  	v9 =	vld [tilespmem:s0+$0x10];
	v8 =	vsel vm13, v27, v8;
	vm15 =	vlt.f32 v21, v11;
	vm0 =	vlt.f32 v28, v12  }
0x5d: {  	v16 =	vld [tilespmem:s0+$0x0];
	v10 =	vsel vm14, v20, v10;
	v13 =	vsel vm1, s1, v13;
	v14 =	vsel vm2, s1, v14  }
0x5e: {  	v20 =	vld [tilespmem:s0+$0x20];
	v15 =	vsel vm3, s1, v15;
	v17 =	vsel vm13, s1, v17;
	v18 =	vsel vm14, s1, v18  }
0x5f: {  	s31 =	simm.s32 $0x202;
	s30 =	simm.s32 $0x201;
	v11 =	vsel vm15, v21, v11;
	v12 =	vsel vm0, v28, v12;
	v21 =	vld [tilespmem:s0+$0x30];
	s0 =	simm.s32 $0x140;
	v19 =	vsel vm15, s1, v19  }
.LBB2_6:
0x60: {  	v24 =	vld [tilespmem:s0+$0xFFFFFFC0];
	p0 =	sne.s32 s31, $0x2FF;
	vm1 =	vlt.f32 v22, v3;
	vm2 =	vlt.f32 v1, v4;
	v0 =	vsel vm0, s1, v0;
	s1 =	smov.u32 s30;
	s30 =	smov.u32 s31  }
0x61: {  	v3 =	vsel vm1, v22, v3;
	v5 =	vsel vm1, s1, v5;
	v4 =	vsel vm2, v1, v4;
	v1 =	vld [tilespmem:s0+$0xFFFFFFD0]  }
0x62: {  	vm3 =	vlt.f32 v2, v7;
	vm1 =	vlt.f32 v23, v6;
	vm4 =	vlt.f32 v16, v8;
	v25 =	vld [tilespmem:s0+$0xFFFFFFE0]  }
.Ltmp2:
0x63: {  	v7 =	vsel vm3, v2, v7;
	v6 =	vsel vm1, v23, v6;
	v8 =	vsel vm4, v16, v8;
	v2 =	vld [tilespmem:s0+$0xFFFFFFF0];
	(pc) =	sbr.rel @p0 .LBB2_6-.Ltmp2, $4  }
0x64: {  	vm5 =	vlt.f32 v9, v10;
	vm6 =	vlt.f32 v20, v11;
	v16 =	vld [tilespmem:s0+$0x0];
	vm0 =	vlt.f32 v21, v12  }
0x65: {  	v10 =	vsel vm5, v9, v10;
	v11 =	vsel vm6, v20, v11;
	v9 =	vld [tilespmem:s0+$0x10];
	v12 =	vsel vm0, v21, v12;
	v22 =	vmovc v24  }
0x66: {  	v13 =	vsel vm2, s1, v13;
	v15 =	vsel vm3, s1, v15;
	v14 =	vsel vm1, s1, v14;
	v20 =	vld [tilespmem:s0+$0x20]  }
0x67: {  	s31 =	sadd.s32 $0x1, s31;
	v17 =	vsel vm4, s1, v17;
	v18 =	vsel vm5, s1, v18;
	v19 =	vsel vm6, s1, v19;
	v21 =	vld [tilespmem:s0+$0x30];
	s0 =	sadd.s32 $0x80, s0;
	v23 =	vmovc v25  }
0x68: {  	[tilespmem:s2], [sflag:$0x1] =	stream.strided.gather [hbm4b:s7+s21], $0x8000, s22, s21, $0x38;
	[tilespmem:$0x10080] =	vst v63  }
0x69: {  	_ =	swait.ge [sflag:s25], $0x8000  }
0x6a: {  	[sflag:s25] =	ssyncset.done $0x0  }
0x6b: {  	s0 =	simm.s32 $0x8040;
	[sflag:s25] =	ssyncadd.s32 $0xFFFF8000  }
0x6c: {  	vm1 =	vlt.f32 v22, v3;
	vm2 =	vlt.f32 v1, v4;
	v0 =	vsel vm0, s1, v0;
	v24 =	vld [tilespmem:s0+$0xFFFFFFC0]  }
0x6d: {  	vm0 =	vlt.f32 v23, v6;
	v3 =	vsel vm1, v22, v3;
	v5 =	vsel vm1, s30, v5;
	v25 =	vld [tilespmem:s0+$0xFFFFFFD0]  }
0x6e: {  	v4 =	vsel vm2, v1, v4;
	vm1 =	vlt.f32 v2, v7;
	vm3 =	vlt.f32 v16, v8;
	v26 =	vld [tilespmem:s0+$0xFFFFFFE0]  }
0x6f: {  	v6 =	vsel vm0, v23, v6;
	v13 =	vsel vm2, s30, v13;
	v8 =	vsel vm3, v16, v8;
	v16 =	vld [tilespmem:s0+$0xFFFFFFF0]  }
0x70: {  	v14 =	vsel vm0, s30, v14;
	v7 =	vsel vm1, v2, v7;
	vm5 =	vlt.f32 v20, v11;
	v27 =	vld [tilespmem:s0+$0x0]  }
0x71: {  	vm4 =	vlt.f32 v9, v10;
	v15 =	vsel vm1, s30, v15;
	v11 =	vsel vm5, v20, v11;
	v20 =	vld [tilespmem:s0+$0x10]  }
0x72: {  	v17 =	vsel vm3, s30, v17;
	v10 =	vsel vm4, v9, v10;
	vm6 =	vlt.f32 v21, v12;
	v28 =	vld [tilespmem:s0+$0x30]  }
0x73: {  	v18 =	vsel vm4, s30, v18;
	v19 =	vsel vm5, s30, v19;
	v12 =	vsel vm6, v21, v12;
	v21 =	vld [tilespmem:s0+$0x20];
	s0 =	simm.s32 $0x80C0  }
0x74: {  	v0 =	vsel vm6, s30, v0;
	v22 =	vld [tilespmem:s0+$0xFFFFFFC0];
	vm0 =	vlt.f32 v24, v3;
	vm1 =	vlt.f32 v25, v4  }
0x75: {  	s1 =	simm.s32 $0x300;
	v1 =	vld [tilespmem:s0+$0xFFFFFFD0];
	vm2 =	vlt.f32 v26, v6;
	vm3 =	vlt.f32 v16, v7;
	vm13 =	vlt.f32 v27, v8  }
0x76: {  	v23 =	vld [tilespmem:s0+$0xFFFFFFE0];
	vm14 =	vlt.f32 v20, v10;
	v3 =	vsel vm0, v24, v3;
	v5 =	vsel vm0, s1, v5  }
0x77: {  	v2 =	vld [tilespmem:s0+$0xFFFFFFF0];
	v4 =	vsel vm1, v25, v4;
	v6 =	vsel vm2, v26, v6;
	v7 =	vsel vm3, v16, v7  }
0x78: {  	v9 =	vld [tilespmem:s0+$0x10];
	v8 =	vsel vm13, v27, v8;
	vm15 =	vlt.f32 v21, v11;
	vm0 =	vlt.f32 v28, v12  }
0x79: {  	v16 =	vld [tilespmem:s0+$0x0];
	v10 =	vsel vm14, v20, v10;
	v13 =	vsel vm1, s1, v13;
	v14 =	vsel vm2, s1, v14  }
0x7a: {  	v20 =	vld [tilespmem:s0+$0x20];
	v15 =	vsel vm3, s1, v15;
	v17 =	vsel vm13, s1, v17;
	v18 =	vsel vm14, s1, v18  }
0x7b: {  	s31 =	simm.s32 $0x301;
	s30 =	simm.s32 $0x302;
	v11 =	vsel vm15, v21, v11;
	v12 =	vsel vm0, v28, v12;
	v21 =	vld [tilespmem:s0+$0x30];
	s0 =	simm.s32 $0x8140;
	v19 =	vsel vm15, s1, v19  }
.LBB2_8:
0x7c: {  	v24 =	vld [tilespmem:s0+$0xFFFFFFC0];
	p0 =	sne.s32 s30, $0x3FF;
	vm1 =	vlt.f32 v22, v3;
	vm2 =	vlt.f32 v1, v4;
	v0 =	vsel vm0, s1, v0;
	s1 =	smov.u32 s31;
	s31 =	smov.u32 s30  }
0x7d: {  	v3 =	vsel vm1, v22, v3;
	v5 =	vsel vm1, s1, v5;
	v4 =	vsel vm2, v1, v4;
	v1 =	vld [tilespmem:s0+$0xFFFFFFD0]  }
0x7e: {  	vm3 =	vlt.f32 v2, v7;
	vm1 =	vlt.f32 v23, v6;
	vm4 =	vlt.f32 v16, v8;
	v25 =	vld [tilespmem:s0+$0xFFFFFFE0]  }
.Ltmp3:
0x7f: {  	v7 =	vsel vm3, v2, v7;
	v6 =	vsel vm1, v23, v6;
	v8 =	vsel vm4, v16, v8;
	v2 =	vld [tilespmem:s0+$0xFFFFFFF0];
	(pc) =	sbr.rel @p0 .LBB2_8-.Ltmp3, $4  }
0x80: {  	vm5 =	vlt.f32 v9, v10;
	vm6 =	vlt.f32 v20, v11;
	v16 =	vld [tilespmem:s0+$0x0];
	vm0 =	vlt.f32 v21, v12  }
0x81: {  	v10 =	vsel vm5, v9, v10;
	v11 =	vsel vm6, v20, v11;
	v9 =	vld [tilespmem:s0+$0x10];
	v12 =	vsel vm0, v21, v12;
	v22 =	vmovc v24  }
0x82: {  	v13 =	vsel vm2, s1, v13;
	v15 =	vsel vm3, s1, v15;
	v14 =	vsel vm1, s1, v14;
	v20 =	vld [tilespmem:s0+$0x20]  }
0x83: {  	s30 =	sadd.s32 $0x1, s30;
	v17 =	vsel vm4, s1, v17;
	v18 =	vsel vm5, s1, v18;
	v19 =	vsel vm6, s1, v19;
	v21 =	vld [tilespmem:s0+$0x30];
	s0 =	sadd.s32 $0x80, s0;
	v23 =	vmovc v25  }
0x84: {  	s30 =	simm.s32 $0x400  }
0x85: {  	[tilespmem:s23], [sflag:$0x2] =	stream.strided.gather [hbm4b:s8+s30], $0x8000, s22, s30, $0x38;
	[tilespmem:$0x10080] =	vst v63  }
0x86: {  	_ =	swait.ge [sflag:s24], $0x8000  }
0x87: {  	[sflag:s24] =	ssyncset.done $0x0  }
0x88: {  	s0 =	simm.s32 $0x40;
	[sflag:s24] =	ssyncadd.s32 $0xFFFF8000  }
0x89: {  	v24 =	vld [tilespmem:s0+$0xFFFFFFC0]  }
0x8a: {  	vm1 =	vlt.f32 v22, v3;
	vm2 =	vlt.f32 v1, v4;
	v0 =	vsel vm0, s1, v0;
	v25 =	vld [tilespmem:s0+$0xFFFFFFD0]  }
0x8b: {  	vm0 =	vlt.f32 v23, v6;
	v3 =	vsel vm1, v22, v3;
	vm3 =	vlt.f32 v16, v8;
	v26 =	vld [tilespmem:s0+$0xFFFFFFE0]  }
0x8c: {  	v5 =	vsel vm1, s31, v5;
	v4 =	vsel vm2, v1, v4;
	v8 =	vsel vm3, v16, v8;
	v16 =	vld [tilespmem:s0+$0xFFFFFFF0]  }
0x8d: {  	vm1 =	vlt.f32 v2, v7;
	v6 =	vsel vm0, v23, v6;
	vm5 =	vlt.f32 v20, v11;
	v27 =	vld [tilespmem:s0+$0x0]  }
0x8e: {  	v13 =	vsel vm2, s31, v13;
	vm6 =	vlt.f32 v21, v12;
	v11 =	vsel vm5, v20, v11;
	v20 =	vld [tilespmem:s0+$0x10]  }
0x8f: {  	v14 =	vsel vm0, s31, v14;
	v7 =	vsel vm1, v2, v7;
	v12 =	vsel vm6, v21, v12;
	v21 =	vld [tilespmem:s0+$0x20]  }
0x90: {  	vm4 =	vlt.f32 v9, v10;
	v15 =	vsel vm1, s31, v15;
	v17 =	vsel vm3, s31, v17  }
0x91: {  	s1 =	simm.s32 $0xC0;
	v10 =	vsel vm4, v9, v10;
	v18 =	vsel vm4, s31, v18;
	v19 =	vsel vm5, s31, v19;
	v28 =	vld [tilespmem:s0+$0x30]  }
0x92: {  	v0 =	vsel vm6, s31, v0;
	v22 =	vld [tilespmem:s1+$0xFFFFFFC0];
	vm0 =	vlt.f32 v24, v3;
	vm1 =	vlt.f32 v25, v4  }
0x93: {  	v1 =	vld [tilespmem:s1+$0xFFFFFFD0];
	vm2 =	vlt.f32 v26, v6;
	vm3 =	vlt.f32 v16, v7;
	vm13 =	vlt.f32 v27, v8  }
0x94: {  	v23 =	vld [tilespmem:s1+$0xFFFFFFE0];
	vm14 =	vlt.f32 v20, v10;
	vm15 =	vlt.f32 v21, v11;
	v3 =	vsel vm0, v24, v3  }
0x95: {  	v2 =	vld [tilespmem:s1+$0xFFFFFFF0];
	v5 =	vsel vm0, s30, v5;
	v4 =	vsel vm1, v25, v4;
	v6 =	vsel vm2, v26, v6  }
0x96: {  	v9 =	vld [tilespmem:s1+$0x10];
	v7 =	vsel vm3, v16, v7;
	v8 =	vsel vm13, v27, v8;
	vm0 =	vlt.f32 v28, v12  }
0x97: {  	v16 =	vld [tilespmem:s1+$0x0];
	v10 =	vsel vm14, v20, v10;
	v11 =	vsel vm15, v21, v11;
	v13 =	vsel vm1, s30, v13  }
0x98: {  	v20 =	vld [tilespmem:s1+$0x20];
	v14 =	vsel vm2, s30, v14;
	v15 =	vsel vm3, s30, v15;
	v17 =	vsel vm13, s30, v17  }
0x99: {  	s31 =	simm.s32 $0x401;
	s0 =	simm.s32 $0x140;
	v21 =	vld [tilespmem:s1+$0x30];
	s1 =	simm.s32 $0x402;
	v18 =	vsel vm14, s30, v18;
	v19 =	vsel vm15, s30, v19;
	v12 =	vsel vm0, v28, v12  }
.LBB2_10:
0x9a: {  	v24 =	vld [tilespmem:s0+$0xFFFFFFC0];
	p0 =	sne.s32 s1, $0x4FF;
	vm1 =	vlt.f32 v22, v3;
	vm2 =	vlt.f32 v1, v4;
	v0 =	vsel vm0, s30, v0;
	s30 =	smov.u32 s31;
	s31 =	smov.u32 s1  }
0x9b: {  	v3 =	vsel vm1, v22, v3;
	v5 =	vsel vm1, s30, v5;
	v4 =	vsel vm2, v1, v4;
	v1 =	vld [tilespmem:s0+$0xFFFFFFD0]  }
0x9c: {  	vm3 =	vlt.f32 v2, v7;
	vm1 =	vlt.f32 v23, v6;
	vm4 =	vlt.f32 v16, v8;
	v25 =	vld [tilespmem:s0+$0xFFFFFFE0]  }
.Ltmp4:
0x9d: {  	v7 =	vsel vm3, v2, v7;
	v6 =	vsel vm1, v23, v6;
	v8 =	vsel vm4, v16, v8;
	v2 =	vld [tilespmem:s0+$0xFFFFFFF0];
	(pc) =	sbr.rel @p0 .LBB2_10-.Ltmp4, $4  }
0x9e: {  	vm5 =	vlt.f32 v9, v10;
	vm6 =	vlt.f32 v20, v11;
	v16 =	vld [tilespmem:s0+$0x0];
	vm0 =	vlt.f32 v21, v12  }
0x9f: {  	v10 =	vsel vm5, v9, v10;
	v11 =	vsel vm6, v20, v11;
	v9 =	vld [tilespmem:s0+$0x10];
	v12 =	vsel vm0, v21, v12;
	v22 =	vmovc v24  }
0xa0: {  	v13 =	vsel vm2, s30, v13;
	v15 =	vsel vm3, s30, v15;
	v14 =	vsel vm1, s30, v14;
	v20 =	vld [tilespmem:s0+$0x20]  }
0xa1: {  	s1 =	sadd.s32 $0x1, s1;
	v17 =	vsel vm4, s30, v17;
	v18 =	vsel vm5, s30, v18;
	v19 =	vsel vm6, s30, v19;
	v21 =	vld [tilespmem:s0+$0x30];
	s0 =	sadd.s32 $0x80, s0;
	v23 =	vmovc v25  }
0xa2: {  	[tilespmem:s2], [sflag:$0x1] =	stream.strided.gather [hbm4b:s9+s21], $0x8000, s22, s21, $0x38;
	[tilespmem:$0x10080] =	vst v63  }
0xa3: {  	_ =	swait.ge [sflag:s25], $0x8000  }
0xa4: {  	[sflag:s25] =	ssyncset.done $0x0  }
0xa5: {  	s0 =	simm.s32 $0x8040;
	[sflag:s25] =	ssyncadd.s32 $0xFFFF8000  }
0xa6: {  	vm1 =	vlt.f32 v22, v3;
	vm2 =	vlt.f32 v1, v4;
	v0 =	vsel vm0, s30, v0;
	v24 =	vld [tilespmem:s0+$0xFFFFFFC0]  }
0xa7: {  	vm0 =	vlt.f32 v23, v6;
	v3 =	vsel vm1, v22, v3;
	v5 =	vsel vm1, s31, v5;
	v25 =	vld [tilespmem:s0+$0xFFFFFFD0]  }
0xa8: {  	v4 =	vsel vm2, v1, v4;
	vm1 =	vlt.f32 v2, v7;
	vm3 =	vlt.f32 v16, v8;
	v26 =	vld [tilespmem:s0+$0xFFFFFFE0]  }
0xa9: {  	v6 =	vsel vm0, v23, v6;
	v13 =	vsel vm2, s31, v13;
	v8 =	vsel vm3, v16, v8;
	v16 =	vld [tilespmem:s0+$0xFFFFFFF0]  }
0xaa: {  	v14 =	vsel vm0, s31, v14;
	v7 =	vsel vm1, v2, v7;
	vm5 =	vlt.f32 v20, v11;
	v27 =	vld [tilespmem:s0+$0x0]  }
0xab: {  	vm4 =	vlt.f32 v9, v10;
	v15 =	vsel vm1, s31, v15;
	v11 =	vsel vm5, v20, v11;
	v20 =	vld [tilespmem:s0+$0x10]  }
0xac: {  	v17 =	vsel vm3, s31, v17;
	v10 =	vsel vm4, v9, v10;
	vm6 =	vlt.f32 v21, v12;
	v28 =	vld [tilespmem:s0+$0x30]  }
0xad: {  	v18 =	vsel vm4, s31, v18;
	v19 =	vsel vm5, s31, v19;
	v12 =	vsel vm6, v21, v12;
	v21 =	vld [tilespmem:s0+$0x20];
	s0 =	simm.s32 $0x80C0  }
0xae: {  	v0 =	vsel vm6, s31, v0;
	v22 =	vld [tilespmem:s0+$0xFFFFFFC0];
	vm0 =	vlt.f32 v24, v3;
	vm1 =	vlt.f32 v25, v4  }
0xaf: {  	s1 =	simm.s32 $0x500;
	v1 =	vld [tilespmem:s0+$0xFFFFFFD0];
	vm2 =	vlt.f32 v26, v6;
	vm3 =	vlt.f32 v16, v7;
	vm13 =	vlt.f32 v27, v8  }
0xb0: {  	v23 =	vld [tilespmem:s0+$0xFFFFFFE0];
	vm14 =	vlt.f32 v20, v10;
	v3 =	vsel vm0, v24, v3;
	v5 =	vsel vm0, s1, v5  }
0xb1: {  	v2 =	vld [tilespmem:s0+$0xFFFFFFF0];
	v4 =	vsel vm1, v25, v4;
	v6 =	vsel vm2, v26, v6;
	v7 =	vsel vm3, v16, v7  }
0xb2: {  	v9 =	vld [tilespmem:s0+$0x10];
	v8 =	vsel vm13, v27, v8;
	vm15 =	vlt.f32 v21, v11;
	vm0 =	vlt.f32 v28, v12  }
0xb3: {  	v16 =	vld [tilespmem:s0+$0x0];
	v10 =	vsel vm14, v20, v10;
	v13 =	vsel vm1, s1, v13;
	v14 =	vsel vm2, s1, v14  }
0xb4: {  	v20 =	vld [tilespmem:s0+$0x20];
	v15 =	vsel vm3, s1, v15;
	v17 =	vsel vm13, s1, v17;
	v18 =	vsel vm14, s1, v18  }
0xb5: {  	s30 =	simm.s32 $0x501;
	s31 =	simm.s32 $0x502;
	v11 =	vsel vm15, v21, v11;
	v12 =	vsel vm0, v28, v12;
	v21 =	vld [tilespmem:s0+$0x30];
	s0 =	simm.s32 $0x8140;
	v19 =	vsel vm15, s1, v19  }
.LBB2_12:
0xb6: {  	v24 =	vld [tilespmem:s0+$0xFFFFFFC0];
	p0 =	sne.s32 s31, $0x5FF;
	vm1 =	vlt.f32 v22, v3;
	vm2 =	vlt.f32 v1, v4;
	v0 =	vsel vm0, s1, v0;
	s1 =	smov.u32 s30;
	s30 =	smov.u32 s31  }
0xb7: {  	v3 =	vsel vm1, v22, v3;
	v5 =	vsel vm1, s1, v5;
	v4 =	vsel vm2, v1, v4;
	v1 =	vld [tilespmem:s0+$0xFFFFFFD0]  }
0xb8: {  	vm3 =	vlt.f32 v2, v7;
	vm1 =	vlt.f32 v23, v6;
	vm4 =	vlt.f32 v16, v8;
	v25 =	vld [tilespmem:s0+$0xFFFFFFE0]  }
.Ltmp5:
0xb9: {  	v7 =	vsel vm3, v2, v7;
	v6 =	vsel vm1, v23, v6;
	v8 =	vsel vm4, v16, v8;
	v2 =	vld [tilespmem:s0+$0xFFFFFFF0];
	(pc) =	sbr.rel @p0 .LBB2_12-.Ltmp5, $4  }
0xba: {  	vm5 =	vlt.f32 v9, v10;
	vm6 =	vlt.f32 v20, v11;
	v16 =	vld [tilespmem:s0+$0x0];
	vm0 =	vlt.f32 v21, v12  }
0xbb: {  	v10 =	vsel vm5, v9, v10;
	v11 =	vsel vm6, v20, v11;
	v9 =	vld [tilespmem:s0+$0x10];
	v12 =	vsel vm0, v21, v12;
	v22 =	vmovc v24  }
0xbc: {  	v13 =	vsel vm2, s1, v13;
	v15 =	vsel vm3, s1, v15;
	v14 =	vsel vm1, s1, v14;
	v20 =	vld [tilespmem:s0+$0x20]  }
0xbd: {  	s31 =	sadd.s32 $0x1, s31;
	v17 =	vsel vm4, s1, v17;
	v18 =	vsel vm5, s1, v18;
	v19 =	vsel vm6, s1, v19;
	v21 =	vld [tilespmem:s0+$0x30];
	s0 =	sadd.s32 $0x80, s0;
	v23 =	vmovc v25  }
0xbe: {  	[tilespmem:s23], [sflag:$0x2] =	stream.strided.gather [hbm4b:s10+s21], $0x8000, s22, s21, $0x38;
	[tilespmem:$0x10080] =	vst v63  }
0xbf: {  	_ =	swait.ge [sflag:s24], $0x8000  }
0xc0: {  	[sflag:s24] =	ssyncset.done $0x0  }
0xc1: {  	s0 =	simm.s32 $0x40;
	[sflag:s24] =	ssyncadd.s32 $0xFFFF8000  }
0xc2: {  	vm1 =	vlt.f32 v22, v3;
	vm2 =	vlt.f32 v1, v4;
	v0 =	vsel vm0, s1, v0;
	v24 =	vld [tilespmem:s0+$0xFFFFFFC0]  }
0xc3: {  	vm0 =	vlt.f32 v23, v6;
	v3 =	vsel vm1, v22, v3;
	v5 =	vsel vm1, s30, v5;
	v25 =	vld [tilespmem:s0+$0xFFFFFFD0]  }
0xc4: {  	v4 =	vsel vm2, v1, v4;
	vm1 =	vlt.f32 v2, v7;
	vm3 =	vlt.f32 v16, v8;
	v26 =	vld [tilespmem:s0+$0xFFFFFFE0]  }
0xc5: {  	v6 =	vsel vm0, v23, v6;
	v13 =	vsel vm2, s30, v13;
	v8 =	vsel vm3, v16, v8;
	v16 =	vld [tilespmem:s0+$0xFFFFFFF0]  }
0xc6: {  	v14 =	vsel vm0, s30, v14;
	v7 =	vsel vm1, v2, v7;
	vm5 =	vlt.f32 v20, v11;
	v27 =	vld [tilespmem:s0+$0x0]  }
0xc7: {  	vm4 =	vlt.f32 v9, v10;
	v15 =	vsel vm1, s30, v15;
	v11 =	vsel vm5, v20, v11;
	v20 =	vld [tilespmem:s0+$0x10]  }
0xc8: {  	v17 =	vsel vm3, s30, v17;
	v10 =	vsel vm4, v9, v10;
	vm6 =	vlt.f32 v21, v12;
	v28 =	vld [tilespmem:s0+$0x30]  }
0xc9: {  	v18 =	vsel vm4, s30, v18;
	v19 =	vsel vm5, s30, v19;
	v12 =	vsel vm6, v21, v12;
	v21 =	vld [tilespmem:s0+$0x20];
	s0 =	simm.s32 $0xC0  }
0xca: {  	v0 =	vsel vm6, s30, v0;
	v22 =	vld [tilespmem:s0+$0xFFFFFFC0];
	vm0 =	vlt.f32 v24, v3;
	vm1 =	vlt.f32 v25, v4  }
0xcb: {  	s1 =	simm.s32 $0x600;
	v1 =	vld [tilespmem:s0+$0xFFFFFFD0];
	vm2 =	vlt.f32 v26, v6;
	vm3 =	vlt.f32 v16, v7;
	vm13 =	vlt.f32 v27, v8  }
0xcc: {  	v23 =	vld [tilespmem:s0+$0xFFFFFFE0];
	vm14 =	vlt.f32 v20, v10;
	v3 =	vsel vm0, v24, v3;
	v5 =	vsel vm0, s1, v5  }
0xcd: {  	v2 =	vld [tilespmem:s0+$0xFFFFFFF0];
	v4 =	vsel vm1, v25, v4;
	v6 =	vsel vm2, v26, v6;
	v7 =	vsel vm3, v16, v7  }
0xce: {  	v9 =	vld [tilespmem:s0+$0x10];
	v8 =	vsel vm13, v27, v8;
	vm15 =	vlt.f32 v21, v11;
	vm0 =	vlt.f32 v28, v12  }
0xcf: {  	v16 =	vld [tilespmem:s0+$0x0];
	v10 =	vsel vm14, v20, v10;
	v13 =	vsel vm1, s1, v13;
	v14 =	vsel vm2, s1, v14  }
0xd0: {  	v20 =	vld [tilespmem:s0+$0x20];
	v15 =	vsel vm3, s1, v15;
	v17 =	vsel vm13, s1, v17;
	v18 =	vsel vm14, s1, v18  }
0xd1: {  	s31 =	simm.s32 $0x602;
	s30 =	simm.s32 $0x601;
	v11 =	vsel vm15, v21, v11;
	v12 =	vsel vm0, v28, v12;
	v21 =	vld [tilespmem:s0+$0x30];
	s0 =	simm.s32 $0x140;
	v19 =	vsel vm15, s1, v19  }
.LBB2_14:
0xd2: {  	v24 =	vld [tilespmem:s0+$0xFFFFFFC0];
	p0 =	sne.s32 s31, $0x6FF;
	vm1 =	vlt.f32 v22, v3;
	vm2 =	vlt.f32 v1, v4;
	v0 =	vsel vm0, s1, v0;
	s1 =	smov.u32 s30;
	s30 =	smov.u32 s31  }
0xd3: {  	v3 =	vsel vm1, v22, v3;
	v5 =	vsel vm1, s1, v5;
	v4 =	vsel vm2, v1, v4;
	v1 =	vld [tilespmem:s0+$0xFFFFFFD0]  }
0xd4: {  	vm3 =	vlt.f32 v2, v7;
	vm1 =	vlt.f32 v23, v6;
	vm4 =	vlt.f32 v16, v8;
	v25 =	vld [tilespmem:s0+$0xFFFFFFE0]  }
.Ltmp6:
0xd5: {  	v7 =	vsel vm3, v2, v7;
	v6 =	vsel vm1, v23, v6;
	v8 =	vsel vm4, v16, v8;
	v2 =	vld [tilespmem:s0+$0xFFFFFFF0];
	(pc) =	sbr.rel @p0 .LBB2_14-.Ltmp6, $4  }
0xd6: {  	vm5 =	vlt.f32 v9, v10;
	vm6 =	vlt.f32 v20, v11;
	v16 =	vld [tilespmem:s0+$0x0];
	vm0 =	vlt.f32 v21, v12  }
0xd7: {  	v10 =	vsel vm5, v9, v10;
	v11 =	vsel vm6, v20, v11;
	v9 =	vld [tilespmem:s0+$0x10];
	v12 =	vsel vm0, v21, v12;
	v22 =	vmovc v24  }
0xd8: {  	v13 =	vsel vm2, s1, v13;
	v15 =	vsel vm3, s1, v15;
	v14 =	vsel vm1, s1, v14;
	v20 =	vld [tilespmem:s0+$0x20]  }
0xd9: {  	s31 =	sadd.s32 $0x1, s31;
	v17 =	vsel vm4, s1, v17;
	v18 =	vsel vm5, s1, v18;
	v19 =	vsel vm6, s1, v19;
	v21 =	vld [tilespmem:s0+$0x30];
	s0 =	sadd.s32 $0x80, s0;
	v23 =	vmovc v25  }
0xda: {  	[tilespmem:s2], [sflag:$0x1] =	stream.strided.gather [hbm4b:s11+s21], $0x8000, s22, s21, $0x38;
	[tilespmem:$0x10080] =	vst v63  }
0xdb: {  	_ =	swait.ge [sflag:s25], $0x8000  }
0xdc: {  	[sflag:s25] =	ssyncset.done $0x0  }
0xdd: {  	s0 =	simm.s32 $0x8040;
	[sflag:s25] =	ssyncadd.s32 $0xFFFF8000  }
0xde: {  	vm1 =	vlt.f32 v22, v3;
	vm2 =	vlt.f32 v1, v4;
	v0 =	vsel vm0, s1, v0;
	v24 =	vld [tilespmem:s0+$0xFFFFFFC0]  }
0xdf: {  	vm0 =	vlt.f32 v23, v6;
	v3 =	vsel vm1, v22, v3;
	v5 =	vsel vm1, s30, v5;
	v25 =	vld [tilespmem:s0+$0xFFFFFFD0]  }
0xe0: {  	v4 =	vsel vm2, v1, v4;
	vm1 =	vlt.f32 v2, v7;
	vm3 =	vlt.f32 v16, v8;
	v26 =	vld [tilespmem:s0+$0xFFFFFFE0]  }
0xe1: {  	v6 =	vsel vm0, v23, v6;
	v13 =	vsel vm2, s30, v13;
	v8 =	vsel vm3, v16, v8;
	v16 =	vld [tilespmem:s0+$0xFFFFFFF0]  }
0xe2: {  	v14 =	vsel vm0, s30, v14;
	v7 =	vsel vm1, v2, v7;
	vm5 =	vlt.f32 v20, v11;
	v27 =	vld [tilespmem:s0+$0x0]  }
0xe3: {  	vm4 =	vlt.f32 v9, v10;
	v15 =	vsel vm1, s30, v15;
	v11 =	vsel vm5, v20, v11;
	v20 =	vld [tilespmem:s0+$0x10]  }
0xe4: {  	v17 =	vsel vm3, s30, v17;
	v10 =	vsel vm4, v9, v10;
	vm6 =	vlt.f32 v21, v12;
	v28 =	vld [tilespmem:s0+$0x30]  }
0xe5: {  	v18 =	vsel vm4, s30, v18;
	v19 =	vsel vm5, s30, v19;
	v12 =	vsel vm6, v21, v12;
	v21 =	vld [tilespmem:s0+$0x20];
	s0 =	simm.s32 $0x80C0  }
0xe6: {  	v0 =	vsel vm6, s30, v0;
	v22 =	vld [tilespmem:s0+$0xFFFFFFC0];
	vm0 =	vlt.f32 v24, v3;
	vm1 =	vlt.f32 v25, v4  }
0xe7: {  	s1 =	simm.s32 $0x700;
	v1 =	vld [tilespmem:s0+$0xFFFFFFD0];
	vm2 =	vlt.f32 v26, v6;
	vm3 =	vlt.f32 v16, v7;
	vm13 =	vlt.f32 v27, v8  }
0xe8: {  	v23 =	vld [tilespmem:s0+$0xFFFFFFE0];
	vm14 =	vlt.f32 v20, v10;
	v3 =	vsel vm0, v24, v3;
	v5 =	vsel vm0, s1, v5  }
0xe9: {  	v2 =	vld [tilespmem:s0+$0xFFFFFFF0];
	v4 =	vsel vm1, v25, v4;
	v6 =	vsel vm2, v26, v6;
	v7 =	vsel vm3, v16, v7  }
0xea: {  	v9 =	vld [tilespmem:s0+$0x10];
	v8 =	vsel vm13, v27, v8;
	vm15 =	vlt.f32 v21, v11;
	vm0 =	vlt.f32 v28, v12  }
0xeb: {  	v16 =	vld [tilespmem:s0+$0x0];
	v10 =	vsel vm14, v20, v10;
	v13 =	vsel vm1, s1, v13;
	v14 =	vsel vm2, s1, v14  }
0xec: {  	v20 =	vld [tilespmem:s0+$0x20];
	v15 =	vsel vm3, s1, v15;
	v17 =	vsel vm13, s1, v17;
	v18 =	vsel vm14, s1, v18  }
0xed: {  	s31 =	simm.s32 $0x702;
	s30 =	simm.s32 $0x701;
	v11 =	vsel vm15, v21, v11;
	v12 =	vsel vm0, v28, v12;
	v21 =	vld [tilespmem:s0+$0x30];
	s0 =	simm.s32 $0x8140;
	v19 =	vsel vm15, s1, v19  }
.LBB2_16:
0xee: {  	v24 =	vld [tilespmem:s0+$0xFFFFFFC0];
	p0 =	sne.s32 s31, $0x7FF;
	vm1 =	vlt.f32 v22, v3;
	vm2 =	vlt.f32 v1, v4;
	v0 =	vsel vm0, s1, v0;
	s1 =	smov.u32 s30;
	s30 =	smov.u32 s31  }
0xef: {  	v3 =	vsel vm1, v22, v3;
	v5 =	vsel vm1, s1, v5;
	v4 =	vsel vm2, v1, v4;
	v1 =	vld [tilespmem:s0+$0xFFFFFFD0]  }
0xf0: {  	vm3 =	vlt.f32 v2, v7;
	vm1 =	vlt.f32 v23, v6;
	vm4 =	vlt.f32 v16, v8;
	v25 =	vld [tilespmem:s0+$0xFFFFFFE0]  }
.Ltmp7:
0xf1: {  	v7 =	vsel vm3, v2, v7;
	v6 =	vsel vm1, v23, v6;
	v8 =	vsel vm4, v16, v8;
	v2 =	vld [tilespmem:s0+$0xFFFFFFF0];
	(pc) =	sbr.rel @p0 .LBB2_16-.Ltmp7, $4  }
0xf2: {  	vm5 =	vlt.f32 v9, v10;
	vm6 =	vlt.f32 v20, v11;
	v16 =	vld [tilespmem:s0+$0x0];
	vm0 =	vlt.f32 v21, v12  }
0xf3: {  	v10 =	vsel vm5, v9, v10;
	v11 =	vsel vm6, v20, v11;
	v9 =	vld [tilespmem:s0+$0x10];
	v12 =	vsel vm0, v21, v12;
	v22 =	vmovc v24  }
0xf4: {  	v13 =	vsel vm2, s1, v13;
	v15 =	vsel vm3, s1, v15;
	v14 =	vsel vm1, s1, v14;
	v20 =	vld [tilespmem:s0+$0x20]  }
0xf5: {  	s31 =	sadd.s32 $0x1, s31;
	v17 =	vsel vm4, s1, v17;
	v18 =	vsel vm5, s1, v18;
	v19 =	vsel vm6, s1, v19;
	v21 =	vld [tilespmem:s0+$0x30];
	s0 =	sadd.s32 $0x80, s0;
	v23 =	vmovc v25  }
0xf6: {  	[tilespmem:s23], [sflag:$0x2] =	stream.strided.gather [hbm4b:s12+s21], $0x8000, s22, s21, $0x38;
	[tilespmem:$0x10080] =	vst v63  }
0xf7: {  	_ =	swait.ge [sflag:s24], $0x8000  }
0xf8: {  	[sflag:s24] =	ssyncset.done $0x0  }
0xf9: {  	s0 =	simm.s32 $0x40;
	[sflag:s24] =	ssyncadd.s32 $0xFFFF8000  }
0xfa: {  	vm1 =	vlt.f32 v22, v3;
	vm2 =	vlt.f32 v1, v4;
	v0 =	vsel vm0, s1, v0;
	v24 =	vld [tilespmem:s0+$0xFFFFFFC0]  }
0xfb: {  	vm0 =	vlt.f32 v23, v6;
	v3 =	vsel vm1, v22, v3;
	v5 =	vsel vm1, s30, v5;
	v25 =	vld [tilespmem:s0+$0xFFFFFFD0]  }
0xfc: {  	v4 =	vsel vm2, v1, v4;
	vm1 =	vlt.f32 v2, v7;
	vm3 =	vlt.f32 v16, v8;
	v26 =	vld [tilespmem:s0+$0xFFFFFFE0]  }
0xfd: {  	v6 =	vsel vm0, v23, v6;
	v13 =	vsel vm2, s30, v13;
	v8 =	vsel vm3, v16, v8;
	v16 =	vld [tilespmem:s0+$0xFFFFFFF0]  }
0xfe: {  	v14 =	vsel vm0, s30, v14;
	v7 =	vsel vm1, v2, v7;
	vm5 =	vlt.f32 v20, v11;
	v27 =	vld [tilespmem:s0+$0x0]  }
0xff: {  	vm4 =	vlt.f32 v9, v10;
	v15 =	vsel vm1, s30, v15;
	v11 =	vsel vm5, v20, v11;
	v20 =	vld [tilespmem:s0+$0x10]  }
0x100: {  	v17 =	vsel vm3, s30, v17;
	v10 =	vsel vm4, v9, v10;
	vm6 =	vlt.f32 v21, v12;
	v28 =	vld [tilespmem:s0+$0x30]  }
0x101: {  	v18 =	vsel vm4, s30, v18;
	v19 =	vsel vm5, s30, v19;
	v12 =	vsel vm6, v21, v12;
	v21 =	vld [tilespmem:s0+$0x20];
	s0 =	simm.s32 $0xC0  }
0x102: {  	v0 =	vsel vm6, s30, v0;
	v22 =	vld [tilespmem:s0+$0xFFFFFFC0];
	vm0 =	vlt.f32 v24, v3;
	vm1 =	vlt.f32 v25, v4  }
0x103: {  	s1 =	simm.s32 $0x800;
	v1 =	vld [tilespmem:s0+$0xFFFFFFD0];
	vm2 =	vlt.f32 v26, v6;
	vm3 =	vlt.f32 v16, v7;
	vm13 =	vlt.f32 v27, v8  }
0x104: {  	v23 =	vld [tilespmem:s0+$0xFFFFFFE0];
	vm14 =	vlt.f32 v20, v10;
	v3 =	vsel vm0, v24, v3;
	v5 =	vsel vm0, s1, v5  }
0x105: {  	v2 =	vld [tilespmem:s0+$0xFFFFFFF0];
	v4 =	vsel vm1, v25, v4;
	v6 =	vsel vm2, v26, v6;
	v7 =	vsel vm3, v16, v7  }
0x106: {  	v9 =	vld [tilespmem:s0+$0x10];
	v8 =	vsel vm13, v27, v8;
	vm15 =	vlt.f32 v21, v11;
	vm0 =	vlt.f32 v28, v12  }
0x107: {  	v16 =	vld [tilespmem:s0+$0x0];
	v10 =	vsel vm14, v20, v10;
	v13 =	vsel vm1, s1, v13;
	v14 =	vsel vm2, s1, v14  }
0x108: {  	v20 =	vld [tilespmem:s0+$0x20];
	v15 =	vsel vm3, s1, v15;
	v17 =	vsel vm13, s1, v17;
	v18 =	vsel vm14, s1, v18  }
0x109: {  	s31 =	simm.s32 $0x802;
	s30 =	simm.s32 $0x801;
	v11 =	vsel vm15, v21, v11;
	v12 =	vsel vm0, v28, v12;
	v21 =	vld [tilespmem:s0+$0x30];
	s0 =	simm.s32 $0x140;
	v19 =	vsel vm15, s1, v19  }
.LBB2_18:
0x10a: {  	v24 =	vld [tilespmem:s0+$0xFFFFFFC0];
	p0 =	sne.s32 s31, $0x8FF;
	vm1 =	vlt.f32 v22, v3;
	vm2 =	vlt.f32 v1, v4;
	v0 =	vsel vm0, s1, v0;
	s1 =	smov.u32 s30;
	s30 =	smov.u32 s31  }
0x10b: {  	v3 =	vsel vm1, v22, v3;
	v5 =	vsel vm1, s1, v5;
	v4 =	vsel vm2, v1, v4;
	v1 =	vld [tilespmem:s0+$0xFFFFFFD0]  }
0x10c: {  	vm3 =	vlt.f32 v2, v7;
	vm1 =	vlt.f32 v23, v6;
	vm4 =	vlt.f32 v16, v8;
	v25 =	vld [tilespmem:s0+$0xFFFFFFE0]  }
.Ltmp8:
0x10d: {  	v7 =	vsel vm3, v2, v7;
	v6 =	vsel vm1, v23, v6;
	v8 =	vsel vm4, v16, v8;
	v2 =	vld [tilespmem:s0+$0xFFFFFFF0];
	(pc) =	sbr.rel @p0 .LBB2_18-.Ltmp8, $4  }
0x10e: {  	vm5 =	vlt.f32 v9, v10;
	vm6 =	vlt.f32 v20, v11;
	v16 =	vld [tilespmem:s0+$0x0];
	vm0 =	vlt.f32 v21, v12  }
0x10f: {  	v10 =	vsel vm5, v9, v10;
	v11 =	vsel vm6, v20, v11;
	v9 =	vld [tilespmem:s0+$0x10];
	v12 =	vsel vm0, v21, v12;
	v22 =	vmovc v24  }
0x110: {  	v13 =	vsel vm2, s1, v13;
	v15 =	vsel vm3, s1, v15;
	v14 =	vsel vm1, s1, v14;
	v20 =	vld [tilespmem:s0+$0x20]  }
0x111: {  	s31 =	sadd.s32 $0x1, s31;
	v17 =	vsel vm4, s1, v17;
	v18 =	vsel vm5, s1, v18;
	v19 =	vsel vm6, s1, v19;
	v21 =	vld [tilespmem:s0+$0x30];
	s0 =	sadd.s32 $0x80, s0;
	v23 =	vmovc v25  }
0x112: {  	[tilespmem:s2], [sflag:$0x1] =	stream.strided.gather [hbm4b:s13+s21], $0x8000, s22, s21, $0x38;
	[tilespmem:$0x10080] =	vst v63  }
0x113: {  	_ =	swait.ge [sflag:s25], $0x8000  }
0x114: {  	[sflag:s25] =	ssyncset.done $0x0  }
0x115: {  	s0 =	simm.s32 $0x8040;
	[sflag:s25] =	ssyncadd.s32 $0xFFFF8000  }
0x116: {  	vm1 =	vlt.f32 v22, v3;
	vm2 =	vlt.f32 v1, v4;
	v0 =	vsel vm0, s1, v0;
	v24 =	vld [tilespmem:s0+$0xFFFFFFC0]  }
0x117: {  	vm0 =	vlt.f32 v23, v6;
	v3 =	vsel vm1, v22, v3;
	v5 =	vsel vm1, s30, v5;
	v25 =	vld [tilespmem:s0+$0xFFFFFFD0]  }
0x118: {  	v4 =	vsel vm2, v1, v4;
	vm1 =	vlt.f32 v2, v7;
	vm3 =	vlt.f32 v16, v8;
	v26 =	vld [tilespmem:s0+$0xFFFFFFE0]  }
0x119: {  	v6 =	vsel vm0, v23, v6;
	v13 =	vsel vm2, s30, v13;
	v8 =	vsel vm3, v16, v8;
	v16 =	vld [tilespmem:s0+$0xFFFFFFF0]  }
0x11a: {  	v14 =	vsel vm0, s30, v14;
	v7 =	vsel vm1, v2, v7;
	vm5 =	vlt.f32 v20, v11;
	v27 =	vld [tilespmem:s0+$0x0]  }
0x11b: {  	vm4 =	vlt.f32 v9, v10;
	v15 =	vsel vm1, s30, v15;
	v11 =	vsel vm5, v20, v11;
	v20 =	vld [tilespmem:s0+$0x10]  }
0x11c: {  	v17 =	vsel vm3, s30, v17;
	v10 =	vsel vm4, v9, v10;
	vm6 =	vlt.f32 v21, v12;
	v28 =	vld [tilespmem:s0+$0x30]  }
0x11d: {  	v18 =	vsel vm4, s30, v18;
	v19 =	vsel vm5, s30, v19;
	v12 =	vsel vm6, v21, v12;
	v21 =	vld [tilespmem:s0+$0x20];
	s0 =	simm.s32 $0x80C0  }
0x11e: {  	v0 =	vsel vm6, s30, v0;
	v22 =	vld [tilespmem:s0+$0xFFFFFFC0];
	vm0 =	vlt.f32 v24, v3;
	vm1 =	vlt.f32 v25, v4  }
0x11f: {  	s1 =	simm.s32 $0x900;
	v1 =	vld [tilespmem:s0+$0xFFFFFFD0];
	vm2 =	vlt.f32 v26, v6;
	vm3 =	vlt.f32 v16, v7;
	vm13 =	vlt.f32 v27, v8  }
0x120: {  	v23 =	vld [tilespmem:s0+$0xFFFFFFE0];
	vm14 =	vlt.f32 v20, v10;
	v3 =	vsel vm0, v24, v3;
	v5 =	vsel vm0, s1, v5  }
0x121: {  	v2 =	vld [tilespmem:s0+$0xFFFFFFF0];
	v4 =	vsel vm1, v25, v4;
	v6 =	vsel vm2, v26, v6;
	v7 =	vsel vm3, v16, v7  }
0x122: {  	v9 =	vld [tilespmem:s0+$0x10];
	v8 =	vsel vm13, v27, v8;
	vm15 =	vlt.f32 v21, v11;
	vm0 =	vlt.f32 v28, v12  }
0x123: {  	v16 =	vld [tilespmem:s0+$0x0];
	v10 =	vsel vm14, v20, v10;
	v13 =	vsel vm1, s1, v13;
	v14 =	vsel vm2, s1, v14  }
0x124: {  	v20 =	vld [tilespmem:s0+$0x20];
	v15 =	vsel vm3, s1, v15;
	v17 =	vsel vm13, s1, v17;
	v18 =	vsel vm14, s1, v18  }
0x125: {  	s31 =	simm.s32 $0x902;
	s30 =	simm.s32 $0x901;
	v11 =	vsel vm15, v21, v11;
	v12 =	vsel vm0, v28, v12;
	v21 =	vld [tilespmem:s0+$0x30];
	s0 =	simm.s32 $0x8140;
	v19 =	vsel vm15, s1, v19  }
.LBB2_20:
0x126: {  	v24 =	vld [tilespmem:s0+$0xFFFFFFC0];
	p0 =	sne.s32 s31, $0x9FF;
	vm1 =	vlt.f32 v22, v3;
	vm2 =	vlt.f32 v1, v4;
	v0 =	vsel vm0, s1, v0;
	s1 =	smov.u32 s30;
	s30 =	smov.u32 s31  }
0x127: {  	v3 =	vsel vm1, v22, v3;
	v5 =	vsel vm1, s1, v5;
	v4 =	vsel vm2, v1, v4;
	v1 =	vld [tilespmem:s0+$0xFFFFFFD0]  }
0x128: {  	vm3 =	vlt.f32 v2, v7;
	vm1 =	vlt.f32 v23, v6;
	vm4 =	vlt.f32 v16, v8;
	v25 =	vld [tilespmem:s0+$0xFFFFFFE0]  }
.Ltmp9:
0x129: {  	v7 =	vsel vm3, v2, v7;
	v6 =	vsel vm1, v23, v6;
	v8 =	vsel vm4, v16, v8;
	v2 =	vld [tilespmem:s0+$0xFFFFFFF0];
	(pc) =	sbr.rel @p0 .LBB2_20-.Ltmp9, $4  }
0x12a: {  	vm5 =	vlt.f32 v9, v10;
	vm6 =	vlt.f32 v20, v11;
	v16 =	vld [tilespmem:s0+$0x0];
	vm0 =	vlt.f32 v21, v12  }
0x12b: {  	v10 =	vsel vm5, v9, v10;
	v11 =	vsel vm6, v20, v11;
	v9 =	vld [tilespmem:s0+$0x10];
	v12 =	vsel vm0, v21, v12;
	v22 =	vmovc v24  }
0x12c: {  	v13 =	vsel vm2, s1, v13;
	v15 =	vsel vm3, s1, v15;
	v14 =	vsel vm1, s1, v14;
	v20 =	vld [tilespmem:s0+$0x20]  }
0x12d: {  	s31 =	sadd.s32 $0x1, s31;
	v17 =	vsel vm4, s1, v17;
	v18 =	vsel vm5, s1, v18;
	v19 =	vsel vm6, s1, v19;
	v21 =	vld [tilespmem:s0+$0x30];
	s0 =	sadd.s32 $0x80, s0;
	v23 =	vmovc v25  }
0x12e: {  	[tilespmem:s23], [sflag:$0x2] =	stream.strided.gather [hbm4b:s14+s21], $0x8000, s22, s21, $0x38;
	[tilespmem:$0x10080] =	vst v63  }
0x12f: {  	_ =	swait.ge [sflag:s24], $0x8000  }
0x130: {  	[sflag:s24] =	ssyncset.done $0x0  }
0x131: {  	s0 =	simm.s32 $0x40;
	[sflag:s24] =	ssyncadd.s32 $0xFFFF8000  }
0x132: {  	vm1 =	vlt.f32 v22, v3;
	vm2 =	vlt.f32 v1, v4;
	v0 =	vsel vm0, s1, v0;
	v24 =	vld [tilespmem:s0+$0xFFFFFFC0]  }
0x133: {  	vm0 =	vlt.f32 v23, v6;
	v3 =	vsel vm1, v22, v3;
	v5 =	vsel vm1, s30, v5;
	v25 =	vld [tilespmem:s0+$0xFFFFFFD0]  }
0x134: {  	v4 =	vsel vm2, v1, v4;
	vm1 =	vlt.f32 v2, v7;
	vm3 =	vlt.f32 v16, v8;
	v26 =	vld [tilespmem:s0+$0xFFFFFFE0]  }
0x135: {  	v6 =	vsel vm0, v23, v6;
	v13 =	vsel vm2, s30, v13;
	v8 =	vsel vm3, v16, v8;
	v16 =	vld [tilespmem:s0+$0xFFFFFFF0]  }
0x136: {  	v14 =	vsel vm0, s30, v14;
	v7 =	vsel vm1, v2, v7;
	vm5 =	vlt.f32 v20, v11;
	v27 =	vld [tilespmem:s0+$0x0]  }
0x137: {  	vm4 =	vlt.f32 v9, v10;
	v15 =	vsel vm1, s30, v15;
	v11 =	vsel vm5, v20, v11;
	v20 =	vld [tilespmem:s0+$0x10]  }
0x138: {  	v17 =	vsel vm3, s30, v17;
	v10 =	vsel vm4, v9, v10;
	vm6 =	vlt.f32 v21, v12;
	v28 =	vld [tilespmem:s0+$0x30]  }
0x139: {  	v18 =	vsel vm4, s30, v18;
	v19 =	vsel vm5, s30, v19;
	v12 =	vsel vm6, v21, v12;
	v21 =	vld [tilespmem:s0+$0x20];
	s0 =	simm.s32 $0xC0  }
0x13a: {  	v0 =	vsel vm6, s30, v0;
	v22 =	vld [tilespmem:s0+$0xFFFFFFC0];
	vm0 =	vlt.f32 v24, v3;
	vm1 =	vlt.f32 v25, v4  }
0x13b: {  	s1 =	simm.s32 $0xA00;
	v1 =	vld [tilespmem:s0+$0xFFFFFFD0];
	vm2 =	vlt.f32 v26, v6;
	vm3 =	vlt.f32 v16, v7;
	vm13 =	vlt.f32 v27, v8  }
0x13c: {  	v23 =	vld [tilespmem:s0+$0xFFFFFFE0];
	vm14 =	vlt.f32 v20, v10;
	v3 =	vsel vm0, v24, v3;
	v5 =	vsel vm0, s1, v5  }
0x13d: {  	v2 =	vld [tilespmem:s0+$0xFFFFFFF0];
	v4 =	vsel vm1, v25, v4;
	v6 =	vsel vm2, v26, v6;
	v7 =	vsel vm3, v16, v7  }
0x13e: {  	v9 =	vld [tilespmem:s0+$0x10];
	v8 =	vsel vm13, v27, v8;
	vm15 =	vlt.f32 v21, v11;
	vm0 =	vlt.f32 v28, v12  }
0x13f: {  	v16 =	vld [tilespmem:s0+$0x0];
	v10 =	vsel vm14, v20, v10;
	v13 =	vsel vm1, s1, v13;
	v14 =	vsel vm2, s1, v14  }
0x140: {  	v20 =	vld [tilespmem:s0+$0x20];
	v15 =	vsel vm3, s1, v15;
	v17 =	vsel vm13, s1, v17;
	v18 =	vsel vm14, s1, v18  }
0x141: {  	s31 =	simm.s32 $0xA02;
	s30 =	simm.s32 $0xA01;
	v11 =	vsel vm15, v21, v11;
	v12 =	vsel vm0, v28, v12;
	v21 =	vld [tilespmem:s0+$0x30];
	s0 =	simm.s32 $0x140;
	v19 =	vsel vm15, s1, v19  }
.LBB2_22:
0x142: {  	v24 =	vld [tilespmem:s0+$0xFFFFFFC0];
	p0 =	sne.s32 s31, $0xAFF;
	vm1 =	vlt.f32 v22, v3;
	vm2 =	vlt.f32 v1, v4;
	v0 =	vsel vm0, s1, v0;
	s1 =	smov.u32 s30;
	s30 =	smov.u32 s31  }
0x143: {  	v3 =	vsel vm1, v22, v3;
	v5 =	vsel vm1, s1, v5;
	v4 =	vsel vm2, v1, v4;
	v1 =	vld [tilespmem:s0+$0xFFFFFFD0]  }
0x144: {  	vm3 =	vlt.f32 v2, v7;
	vm1 =	vlt.f32 v23, v6;
	vm4 =	vlt.f32 v16, v8;
	v25 =	vld [tilespmem:s0+$0xFFFFFFE0]  }
.Ltmp10:
0x145: {  	v7 =	vsel vm3, v2, v7;
	v6 =	vsel vm1, v23, v6;
	v8 =	vsel vm4, v16, v8;
	v2 =	vld [tilespmem:s0+$0xFFFFFFF0];
	(pc) =	sbr.rel @p0 .LBB2_22-.Ltmp10, $4  }
0x146: {  	vm5 =	vlt.f32 v9, v10;
	vm6 =	vlt.f32 v20, v11;
	v16 =	vld [tilespmem:s0+$0x0];
	vm0 =	vlt.f32 v21, v12  }
0x147: {  	v10 =	vsel vm5, v9, v10;
	v11 =	vsel vm6, v20, v11;
	v9 =	vld [tilespmem:s0+$0x10];
	v12 =	vsel vm0, v21, v12;
	v22 =	vmovc v24  }
0x148: {  	v13 =	vsel vm2, s1, v13;
	v15 =	vsel vm3, s1, v15;
	v14 =	vsel vm1, s1, v14;
	v20 =	vld [tilespmem:s0+$0x20]  }
0x149: {  	s31 =	sadd.s32 $0x1, s31;
	v17 =	vsel vm4, s1, v17;
	v18 =	vsel vm5, s1, v18;
	v19 =	vsel vm6, s1, v19;
	v21 =	vld [tilespmem:s0+$0x30];
	s0 =	sadd.s32 $0x80, s0;
	v23 =	vmovc v25  }
0x14a: {  	[tilespmem:s2], [sflag:$0x1] =	stream.strided.gather [hbm4b:s15+s21], $0x8000, s22, s21, $0x38;
	[tilespmem:$0x10080] =	vst v63  }
0x14b: {  	_ =	swait.ge [sflag:s25], $0x8000  }
0x14c: {  	[sflag:s25] =	ssyncset.done $0x0  }
0x14d: {  	s0 =	simm.s32 $0x8040;
	[sflag:s25] =	ssyncadd.s32 $0xFFFF8000  }
0x14e: {  	vm1 =	vlt.f32 v22, v3;
	vm2 =	vlt.f32 v1, v4;
	v0 =	vsel vm0, s1, v0;
	v24 =	vld [tilespmem:s0+$0xFFFFFFC0]  }
0x14f: {  	vm0 =	vlt.f32 v23, v6;
	v3 =	vsel vm1, v22, v3;
	v5 =	vsel vm1, s30, v5;
	v25 =	vld [tilespmem:s0+$0xFFFFFFD0]  }
0x150: {  	v4 =	vsel vm2, v1, v4;
	vm1 =	vlt.f32 v2, v7;
	vm3 =	vlt.f32 v16, v8;
	v26 =	vld [tilespmem:s0+$0xFFFFFFE0]  }
0x151: {  	v6 =	vsel vm0, v23, v6;
	v13 =	vsel vm2, s30, v13;
	v8 =	vsel vm3, v16, v8;
	v16 =	vld [tilespmem:s0+$0xFFFFFFF0]  }
0x152: {  	v14 =	vsel vm0, s30, v14;
	v7 =	vsel vm1, v2, v7;
	vm5 =	vlt.f32 v20, v11;
	v27 =	vld [tilespmem:s0+$0x0]  }
0x153: {  	vm4 =	vlt.f32 v9, v10;
	v15 =	vsel vm1, s30, v15;
	v11 =	vsel vm5, v20, v11;
	v20 =	vld [tilespmem:s0+$0x10]  }
0x154: {  	v17 =	vsel vm3, s30, v17;
	v10 =	vsel vm4, v9, v10;
	vm6 =	vlt.f32 v21, v12;
	v28 =	vld [tilespmem:s0+$0x30]  }
0x155: {  	v18 =	vsel vm4, s30, v18;
	v19 =	vsel vm5, s30, v19;
	v12 =	vsel vm6, v21, v12;
	v21 =	vld [tilespmem:s0+$0x20];
	s0 =	simm.s32 $0x80C0  }
0x156: {  	v0 =	vsel vm6, s30, v0;
	v22 =	vld [tilespmem:s0+$0xFFFFFFC0];
	vm0 =	vlt.f32 v24, v3;
	vm1 =	vlt.f32 v25, v4  }
0x157: {  	s1 =	simm.s32 $0xB00;
	v1 =	vld [tilespmem:s0+$0xFFFFFFD0];
	vm2 =	vlt.f32 v26, v6;
	vm3 =	vlt.f32 v16, v7;
	vm13 =	vlt.f32 v27, v8  }
0x158: {  	v23 =	vld [tilespmem:s0+$0xFFFFFFE0];
	vm14 =	vlt.f32 v20, v10;
	v3 =	vsel vm0, v24, v3;
	v5 =	vsel vm0, s1, v5  }
0x159: {  	v2 =	vld [tilespmem:s0+$0xFFFFFFF0];
	v4 =	vsel vm1, v25, v4;
	v6 =	vsel vm2, v26, v6;
	v7 =	vsel vm3, v16, v7  }
0x15a: {  	v9 =	vld [tilespmem:s0+$0x10];
	v8 =	vsel vm13, v27, v8;
	vm15 =	vlt.f32 v21, v11;
	vm0 =	vlt.f32 v28, v12  }
0x15b: {  	v16 =	vld [tilespmem:s0+$0x0];
	v10 =	vsel vm14, v20, v10;
	v13 =	vsel vm1, s1, v13;
	v14 =	vsel vm2, s1, v14  }
0x15c: {  	v20 =	vld [tilespmem:s0+$0x20];
	v15 =	vsel vm3, s1, v15;
	v17 =	vsel vm13, s1, v17;
	v18 =	vsel vm14, s1, v18  }
0x15d: {  	s31 =	simm.s32 $0xB02;
	s30 =	simm.s32 $0xB01;
	v11 =	vsel vm15, v21, v11;
	v12 =	vsel vm0, v28, v12;
	v21 =	vld [tilespmem:s0+$0x30];
	s0 =	simm.s32 $0x8140;
	v19 =	vsel vm15, s1, v19  }
.LBB2_24:
0x15e: {  	v24 =	vld [tilespmem:s0+$0xFFFFFFC0];
	p0 =	sne.s32 s31, $0xBFF;
	vm1 =	vlt.f32 v22, v3;
	vm2 =	vlt.f32 v1, v4;
	v0 =	vsel vm0, s1, v0;
	s1 =	smov.u32 s30;
	s30 =	smov.u32 s31  }
0x15f: {  	v3 =	vsel vm1, v22, v3;
	v5 =	vsel vm1, s1, v5;
	v4 =	vsel vm2, v1, v4;
	v1 =	vld [tilespmem:s0+$0xFFFFFFD0]  }
0x160: {  	vm3 =	vlt.f32 v2, v7;
	vm1 =	vlt.f32 v23, v6;
	vm4 =	vlt.f32 v16, v8;
	v25 =	vld [tilespmem:s0+$0xFFFFFFE0]  }
.Ltmp11:
0x161: {  	v7 =	vsel vm3, v2, v7;
	v6 =	vsel vm1, v23, v6;
	v8 =	vsel vm4, v16, v8;
	v2 =	vld [tilespmem:s0+$0xFFFFFFF0];
	(pc) =	sbr.rel @p0 .LBB2_24-.Ltmp11, $4  }
0x162: {  	vm5 =	vlt.f32 v9, v10;
	vm6 =	vlt.f32 v20, v11;
	v16 =	vld [tilespmem:s0+$0x0];
	vm0 =	vlt.f32 v21, v12  }
0x163: {  	v10 =	vsel vm5, v9, v10;
	v11 =	vsel vm6, v20, v11;
	v9 =	vld [tilespmem:s0+$0x10];
	v12 =	vsel vm0, v21, v12;
	v22 =	vmovc v24  }
0x164: {  	v13 =	vsel vm2, s1, v13;
	v15 =	vsel vm3, s1, v15;
	v14 =	vsel vm1, s1, v14;
	v20 =	vld [tilespmem:s0+$0x20]  }
0x165: {  	s31 =	sadd.s32 $0x1, s31;
	v17 =	vsel vm4, s1, v17;
	v18 =	vsel vm5, s1, v18;
	v19 =	vsel vm6, s1, v19;
	v21 =	vld [tilespmem:s0+$0x30];
	s0 =	sadd.s32 $0x80, s0;
	v23 =	vmovc v25  }
0x166: {  	[tilespmem:s23], [sflag:$0x2] =	stream.strided.gather [hbm4b:s16+s21], $0x8000, s22, s21, $0x38;
	[tilespmem:$0x10080] =	vst v63  }
0x167: {  	_ =	swait.ge [sflag:s24], $0x8000  }
0x168: {  	[sflag:s24] =	ssyncset.done $0x0  }
0x169: {  	s0 =	simm.s32 $0x40;
	[sflag:s24] =	ssyncadd.s32 $0xFFFF8000  }
0x16a: {  	vm1 =	vlt.f32 v22, v3;
	vm2 =	vlt.f32 v1, v4;
	v0 =	vsel vm0, s1, v0;
	v24 =	vld [tilespmem:s0+$0xFFFFFFC0]  }
0x16b: {  	vm0 =	vlt.f32 v23, v6;
	v3 =	vsel vm1, v22, v3;
	v5 =	vsel vm1, s30, v5;
	v25 =	vld [tilespmem:s0+$0xFFFFFFD0]  }
0x16c: {  	v4 =	vsel vm2, v1, v4;
	vm1 =	vlt.f32 v2, v7;
	vm3 =	vlt.f32 v16, v8;
	v26 =	vld [tilespmem:s0+$0xFFFFFFE0]  }
0x16d: {  	v6 =	vsel vm0, v23, v6;
	v13 =	vsel vm2, s30, v13;
	v8 =	vsel vm3, v16, v8;
	v16 =	vld [tilespmem:s0+$0xFFFFFFF0]  }
0x16e: {  	v14 =	vsel vm0, s30, v14;
	v7 =	vsel vm1, v2, v7;
	vm5 =	vlt.f32 v20, v11;
	v27 =	vld [tilespmem:s0+$0x0]  }
0x16f: {  	vm4 =	vlt.f32 v9, v10;
	v15 =	vsel vm1, s30, v15;
	v11 =	vsel vm5, v20, v11;
	v20 =	vld [tilespmem:s0+$0x10]  }
0x170: {  	v17 =	vsel vm3, s30, v17;
	v10 =	vsel vm4, v9, v10;
	vm6 =	vlt.f32 v21, v12;
	v28 =	vld [tilespmem:s0+$0x30]  }
0x171: {  	v18 =	vsel vm4, s30, v18;
	v19 =	vsel vm5, s30, v19;
	v12 =	vsel vm6, v21, v12;
	v21 =	vld [tilespmem:s0+$0x20];
	s0 =	simm.s32 $0xC0  }
0x172: {  	v0 =	vsel vm6, s30, v0;
	v22 =	vld [tilespmem:s0+$0xFFFFFFC0];
	vm0 =	vlt.f32 v24, v3;
	vm1 =	vlt.f32 v25, v4  }
0x173: {  	s1 =	simm.s32 $0xC00;
	v1 =	vld [tilespmem:s0+$0xFFFFFFD0];
	vm2 =	vlt.f32 v26, v6;
	vm3 =	vlt.f32 v16, v7;
	vm13 =	vlt.f32 v27, v8  }
0x174: {  	v23 =	vld [tilespmem:s0+$0xFFFFFFE0];
	vm14 =	vlt.f32 v20, v10;
	v3 =	vsel vm0, v24, v3;
	v5 =	vsel vm0, s1, v5  }
0x175: {  	v2 =	vld [tilespmem:s0+$0xFFFFFFF0];
	v4 =	vsel vm1, v25, v4;
	v6 =	vsel vm2, v26, v6;
	v7 =	vsel vm3, v16, v7  }
0x176: {  	v9 =	vld [tilespmem:s0+$0x10];
	v8 =	vsel vm13, v27, v8;
	vm15 =	vlt.f32 v21, v11;
	vm0 =	vlt.f32 v28, v12  }
0x177: {  	v16 =	vld [tilespmem:s0+$0x0];
	v10 =	vsel vm14, v20, v10;
	v13 =	vsel vm1, s1, v13;
	v14 =	vsel vm2, s1, v14  }
0x178: {  	v20 =	vld [tilespmem:s0+$0x20];
	v15 =	vsel vm3, s1, v15;
	v17 =	vsel vm13, s1, v17;
	v18 =	vsel vm14, s1, v18  }
0x179: {  	s31 =	simm.s32 $0xC02;
	s30 =	simm.s32 $0xC01;
	v11 =	vsel vm15, v21, v11;
	v12 =	vsel vm0, v28, v12;
	v21 =	vld [tilespmem:s0+$0x30];
	s0 =	simm.s32 $0x140;
	v19 =	vsel vm15, s1, v19  }
.LBB2_26:
0x17a: {  	v24 =	vld [tilespmem:s0+$0xFFFFFFC0];
	p0 =	sne.s32 s31, $0xCFF;
	vm1 =	vlt.f32 v22, v3;
	vm2 =	vlt.f32 v1, v4;
	v0 =	vsel vm0, s1, v0;
	s1 =	smov.u32 s30;
	s30 =	smov.u32 s31  }
0x17b: {  	v3 =	vsel vm1, v22, v3;
	v5 =	vsel vm1, s1, v5;
	v4 =	vsel vm2, v1, v4;
	v1 =	vld [tilespmem:s0+$0xFFFFFFD0]  }
0x17c: {  	vm3 =	vlt.f32 v2, v7;
	vm1 =	vlt.f32 v23, v6;
	vm4 =	vlt.f32 v16, v8;
	v25 =	vld [tilespmem:s0+$0xFFFFFFE0]  }
.Ltmp12:
0x17d: {  	v7 =	vsel vm3, v2, v7;
	v6 =	vsel vm1, v23, v6;
	v8 =	vsel vm4, v16, v8;
	v2 =	vld [tilespmem:s0+$0xFFFFFFF0];
	(pc) =	sbr.rel @p0 .LBB2_26-.Ltmp12, $4  }
0x17e: {  	vm5 =	vlt.f32 v9, v10;
	vm6 =	vlt.f32 v20, v11;
	v16 =	vld [tilespmem:s0+$0x0];
	vm0 =	vlt.f32 v21, v12  }
0x17f: {  	v10 =	vsel vm5, v9, v10;
	v11 =	vsel vm6, v20, v11;
	v9 =	vld [tilespmem:s0+$0x10];
	v12 =	vsel vm0, v21, v12;
	v22 =	vmovc v24  }
0x180: {  	v13 =	vsel vm2, s1, v13;
	v15 =	vsel vm3, s1, v15;
	v14 =	vsel vm1, s1, v14;
	v20 =	vld [tilespmem:s0+$0x20]  }
0x181: {  	s31 =	sadd.s32 $0x1, s31;
	v17 =	vsel vm4, s1, v17;
	v18 =	vsel vm5, s1, v18;
	v19 =	vsel vm6, s1, v19;
	v21 =	vld [tilespmem:s0+$0x30];
	s0 =	sadd.s32 $0x80, s0;
	v23 =	vmovc v25  }
0x182: {  	[tilespmem:s2], [sflag:$0x1] =	stream.strided.gather [hbm4b:s17+s21], $0x8000, s22, s21, $0x38;
	[tilespmem:$0x10080] =	vst v63  }
0x183: {  	_ =	swait.ge [sflag:s25], $0x8000  }
0x184: {  	[sflag:s25] =	ssyncset.done $0x0  }
0x185: {  	s0 =	simm.s32 $0x8040;
	[sflag:s25] =	ssyncadd.s32 $0xFFFF8000  }
0x186: {  	vm1 =	vlt.f32 v22, v3;
	vm2 =	vlt.f32 v1, v4;
	v0 =	vsel vm0, s1, v0;
	v24 =	vld [tilespmem:s0+$0xFFFFFFC0]  }
0x187: {  	vm0 =	vlt.f32 v23, v6;
	v3 =	vsel vm1, v22, v3;
	v5 =	vsel vm1, s30, v5;
	v25 =	vld [tilespmem:s0+$0xFFFFFFD0]  }
0x188: {  	v4 =	vsel vm2, v1, v4;
	vm1 =	vlt.f32 v2, v7;
	vm3 =	vlt.f32 v16, v8;
	v26 =	vld [tilespmem:s0+$0xFFFFFFE0]  }
0x189: {  	v6 =	vsel vm0, v23, v6;
	v13 =	vsel vm2, s30, v13;
	v8 =	vsel vm3, v16, v8;
	v16 =	vld [tilespmem:s0+$0xFFFFFFF0]  }
0x18a: {  	v14 =	vsel vm0, s30, v14;
	v7 =	vsel vm1, v2, v7;
	vm5 =	vlt.f32 v20, v11;
	v27 =	vld [tilespmem:s0+$0x0]  }
0x18b: {  	vm4 =	vlt.f32 v9, v10;
	v15 =	vsel vm1, s30, v15;
	v11 =	vsel vm5, v20, v11;
	v20 =	vld [tilespmem:s0+$0x10]  }
0x18c: {  	v17 =	vsel vm3, s30, v17;
	v10 =	vsel vm4, v9, v10;
	vm6 =	vlt.f32 v21, v12;
	v28 =	vld [tilespmem:s0+$0x30]  }
0x18d: {  	v18 =	vsel vm4, s30, v18;
	v19 =	vsel vm5, s30, v19;
	v12 =	vsel vm6, v21, v12;
	v21 =	vld [tilespmem:s0+$0x20];
	s0 =	simm.s32 $0x80C0  }
0x18e: {  	v0 =	vsel vm6, s30, v0;
	v22 =	vld [tilespmem:s0+$0xFFFFFFC0];
	vm0 =	vlt.f32 v24, v3;
	vm1 =	vlt.f32 v25, v4  }
0x18f: {  	s1 =	simm.s32 $0xD00;
	v1 =	vld [tilespmem:s0+$0xFFFFFFD0];
	vm2 =	vlt.f32 v26, v6;
	vm3 =	vlt.f32 v16, v7;
	vm13 =	vlt.f32 v27, v8  }
0x190: {  	v23 =	vld [tilespmem:s0+$0xFFFFFFE0];
	vm14 =	vlt.f32 v20, v10;
	v3 =	vsel vm0, v24, v3;
	v5 =	vsel vm0, s1, v5  }
0x191: {  	v2 =	vld [tilespmem:s0+$0xFFFFFFF0];
	v4 =	vsel vm1, v25, v4;
	v6 =	vsel vm2, v26, v6;
	v7 =	vsel vm3, v16, v7  }
0x192: {  	v9 =	vld [tilespmem:s0+$0x10];
	v8 =	vsel vm13, v27, v8;
	vm15 =	vlt.f32 v21, v11;
	vm0 =	vlt.f32 v28, v12  }
0x193: {  	v16 =	vld [tilespmem:s0+$0x0];
	v10 =	vsel vm14, v20, v10;
	v13 =	vsel vm1, s1, v13;
	v14 =	vsel vm2, s1, v14  }
0x194: {  	v20 =	vld [tilespmem:s0+$0x20];
	v15 =	vsel vm3, s1, v15;
	v17 =	vsel vm13, s1, v17;
	v18 =	vsel vm14, s1, v18  }
0x195: {  	s31 =	simm.s32 $0xD02;
	s30 =	simm.s32 $0xD01;
	v11 =	vsel vm15, v21, v11;
	v12 =	vsel vm0, v28, v12;
	v21 =	vld [tilespmem:s0+$0x30];
	s0 =	simm.s32 $0x8140;
	v19 =	vsel vm15, s1, v19  }
.LBB2_28:
0x196: {  	v24 =	vld [tilespmem:s0+$0xFFFFFFC0];
	p0 =	sne.s32 s31, $0xDFF;
	vm1 =	vlt.f32 v22, v3;
	vm2 =	vlt.f32 v1, v4;
	v0 =	vsel vm0, s1, v0;
	s1 =	smov.u32 s30;
	s30 =	smov.u32 s31  }
0x197: {  	v3 =	vsel vm1, v22, v3;
	v5 =	vsel vm1, s1, v5;
	v4 =	vsel vm2, v1, v4;
	v1 =	vld [tilespmem:s0+$0xFFFFFFD0]  }
0x198: {  	vm3 =	vlt.f32 v2, v7;
	vm1 =	vlt.f32 v23, v6;
	vm4 =	vlt.f32 v16, v8;
	v25 =	vld [tilespmem:s0+$0xFFFFFFE0]  }
.Ltmp13:
0x199: {  	v7 =	vsel vm3, v2, v7;
	v6 =	vsel vm1, v23, v6;
	v8 =	vsel vm4, v16, v8;
	v2 =	vld [tilespmem:s0+$0xFFFFFFF0];
	(pc) =	sbr.rel @p0 .LBB2_28-.Ltmp13, $4  }
0x19a: {  	vm5 =	vlt.f32 v9, v10;
	vm6 =	vlt.f32 v20, v11;
	v16 =	vld [tilespmem:s0+$0x0];
	vm0 =	vlt.f32 v21, v12  }
0x19b: {  	v10 =	vsel vm5, v9, v10;
	v11 =	vsel vm6, v20, v11;
	v9 =	vld [tilespmem:s0+$0x10];
	v12 =	vsel vm0, v21, v12;
	v22 =	vmovc v24  }
0x19c: {  	v13 =	vsel vm2, s1, v13;
	v15 =	vsel vm3, s1, v15;
	v14 =	vsel vm1, s1, v14;
	v20 =	vld [tilespmem:s0+$0x20]  }
0x19d: {  	s31 =	sadd.s32 $0x1, s31;
	v17 =	vsel vm4, s1, v17;
	v18 =	vsel vm5, s1, v18;
	v19 =	vsel vm6, s1, v19;
	v21 =	vld [tilespmem:s0+$0x30];
	s0 =	sadd.s32 $0x80, s0;
	v23 =	vmovc v25  }
0x19e: {  	[tilespmem:s23], [sflag:$0x2] =	stream.strided.gather [hbm4b:s18+s21], $0x8000, s22, s21, $0x38;
	[tilespmem:$0x10080] =	vst v63  }
0x19f: {  	_ =	swait.ge [sflag:s24], $0x8000  }
0x1a0: {  	[sflag:s24] =	ssyncset.done $0x0  }
0x1a1: {  	s0 =	simm.s32 $0x40;
	[sflag:s24] =	ssyncadd.s32 $0xFFFF8000  }
0x1a2: {  	vm1 =	vlt.f32 v22, v3;
	vm2 =	vlt.f32 v1, v4;
	v0 =	vsel vm0, s1, v0;
	v24 =	vld [tilespmem:s0+$0xFFFFFFC0]  }
0x1a3: {  	vm0 =	vlt.f32 v23, v6;
	v3 =	vsel vm1, v22, v3;
	v5 =	vsel vm1, s30, v5;
	v25 =	vld [tilespmem:s0+$0xFFFFFFD0]  }
0x1a4: {  	v4 =	vsel vm2, v1, v4;
	vm1 =	vlt.f32 v2, v7;
	vm3 =	vlt.f32 v16, v8;
	v26 =	vld [tilespmem:s0+$0xFFFFFFE0]  }
0x1a5: {  	v6 =	vsel vm0, v23, v6;
	v13 =	vsel vm2, s30, v13;
	v8 =	vsel vm3, v16, v8;
	v16 =	vld [tilespmem:s0+$0xFFFFFFF0]  }
0x1a6: {  	v14 =	vsel vm0, s30, v14;
	v7 =	vsel vm1, v2, v7;
	vm5 =	vlt.f32 v20, v11;
	v27 =	vld [tilespmem:s0+$0x0]  }
0x1a7: {  	vm4 =	vlt.f32 v9, v10;
	v15 =	vsel vm1, s30, v15;
	v11 =	vsel vm5, v20, v11;
	v20 =	vld [tilespmem:s0+$0x10]  }
0x1a8: {  	v17 =	vsel vm3, s30, v17;
	v10 =	vsel vm4, v9, v10;
	vm6 =	vlt.f32 v21, v12;
	v28 =	vld [tilespmem:s0+$0x30]  }
0x1a9: {  	v18 =	vsel vm4, s30, v18;
	v19 =	vsel vm5, s30, v19;
	v12 =	vsel vm6, v21, v12;
	v21 =	vld [tilespmem:s0+$0x20];
	s0 =	simm.s32 $0xC0  }
0x1aa: {  	v0 =	vsel vm6, s30, v0;
	v22 =	vld [tilespmem:s0+$0xFFFFFFC0];
	vm0 =	vlt.f32 v24, v3;
	vm1 =	vlt.f32 v25, v4  }
0x1ab: {  	s1 =	simm.s32 $0xE00;
	v1 =	vld [tilespmem:s0+$0xFFFFFFD0];
	vm2 =	vlt.f32 v26, v6;
	vm3 =	vlt.f32 v16, v7;
	vm13 =	vlt.f32 v27, v8  }
0x1ac: {  	v23 =	vld [tilespmem:s0+$0xFFFFFFE0];
	vm14 =	vlt.f32 v20, v10;
	v3 =	vsel vm0, v24, v3;
	v5 =	vsel vm0, s1, v5  }
0x1ad: {  	v2 =	vld [tilespmem:s0+$0xFFFFFFF0];
	v4 =	vsel vm1, v25, v4;
	v6 =	vsel vm2, v26, v6;
	v7 =	vsel vm3, v16, v7  }
0x1ae: {  	v9 =	vld [tilespmem:s0+$0x10];
	v8 =	vsel vm13, v27, v8;
	vm15 =	vlt.f32 v21, v11;
	vm0 =	vlt.f32 v28, v12  }
0x1af: {  	v16 =	vld [tilespmem:s0+$0x0];
	v10 =	vsel vm14, v20, v10;
	v13 =	vsel vm1, s1, v13;
	v14 =	vsel vm2, s1, v14  }
0x1b0: {  	v20 =	vld [tilespmem:s0+$0x20];
	v15 =	vsel vm3, s1, v15;
	v17 =	vsel vm13, s1, v17;
	v18 =	vsel vm14, s1, v18  }
0x1b1: {  	s31 =	simm.s32 $0xE02;
	s30 =	simm.s32 $0xE01;
	v11 =	vsel vm15, v21, v11;
	v12 =	vsel vm0, v28, v12;
	v21 =	vld [tilespmem:s0+$0x30];
	s0 =	simm.s32 $0x140;
	v19 =	vsel vm15, s1, v19  }
.LBB2_30:
0x1b2: {  	v24 =	vld [tilespmem:s0+$0xFFFFFFC0];
	p0 =	sne.s32 s31, $0xEFF;
	vm1 =	vlt.f32 v22, v3;
	vm2 =	vlt.f32 v1, v4;
	v0 =	vsel vm0, s1, v0;
	s1 =	smov.u32 s30;
	s30 =	smov.u32 s31  }
0x1b3: {  	v3 =	vsel vm1, v22, v3;
	v5 =	vsel vm1, s1, v5;
	v4 =	vsel vm2, v1, v4;
	v1 =	vld [tilespmem:s0+$0xFFFFFFD0]  }
0x1b4: {  	vm3 =	vlt.f32 v2, v7;
	vm1 =	vlt.f32 v23, v6;
	vm4 =	vlt.f32 v16, v8;
	v25 =	vld [tilespmem:s0+$0xFFFFFFE0]  }
.Ltmp14:
0x1b5: {  	v7 =	vsel vm3, v2, v7;
	v6 =	vsel vm1, v23, v6;
	v8 =	vsel vm4, v16, v8;
	v2 =	vld [tilespmem:s0+$0xFFFFFFF0];
	(pc) =	sbr.rel @p0 .LBB2_30-.Ltmp14, $4  }
0x1b6: {  	vm5 =	vlt.f32 v9, v10;
	vm6 =	vlt.f32 v20, v11;
	v16 =	vld [tilespmem:s0+$0x0];
	vm0 =	vlt.f32 v21, v12  }
0x1b7: {  	v10 =	vsel vm5, v9, v10;
	v11 =	vsel vm6, v20, v11;
	v9 =	vld [tilespmem:s0+$0x10];
	v12 =	vsel vm0, v21, v12;
	v22 =	vmovc v24  }
0x1b8: {  	v13 =	vsel vm2, s1, v13;
	v15 =	vsel vm3, s1, v15;
	v14 =	vsel vm1, s1, v14;
	v20 =	vld [tilespmem:s0+$0x20]  }
0x1b9: {  	s31 =	sadd.s32 $0x1, s31;
	v17 =	vsel vm4, s1, v17;
	v18 =	vsel vm5, s1, v18;
	v19 =	vsel vm6, s1, v19;
	v21 =	vld [tilespmem:s0+$0x30];
	s0 =	sadd.s32 $0x80, s0;
	v23 =	vmovc v25  }
0x1ba: {  	_ =	swait.ge [sflag:s25], $0x8000  }
0x1bb: {  	[sflag:s25] =	ssyncset.done $0x0  }
0x1bc: {  	s0 =	simm.s32 $0x8040;
	[sflag:s25] =	ssyncadd.s32 $0xFFFF8000  }
0x1bd: {  	vm1 =	vlt.f32 v22, v3;
	vm2 =	vlt.f32 v1, v4;
	v0 =	vsel vm0, s1, v0;
	v24 =	vld [tilespmem:s0+$0xFFFFFFC0]  }
0x1be: {  	vm0 =	vlt.f32 v23, v6;
	v3 =	vsel vm1, v22, v3;
	v5 =	vsel vm1, s30, v5;
	v26 =	vld [tilespmem:s0+$0xFFFFFFD0]  }
0x1bf: {  	v25 =	vsel vm2, v1, v4;
	vm1 =	vlt.f32 v2, v7;
	vm3 =	vlt.f32 v16, v8;
	v27 =	vld [tilespmem:s0+$0xFFFFFFE0]  }
0x1c0: {  	v6 =	vsel vm0, v23, v6;
	v31 =	vsel vm2, s30, v13;
	v8 =	vsel vm3, v16, v8;
	v16 =	vld [tilespmem:s0+$0xFFFFFFF0]  }
0x1c1: {  	v32 =	vsel vm0, s30, v14;
	v28 =	vsel vm1, v2, v7;
	vm4 =	vlt.f32 v9, v10;
	v29 =	vld [tilespmem:s0+$0x0]  }
0x1c2: {  	v15 =	vsel vm1, s30, v15;
	v17 =	vsel vm3, s30, v17;
	vm5 =	vlt.f32 v20, v11;
	v14 =	vld [tilespmem:s0+$0x20]  }
0x1c3: {  	v30 =	vsel vm4, v9, v10;
	v33 =	vsel vm4, s30, v18;
	v18 =	vld [tilespmem:s0+$0x30];
	vm6 =	vlt.f32 v21, v12  }
0x1c4: {  	v20 =	vsel vm5, v20, v11;
	v34 =	vsel vm5, s30, v19;
	v21 =	vsel vm6, v21, v12;
	v12 =	vld [tilespmem:s0+$0x10];
	s0 =	simm.s32 $0x80C0  }
0x1c5: {  	v0 =	vsel vm6, s30, v0;
	v22 =	vld [tilespmem:s0+$0xFFFFFFC0];
	vm0 =	vlt.f32 v24, v3;
	vm1 =	vlt.f32 v26, v25  }
0x1c6: {  	s30 =	simm.s32 $0xF00;
	v1 =	vld [tilespmem:s0+$0xFFFFFFD0];
	vm2 =	vlt.f32 v27, v6;
	vm3 =	vlt.f32 v16, v28;
	vm13 =	vlt.f32 v29, v8  }
0x1c7: {  	v23 =	vld [tilespmem:s0+$0xFFFFFFE0];
	vm15 =	vlt.f32 v14, v20;
	v4 =	vsel vm0, v24, v3;
	v2 =	vsel vm0, s30, v5  }
0x1c8: {  	v7 =	vld [tilespmem:s0+$0xFFFFFFF0];
	v5 =	vsel vm1, v26, v25;
	v13 =	vsel vm2, v27, v6;
	v9 =	vsel vm3, v16, v28  }
0x1c9: {  	v10 =	vld [tilespmem:s0+$0x0];
	v6 =	vsel vm13, v29, v8;
	vm0 =	vlt.f32 v18, v21;
	v8 =	vsel vm15, v14, v20  }
0x1ca: {  	v11 =	vld [tilespmem:s0+$0x10];
	v19 =	vsel vm2, s30, v32;
	v16 =	vsel vm3, s30, v15;
	v20 =	vsel vm13, s30, v17  }
0x1cb: {  	v14 =	vld [tilespmem:s0+$0x20];
	v15 =	vsel vm15, s30, v34;
	vm14 =	vlt.f32 v12, v30;
	v3 =	vsel vm0, v18, v21  }
0x1cc: {  	s1 =	simm.s32 $0xF01;
	s31 =	simm.s32 $0xF02;
	v21 =	vsel vm1, s30, v31;
	v18 =	vld [tilespmem:s0+$0x30];
	s0 =	simm.s32 $0x8140;
	v12 =	vsel vm14, v12, v30;
	v17 =	vsel vm14, s30, v33  }
.LBB2_32:
0x1cd: {  	v24 =	vld [tilespmem:s0+$0xFFFFFFC0];
	p0 =	sne.s32 s31, $0xFFF;
	vm1 =	vlt.f32 v22, v4;
	vm2 =	vlt.f32 v1, v5;
	v0 =	vsel vm0, s30, v0;
	s30 =	smov.u32 s1;
	s1 =	smov.u32 s31  }
0x1ce: {  	v4 =	vsel vm1, v22, v4;
	v2 =	vsel vm1, s30, v2;
	v5 =	vsel vm2, v1, v5;
	v1 =	vld [tilespmem:s0+$0xFFFFFFD0]  }
0x1cf: {  	vm3 =	vlt.f32 v7, v9;
	vm1 =	vlt.f32 v23, v13;
	vm4 =	vlt.f32 v10, v6;
	v25 =	vld [tilespmem:s0+$0xFFFFFFE0]  }
.Ltmp15:
0x1d0: {  	v9 =	vsel vm3, v7, v9;
	v13 =	vsel vm1, v23, v13;
	v6 =	vsel vm4, v10, v6;
	v7 =	vld [tilespmem:s0+$0xFFFFFFF0];
	(pc) =	sbr.rel @p0 .LBB2_32-.Ltmp15, $4  }
0x1d1: {  	vm5 =	vlt.f32 v11, v12;
	vm6 =	vlt.f32 v14, v8;
	v10 =	vld [tilespmem:s0+$0x0];
	vm0 =	vlt.f32 v18, v3  }
0x1d2: {  	v12 =	vsel vm5, v11, v12;
	v8 =	vsel vm6, v14, v8;
	v11 =	vld [tilespmem:s0+$0x10];
	v3 =	vsel vm0, v18, v3;
	v22 =	vmovc v24  }
0x1d3: {  	v21 =	vsel vm2, s30, v21;
	v16 =	vsel vm3, s30, v16;
	v19 =	vsel vm1, s30, v19;
	v14 =	vld [tilespmem:s0+$0x20]  }
0x1d4: {  	s31 =	sadd.s32 $0x1, s31;
	v20 =	vsel vm4, s30, v20;
	v17 =	vsel vm5, s30, v17;
	v15 =	vsel vm6, s30, v15;
	v18 =	vld [tilespmem:s0+$0x30];
	s0 =	sadd.s32 $0x80, s0;
	v23 =	vmovc v25  }
0x1d5: {  	vm1 =	vlt.f32 v22, v4  }
0x1d6: {  	vm2 =	vlt.f32 v1, v5;
	v57 =	vsel vm1, s1, v2  }
0x1d7: {  	vm10 =	vlt.f32 v23, v13;
	v58 =	vsel vm2, s1, v21;
	[tilespmem:$0x10000] =	vst v57  }
0x1d8: {  	vm11 =	vlt.f32 v7, v9;
	v59 =	vsel vm10, s1, v19;
	[tilespmem:$0x10010] =	vst v58  }
0x1d9: {  	vm12 =	vlt.f32 v10, v6;
	v60 =	vsel vm11, s1, v16;
	[tilespmem:$0x10020] =	vst v59  }
0x1da: {  	vm13 =	vlt.f32 v11, v12;
	v61 =	vsel vm12, s1, v20;
	[tilespmem:$0x10030] =	vst v60  }
0x1db: {  	vm14 =	vlt.f32 v14, v8;
	v62 =	vsel vm13, s1, v17;
	[tilespmem:$0x10040] =	vst v61  }
0x1dc: {  	v0 =	vsel vm0, s30, v0;
	s29 =	sadd.s32 $0x1, s29;
	vm15 =	vlt.f32 v18, v3;
	v63 =	vsel vm14, s1, v15;
	[tilespmem:$0x10050] =	vst v62  }
0x1dd: {  	p0 =	sne.s32 s29, s20;
	v0 =	vsel vm15, s1, v0;
	[tilespmem:$0x10060] =	vst v63  }
.Ltmp16:
0x1de: {  	[tilespmem:$0x10070] =	vst v0;
	(pc) =	sbr.rel @p0 .LBB2_1-.Ltmp16, $4  }
0x1df: {  	[hbm4b:s19+s2] =	stream.linear.scatter [tilespmem:s26], [sflag:$0x3], $0x80, $0x38;
	[tilespmem:$0x10080] =	vst v63  }
0x1e0: {  	_ =	swait.ge [sflag:s28], $0x80  }
0x1e1: {  	[sflag:s28] =	ssyncset.done $0x0  }
0x1e2: {  	[sflag:s28] =	ssyncadd.s32 $0xFFFFFF80  }
0x1e3: {  	_ =	sfence.sel $0x180000  }
0x1e4: {  	[bflag:$0x0] =	sbarrier.arrive $0xFFFF  }
0x1e5: {  	_ =	strace $0x90000047  }
0x1e6: {  	s0 =	stileid.u32;
	[bflag:$0x2] =	sbarrier.arrive $0xFFFF  }
0x1e7: {  	p0 =	sne.s32 s0, $0x0;
	s0 =	rddreg [dreg:$0x2]  }
0x1e8: {  	s0 =	sadd.s32 @!p0 $0x100000, s0  }
0x1e9: {  	[sflag:s0] =	ssyncadd.tile.s32 @!p0 $0x1;
	_ =	shalt  }
.Lfunc_end2:
_tile_overlayer_lowered:
.L_overlay_start_2:
0x1ea: {  	(tag) =	ssettag $0x2  }
0x1eb: {  	s0 =	rddreg [dreg:$0x0];
	s2 =	stileid.u32  }
0x1ec: {  	s1 =	rddreg [dreg:$0x1];
	p0 =	sne.s32 s2, $0x0  }
0x1ed: {  	s3 =	rddreg [dreg:$0x2];
	[bflag:$0x3] =	sbarrier.arrive $0xFFFF;
	s2 =	simm.s32 @!p0 $0x1C03  }
0x1ee: {  	[timem:s3], [sflag:s2] =	dma.local @!p0 [hbm:s0], s1  }
0x1ef: {  	s0 =	simm.s32 @!p0 $0x3  }
0x1f0: {  	_ =	swait.ge @!p0 [sflag:s0], s1  }
0x1f1: {  	s1 =	ssub.s32 @!p0 $0x0, s1;
	[sflag:s0] =	ssyncset.done @!p0 $0x0  }
0x1f2: {  	[sflag:s0] =	ssyncadd.s32 @!p0 s1  }
0x1f3: {  	[bflag:$0x3] =	sbarrier.arrive $0xFFFF  }
0x1f4: {  	_ =	shalt  }

</sc_bundles>
